<compile_context>
chip_gen: v7x
topology: tpu7x:2x2x1
jax: 0.10.2.dev20260603
libtpu: 0.0.44.dev20260713+nightly
codegen_flags: <defaults>
</compile_context>

<pallas_src>
import jax
import jax.numpy as jnp
from jax import lax
from jax.experimental import pallas as pl
from jax.experimental.pallas import tpu as pltpu
from jax.experimental.pallas import tpu_sc as plsc

_N = 10000
_D = 128
_E = 320000
_NC = 2
_NS = 16
_NW = _NC * _NS
_EPW = _E // _NW
_C = 64
_NR = 79
_EPWP = _NR * 128
_EP = _NW * _EPWP
_NP = 10240
_RPT = _NP // _NS

_mesh = plsc.VectorSubcoreMesh(core_axis_name="c", subcore_axis_name="s")


def _agg_body(h_hbm, src_hbm, dst_hbm, zeros_hbm, out_hbm,
              src_v, dst_v, rows_v, agg_sh, gsem0, gsem1):
    cid = lax.axis_index("c")
    sid = lax.axis_index("s")
    wid = sid * _NC + cid
    pltpu.sync_copy(zeros_hbm.at[pl.ds(sid * _RPT, _RPT)],
                    agg_sh.at[pl.ds(sid * _RPT, _RPT)])
    pltpu.sync_copy(src_hbm.at[wid], src_v)
    pltpu.sync_copy(dst_hbm.at[wid], dst_v)
    plsc.subcore_barrier()

    def chunk(j, carry):
        pltpu.async_copy(h_hbm.at[src_v.at[j]], rows_v, gsem0).wait()
        pltpu.sync_copy(rows_v, agg_sh.at[dst_v.at[j]], add=True)
        return carry

    lax.fori_loop(0, _NR, chunk, 0)
    plsc.subcore_barrier()
    pltpu.sync_copy(agg_sh.at[pl.ds(sid * _RPT, _RPT)],
                    out_hbm.at[cid, pl.ds(sid * _RPT, _RPT)])


_agg = pl.kernel(
    _agg_body,
    out_type=jax.ShapeDtypeStruct((_NC, _NP, _D), jnp.float32),
    mesh=_mesh,
    scratch_types=[
        pltpu.VMEM((_NR, 128), jnp.int32),
        pltpu.VMEM((_NR, 128), jnp.int32),
        pltpu.VMEM((128, _D), jnp.float32),
        pltpu.VMEM_SHARED((_NP, _D), jnp.float32),
        pltpu.SemaphoreType.DMA,
        pltpu.SemaphoreType.DMA,
    ],
)


def _deg_body(dst_hbm, ones_hbm, zeros_hbm, out_hbm,
              dst_v, ones_v, deg_sh, ssem0, ssem1):
    cid = lax.axis_index("c")
    sid = lax.axis_index("s")
    wid = sid * _NC + cid
    pltpu.sync_copy(zeros_hbm.at[pl.ds(sid * _RPT, _RPT)],
                    deg_sh.at[pl.ds(sid * _RPT, _RPT)])
    pltpu.sync_copy(dst_hbm.at[wid], dst_v)
    pltpu.sync_copy(ones_hbm, ones_v)
    plsc.subcore_barrier()

    pltpu.async_copy(ones_v, deg_sh.at[dst_v.at[0]], ssem0, add=True)

    def chunk(i, carry):
        j0 = 2 * i
        pltpu.async_copy(ones_v, deg_sh.at[dst_v.at[j0 + 1]], ssem1, add=True)
        pltpu.make_async_copy(ones_v, deg_sh.at[dst_v.at[j0]], ssem0).wait()

        @pl.when(j0 + 2 < _NR)
        def _():
            pltpu.async_copy(ones_v, deg_sh.at[dst_v.at[j0 + 2]], ssem0,
                             add=True)

        pltpu.make_async_copy(ones_v, deg_sh.at[dst_v.at[j0 + 1]], ssem1).wait()
        return carry

    lax.fori_loop(0, _NR // 2, chunk, 0)

    @pl.when((_NR % 2) == 1)
    def _():
        pltpu.make_async_copy(ones_v, deg_sh.at[dst_v.at[_NR - 1]],
                              ssem0).wait()
    plsc.subcore_barrier()
    pltpu.sync_copy(deg_sh.at[pl.ds(sid * _RPT, _RPT)],
                    out_hbm.at[cid, pl.ds(sid * _RPT, _RPT)])


_deg = pl.kernel(
    _deg_body,
    out_type=jax.ShapeDtypeStruct((_NC, _NP, _D), jnp.float32),
    mesh=_mesh,
    scratch_types=[
        pltpu.VMEM((_NR, 128), jnp.int32),
        pltpu.VMEM((128, _D), jnp.float32),
        pltpu.VMEM_SHARED((_NP, _D), jnp.float32),
        pltpu.SemaphoreType.DMA,
        pltpu.SemaphoreType.DMA,
    ],
)


def _dense_body(p_ref, degp_ref, h_ref, wl_ref, wr_ref, bvec_ref, o_ref):
    agg = p_ref[0, :_N] + p_ref[1, :_N]
    deg = degp_ref[0, :_N, 0:1] + degp_ref[1, :_N, 0:1]
    mean = agg / jnp.maximum(deg, 1.0)
    h = h_ref[...]
    t = (jnp.dot(mean, wl_ref[...], preferred_element_type=jnp.float32)
         + jnp.dot(h, wr_ref[...], preferred_element_type=jnp.float32)
         + bvec_ref[0:1, :])
    gamma_v = bvec_ref[1:2, :]
    beta_v = bvec_ref[2:3, :]
    alpha_v = bvec_ref[3:4, :]
    mu = jnp.mean(t, axis=0, keepdims=True)
    o = t - alpha_v * mu
    var = jnp.mean(o * o, axis=0, keepdims=True)
    hn = gamma_v * o / jnp.sqrt(var + 1e-5) + beta_v
    o_ref[...] = jnp.maximum(hn, 0.0)


_dense = pl.pallas_call(
    _dense_body,
    out_shape=jax.ShapeDtypeStruct((_N, _D), jnp.float32),
)


def _heads_body(h_ref, w1_ref, b1_ref, w2_ref, b2_ref,
                w3a, w3b, w3c, w3d, w3e, b3_ref,
                o0, o1, o2, o3, o4):
    h = h_ref[...]
    w3s = (w3a, w3b, w3c, w3d, w3e)
    outs = (o0, o1, o2, o3, o4)
    for i in range(5):
        z = jnp.maximum(
            jnp.dot(h, w1_ref[i], preferred_element_type=jnp.float32)
            + b1_ref[i:i + 1, :], 0.0)
        z = jnp.maximum(
            jnp.dot(z, w2_ref[i], preferred_element_type=jnp.float32)
            + b2_ref[i:i + 1, :], 0.0)
        o = w3s[i][...]
        ncols = o.shape[1]
        outs[i][...] = (jnp.dot(z, o, preferred_element_type=jnp.float32)
                        + b3_ref[i:i + 1, :ncols])


def kernel(x, edge_index, Wl, Wr, bc, gamma, beta, alpha, W1, b1, W2, b2, W3, b3):
    pad = _EP - _E
    src = jnp.concatenate(
        [edge_index[0], jnp.zeros((pad,), jnp.int32)]).reshape(_NW, _NR, 128)
    dst = jnp.concatenate(
        [edge_index[1], jnp.full((pad,), _N, jnp.int32)]).reshape(_NW, _NR, 128)
    zeros = jnp.zeros((_NP, _D), jnp.float32)
    ones = jnp.ones((128, _D), jnp.float32)

    degp = _deg(dst, ones, zeros)

    h = x
    for i in range(5):
        parts = _agg(h, src, dst, zeros)
        bvec = jnp.stack([bc[i], gamma[i], beta[i], alpha[i]])
        h = _dense(parts, degp, h, Wl[i], Wr[i], bvec)

    outs_dims = tuple(w.shape[1] for w in W3)
    b3_pad = jnp.stack([jnp.pad(b, (0, 8 - b.shape[0])) for b in b3])
    heads = pl.pallas_call(
        _heads_body,
        out_shape=tuple(jax.ShapeDtypeStruct((_N, o), jnp.float32)
                        for o in outs_dims),
    )
    return heads(h, W1, b1, W2, b2, *W3, b3_pad)

# --- scband reference (transcript-rebuilt; emitter-appended) ---
"""Pipeline reference for scband-enhanced-gnnmodel-with-mlp-33114197852244 (READ-ONLY COPY).

The authoritative reference and input builder live on the scoring server;
editing this copy changes nothing except your own understanding.
"""

import jax, jax.numpy as jnp
import numpy as np

N = 10000
E = 320000
D = 128
H = 128
M = 256
OUTS = (7, 2, 5, 4, 4)


def setup_inputs(seed: int = 0) -> dict:
    key = jax.random.key(seed)
    ks = jax.random.split(key, 16)
    x = jax.random.normal(ks[0], (N, D), dtype=jnp.float32)
    edge_index = jax.random.randint(ks[1], (2, E), 0, N, dtype=jnp.int32)
    Wl = jax.random.normal(ks[2], (5, D, H), dtype=jnp.float32) * 0.05
    Wr = jax.random.normal(ks[3], (5, D, H), dtype=jnp.float32) * 0.05
    bc = jnp.zeros((5, H), dtype=jnp.float32)
    gamma = jnp.ones((5, H), dtype=jnp.float32)
    beta = jnp.zeros((5, H), dtype=jnp.float32)
    alpha = jnp.ones((5, H), dtype=jnp.float32)
    W1 = jax.random.normal(ks[4], (5, H, M), dtype=jnp.float32) * 0.05
    b1 = jnp.zeros((5, M), dtype=jnp.float32)
    W2 = jax.random.normal(ks[5], (5, M, M // 2), dtype=jnp.float32) * 0.05
    b2 = jnp.zeros((5, M // 2), dtype=jnp.float32)
    W3 = tuple(jax.random.normal(jax.random.fold_in(ks[6], i), (M // 2, o), dtype=jnp.float32) * 0.05 for i, o in enumerate(OUTS))
    b3 = tuple(jnp.zeros((o,), dtype=jnp.float32) for o in OUTS)
    return {"x": x, "edge_index": edge_index, "Wl": Wl, "Wr": Wr, "bc": bc, "gamma": gamma, "beta": beta, "alpha": alpha, "W1": W1, "b1": b1, "W2": W2, "b2": b2, "W3": W3, "b3": b3}


def _sage(h, ei, Wl_i, Wr_i, b_i):
    # PyG SAGEConv with mean aggregation: lin_l(mean_{j->i} x_j) + lin_r(x_i) + bias
    src = ei[0]
    dst = ei[1]
    msg = jnp.take(h, src, axis=0)
    s = jax.ops.segment_sum(msg, dst, num_segments=N)
    deg = jax.ops.segment_sum(jnp.ones((E,), h.dtype), dst, num_segments=N)
    mean = s / jnp.clip(deg, 1.0, None)[:, None]
    return mean @ Wl_i + h @ Wr_i + b_i


def _graphnorm(h, g, b, a):
    # PyG GraphNorm (single graph): (h - alpha*mean) / std * weight + bias
    mu = jnp.mean(h, axis=0)
    out = h - a * mu
    var = jnp.mean(out * out, axis=0)
    return g * out / jnp.sqrt(var + 1e-5) + b


def reference(x, edge_index, Wl, Wr, bc, gamma, beta, alpha, W1, b1, W2, b2, W3, b3):
    h = x
    for i in range(5):
        h = _sage(h, edge_index, Wl[i], Wr[i], bc[i])
        h = _graphnorm(h, gamma[i], beta[i], alpha[i])
        h = jax.nn.relu(h)
        # dropout is identity in eval mode
    outs = []
    for i in range(5):
        z = jax.nn.relu(h @ W1[i] + b1[i])
        z = jax.nn.relu(z @ W2[i] + b2[i])
        outs.append(z @ W3[i] + b3[i])
    return tuple(outs)

if __name__ == "__main__":
    import jax
    _d = setup_inputs()
    print(jax.jit(kernel)(*tuple(_d.values())))

</pallas_src>

<mosaic_0001>
#map = affine_map<(d0, d1) -> (0, 0)>
#map1 = affine_map<(d0, d1) -> (0, 0, 0)>
module attributes {stable_mosaic.version = 14 : i64} {
  func.func @_agg_body(%arg0: i32, %arg1: i32, %arg2: memref<10000x128xf32, #tpu.memory_space<hbm>>, %arg3: memref<32x79x128xi32, #tpu.memory_space<hbm>>, %arg4: memref<32x79x128xi32, #tpu.memory_space<hbm>>, %arg5: memref<10240x128xf32, #tpu.memory_space<hbm>>, %arg6: memref<2x10240x128xf32, #tpu.memory_space<hbm>>, %arg7: memref<79x128xi32, #tpu.memory_space<vmem>>, %arg8: memref<79x128xi32, #tpu.memory_space<vmem>>, %arg9: memref<128x128xf32, #tpu.memory_space<vmem>>, %arg10: memref<10240x128xf32, #tpu.memory_space<vmem_shared>>, %arg11: memref<!tpu.dma_semaphore, #tpu.memory_space<semaphore_mem>>, %arg12: memref<!tpu.dma_semaphore, #tpu.memory_space<semaphore_mem>>) attributes {dimension_semantics = [#tpu.dimension_semantics<core_parallel>, #tpu.dimension_semantics<subcore_parallel>], iteration_bounds = array<i64: 2, 16>, scalar_prefetch = 0 : i64, scratch_operands = 6 : i64, tpu.core_type = #tpu.core_type<sc_vector_subcore>, window_params = [{transform_indices = #map}, {transform_indices = #map1}, {transform_indices = #map1}, {transform_indices = #map}, {transform_indices = #map1}]} {
    %mul3A = arith.constant 2 : i32
    %mul3A_0 = arith.muli %arg1, %mul3A : i32
    %add3A = arith.addi %mul3A_0, %arg0 : i32
    %mul3A_1 = arith.constant 640 : i32
    %mul3A_2 = arith.muli %arg1, %mul3A_1 : i32
    %mul3A_3 = arith.constant 640 : i32
    %mul3A_4 = arith.muli %arg1, %mul3A_3 : i32
    "tpu.region"() ({
      %run_scoped3A = tpu.sem_alloc : memref<!tpu.dma_semaphore, #tpu.memory_space<semaphore_mem>>
      %dma_start3A = arith.constant 0 : i32
      %dma_start3A_15 = tpu.memref_slice %arg10[%mul3A_4, %dma_start3A] : memref<10240x128xf32, #tpu.memory_space<vmem_shared>> -> memref<640x128xf32, #tpu.memory_space<vmem_shared>>
      %dma_start3A_16 = arith.constant 0 : i32
      %dma_start3A_17 = tpu.memref_slice %arg5[%mul3A_2, %dma_start3A_16] : memref<10240x128xf32, #tpu.memory_space<hbm>> -> memref<640x128xf32, #tpu.memory_space<hbm>>
      tpu.enqueue_dma source(%dma_start3A_17 : memref<640x128xf32, #tpu.memory_space<hbm>>) target(%dma_start3A_15 : memref<640x128xf32, #tpu.memory_space<vmem_shared>>) target_semaphore(%run_scoped3A : memref<!tpu.dma_semaphore, #tpu.memory_space<semaphore_mem>>)
      %dma_wait3A = arith.constant 0 : i32
      %dma_wait3A_18 = tpu.memref_slice %arg10[%mul3A_4, %dma_wait3A] : memref<10240x128xf32, #tpu.memory_space<vmem_shared>> -> memref<640x128xf32, #tpu.memory_space<vmem_shared>>
      %dma_wait3A_19 = arith.constant 0 : i32
      %dma_wait3A_20 = tpu.memref_slice %arg5[%mul3A_2, %dma_wait3A_19] : memref<10240x128xf32, #tpu.memory_space<hbm>> -> memref<640x128xf32, #tpu.memory_space<hbm>>
      tpu.wait_dma2 semaphore(%run_scoped3A : memref<!tpu.dma_semaphore, #tpu.memory_space<semaphore_mem>>) src(%dma_wait3A_20 : memref<640x128xf32, #tpu.memory_space<hbm>>) dst(%dma_wait3A_18 : memref<640x128xf32, #tpu.memory_space<vmem_shared>>)
      tpu.yield
    }) : () -> ()
    "tpu.region"() ({
      %run_scoped3A = tpu.sem_alloc : memref<!tpu.dma_semaphore, #tpu.memory_space<semaphore_mem>>
      %dma_start3A = arith.constant 0 : i32
      %dma_start3A_15 = arith.constant 0 : i32
      %dma_start3A_16 = tpu.memref_slice %arg3[%add3A, %dma_start3A, %dma_start3A_15] : memref<32x79x128xi32, #tpu.memory_space<hbm>> -> memref<1x79x128xi32, #tpu.memory_space<hbm>>
      %dma_start3A_17 = tpu.memref_squeeze %dma_start3A_16 : memref<1x79x128xi32, #tpu.memory_space<hbm>> -> memref<79x128xi32, #tpu.memory_space<hbm>>
      %dma_start3A_18 = arith.constant 0 : i32
      %dma_start3A_19 = arith.constant 0 : i32
      %dma_start3A_20 = tpu.memref_slice %arg3[%add3A, %dma_start3A_18, %dma_start3A_19] : memref<32x79x128xi32, #tpu.memory_space<hbm>> -> memref<1x79x128xi32, #tpu.memory_space<hbm>>
      %dma_start3A_21 = tpu.memref_squeeze %dma_start3A_20 : memref<1x79x128xi32, #tpu.memory_space<hbm>> -> memref<79x128xi32, #tpu.memory_space<hbm>>
      tpu.enqueue_dma source(%dma_start3A_21 : memref<79x128xi32, #tpu.memory_space<hbm>>) target(%arg7 : memref<79x128xi32, #tpu.memory_space<vmem>>) target_semaphore(%run_scoped3A : memref<!tpu.dma_semaphore, #tpu.memory_space<semaphore_mem>>)
      %dma_wait3A = arith.constant 0 : i32
      %dma_wait3A_22 = arith.constant 0 : i32
      %dma_wait3A_23 = tpu.memref_slice %arg3[%add3A, %dma_wait3A, %dma_wait3A_22] : memref<32x79x128xi32, #tpu.memory_space<hbm>> -> memref<1x79x128xi32, #tpu.memory_space<hbm>>
      %dma_wait3A_24 = tpu.memref_squeeze %dma_wait3A_23 : memref<1x79x128xi32, #tpu.memory_space<hbm>> -> memref<79x128xi32, #tpu.memory_space<hbm>>
      %dma_wait3A_25 = arith.constant 0 : i32
      %dma_wait3A_26 = arith.constant 0 : i32
      %dma_wait3A_27 = tpu.memref_slice %arg3[%add3A, %dma_wait3A_25, %dma_wait3A_26] : memref<32x79x128xi32, #tpu.memory_space<hbm>> -> memref<1x79x128xi32, #tpu.memory_space<hbm>>
      %dma_wait3A_28 = tpu.memref_squeeze %dma_wait3A_27 : memref<1x79x128xi32, #tpu.memory_space<hbm>> -> memref<79x128xi32, #tpu.memory_space<hbm>>
      tpu.wait_dma2 semaphore(%run_scoped3A : memref<!tpu.dma_semaphore, #tpu.memory_space<semaphore_mem>>) src(%dma_wait3A_28 : memref<79x128xi32, #tpu.memory_space<hbm>>) dst(%arg7 : memref<79x128xi32, #tpu.memory_space<vmem>>)
      tpu.yield
    }) : () -> ()
    "tpu.region"() ({
      %run_scoped3A = tpu.sem_alloc : memref<!tpu.dma_semaphore, #tpu.memory_space<semaphore_mem>>
      %dma_start3A = arith.constant 0 : i32
      %dma_start3A_15 = arith.constant 0 : i32
      %dma_start3A_16 = tpu.memref_slice %arg4[%add3A, %dma_start3A, %dma_start3A_15] : memref<32x79x128xi32, #tpu.memory_space<hbm>> -> memref<1x79x128xi32, #tpu.memory_space<hbm>>
      %dma_start3A_17 = tpu.memref_squeeze %dma_start3A_16 : memref<1x79x128xi32, #tpu.memory_space<hbm>> -> memref<79x128xi32, #tpu.memory_space<hbm>>
      %dma_start3A_18 = arith.constant 0 : i32
      %dma_start3A_19 = arith.constant 0 : i32
      %dma_start3A_20 = tpu.memref_slice %arg4[%add3A, %dma_start3A_18, %dma_start3A_19] : memref<32x79x128xi32, #tpu.memory_space<hbm>> -> memref<1x79x128xi32, #tpu.memory_space<hbm>>
      %dma_start3A_21 = tpu.memref_squeeze %dma_start3A_20 : memref<1x79x128xi32, #tpu.memory_space<hbm>> -> memref<79x128xi32, #tpu.memory_space<hbm>>
      tpu.enqueue_dma source(%dma_start3A_21 : memref<79x128xi32, #tpu.memory_space<hbm>>) target(%arg8 : memref<79x128xi32, #tpu.memory_space<vmem>>) target_semaphore(%run_scoped3A : memref<!tpu.dma_semaphore, #tpu.memory_space<semaphore_mem>>)
      %dma_wait3A = arith.constant 0 : i32
      %dma_wait3A_22 = arith.constant 0 : i32
      %dma_wait3A_23 = tpu.memref_slice %arg4[%add3A, %dma_wait3A, %dma_wait3A_22] : memref<32x79x128xi32, #tpu.memory_space<hbm>> -> memref<1x79x128xi32, #tpu.memory_space<hbm>>
      %dma_wait3A_24 = tpu.memref_squeeze %dma_wait3A_23 : memref<1x79x128xi32, #tpu.memory_space<hbm>> -> memref<79x128xi32, #tpu.memory_space<hbm>>
      %dma_wait3A_25 = arith.constant 0 : i32
      %dma_wait3A_26 = arith.constant 0 : i32
      %dma_wait3A_27 = tpu.memref_slice %arg4[%add3A, %dma_wait3A_25, %dma_wait3A_26] : memref<32x79x128xi32, #tpu.memory_space<hbm>> -> memref<1x79x128xi32, #tpu.memory_space<hbm>>
      %dma_wait3A_28 = tpu.memref_squeeze %dma_wait3A_27 : memref<1x79x128xi32, #tpu.memory_space<hbm>> -> memref<79x128xi32, #tpu.memory_space<hbm>>
      tpu.wait_dma2 semaphore(%run_scoped3A : memref<!tpu.dma_semaphore, #tpu.memory_space<semaphore_mem>>) src(%dma_wait3A_28 : memref<79x128xi32, #tpu.memory_space<hbm>>) dst(%arg8 : memref<79x128xi32, #tpu.memory_space<vmem>>)
      tpu.yield
    }) : () -> ()
    %barrier3A = arith.constant 0 : index
    tpu.barrier barrier_id(%barrier3A)
    %scan3A = arith.constant 0 : i32
    %scan3A_5 = arith.constant 0 : i32
    %scan3A_6 = arith.constant 79 : i32
    %scan3A_7 = arith.addi %scan3A_5, %scan3A_6 : i32
    %scan3A_8 = arith.constant 1 : i32
    scf.for %scan3A_15 = %scan3A_5 to %scan3A_7 step %scan3A_8  : i32 {
      %dma_start3A = arith.constant 0 : i32
      %dma_start3A_16 = tpu.memref_slice %arg7[%scan3A_15, %dma_start3A] : memref<79x128xi32, #tpu.memory_space<vmem>> -> memref<1x128xi32, #tpu.memory_space<vmem>>
      %dma_start3A_17 = tpu.memref_squeeze %dma_start3A_16 : memref<1x128xi32, #tpu.memory_space<vmem>> -> memref<128xi32, #tpu.memory_space<vmem>>
      %dma_start3A_18 = arith.constant 0 : i32
      %dma_start3A_19 = arith.constant 0 : i32
      %dma_start3A_20 = tpu.memref_slice %arg2[%dma_start3A_18, %dma_start3A_19] : memref<10000x128xf32, #tpu.memory_space<hbm>> -> memref<10000x128xf32, #tpu.memory_space<hbm>>
      tpu.enqueue_indirect_dma source(%dma_start3A_20 : memref<10000x128xf32, #tpu.memory_space<hbm>>) target(%arg9 : memref<128x128xf32, #tpu.memory_space<vmem>>) offsets(%dma_start3A_17 : memref<128xi32, #tpu.memory_space<vmem>>) semaphore(%arg11 : memref<!tpu.dma_semaphore, #tpu.memory_space<semaphore_mem>>)
      %dma_wait3A = arith.constant 0 : i32
      %dma_wait3A_21 = tpu.memref_slice %arg7[%scan3A_15, %dma_wait3A] : memref<79x128xi32, #tpu.memory_space<vmem>> -> memref<1x128xi32, #tpu.memory_space<vmem>>
      %dma_wait3A_22 = tpu.memref_squeeze %dma_wait3A_21 : memref<1x128xi32, #tpu.memory_space<vmem>> -> memref<128xi32, #tpu.memory_space<vmem>>
      %dma_wait3A_23 = arith.constant 0 : i32
      %dma_wait3A_24 = arith.constant 0 : i32
      %dma_wait3A_25 = tpu.memref_slice %arg2[%dma_wait3A_23, %dma_wait3A_24] : memref<10000x128xf32, #tpu.memory_space<hbm>> -> memref<10000x128xf32, #tpu.memory_space<hbm>>
      tpu.wait_indirect_dma semaphore(%arg11 : memref<!tpu.dma_semaphore, #tpu.memory_space<semaphore_mem>>) src(%dma_wait3A_25 : memref<10000x128xf32, #tpu.memory_space<hbm>>) dst(%arg9 : memref<128x128xf32, #tpu.memory_space<vmem>>)
      "tpu.region"() ({
        %run_scoped3A = tpu.sem_alloc : memref<!tpu.dma_semaphore, #tpu.memory_space<semaphore_mem>>
        %dma_start3A_26 = arith.constant 0 : i32
        %dma_start3A_27 = tpu.memref_slice %arg8[%scan3A_15, %dma_start3A_26] : memref<79x128xi32, #tpu.memory_space<vmem>> -> memref<1x128xi32, #tpu.memory_space<vmem>>
        %dma_start3A_28 = tpu.memref_squeeze %dma_start3A_27 : memref<1x128xi32, #tpu.memory_space<vmem>> -> memref<128xi32, #tpu.memory_space<vmem>>
        %dma_start3A_29 = arith.constant 0 : i32
        %dma_start3A_30 = arith.constant 0 : i32
        %dma_start3A_31 = tpu.memref_slice %arg10[%dma_start3A_29, %dma_start3A_30] : memref<10240x128xf32, #tpu.memory_space<vmem_shared>> -> memref<10240x128xf32, #tpu.memory_space<vmem_shared>>
        tpu.enqueue_indirect_dma source(%arg9 : memref<128x128xf32, #tpu.memory_space<vmem>>) target(%dma_start3A_31 : memref<10240x128xf32, #tpu.memory_space<vmem_shared>>) offsets(%dma_start3A_28 : memref<128xi32, #tpu.memory_space<vmem>>) semaphore(%run_scoped3A : memref<!tpu.dma_semaphore, #tpu.memory_space<semaphore_mem>>) {add = true}
        %dma_wait3A_32 = arith.constant 0 : i32
        %dma_wait3A_33 = tpu.memref_slice %arg8[%scan3A_15, %dma_wait3A_32] : memref<79x128xi32, #tpu.memory_space<vmem>> -> memref<1x128xi32, #tpu.memory_space<vmem>>
        %dma_wait3A_34 = tpu.memref_squeeze %dma_wait3A_33 : memref<1x128xi32, #tpu.memory_space<vmem>> -> memref<128xi32, #tpu.memory_space<vmem>>
        %dma_wait3A_35 = arith.constant 0 : i32
        %dma_wait3A_36 = arith.constant 0 : i32
        %dma_wait3A_37 = tpu.memref_slice %arg10[%dma_wait3A_35, %dma_wait3A_36] : memref<10240x128xf32, #tpu.memory_space<vmem_shared>> -> memref<10240x128xf32, #tpu.memory_space<vmem_shared>>
        tpu.wait_indirect_dma semaphore(%run_scoped3A : memref<!tpu.dma_semaphore, #tpu.memory_space<semaphore_mem>>) src(%arg9 : memref<128x128xf32, #tpu.memory_space<vmem>>) dst(%dma_wait3A_37 : memref<10240x128xf32, #tpu.memory_space<vmem_shared>>)
        tpu.yield
      }) : () -> ()
    }
    %scan3A_9 = arith.constant 79 : i32
    %barrier3A_10 = arith.constant 0 : index
    tpu.barrier barrier_id(%barrier3A_10)
    %mul3A_11 = arith.constant 640 : i32
    %mul3A_12 = arith.muli %arg1, %mul3A_11 : i32
    %mul3A_13 = arith.constant 640 : i32
    %mul3A_14 = arith.muli %arg1, %mul3A_13 : i32
    "tpu.region"() ({
      %run_scoped3A = tpu.sem_alloc : memref<!tpu.dma_semaphore, #tpu.memory_space<semaphore_mem>>
      %dma_start3A = arith.constant 0 : i32
      %dma_start3A_15 = tpu.memref_slice %arg6[%arg0, %mul3A_14, %dma_start3A] : memref<2x10240x128xf32, #tpu.memory_space<hbm>> -> memref<1x640x128xf32, #tpu.memory_space<hbm>>
      %dma_start3A_16 = tpu.memref_squeeze %dma_start3A_15 : memref<1x640x128xf32, #tpu.memory_space<hbm>> -> memref<640x128xf32, #tpu.memory_space<hbm>>
      %dma_start3A_17 = arith.constant 0 : i32
      %dma_start3A_18 = tpu.memref_slice %arg10[%mul3A_12, %dma_start3A_17] : memref<10240x128xf32, #tpu.memory_space<vmem_shared>> -> memref<640x128xf32, #tpu.memory_space<vmem_shared>>
      tpu.enqueue_dma source(%dma_start3A_18 : memref<640x128xf32, #tpu.memory_space<vmem_shared>>) target(%dma_start3A_16 : memref<640x128xf32, #tpu.memory_space<hbm>>) target_semaphore(%run_scoped3A : memref<!tpu.dma_semaphore, #tpu.memory_space<semaphore_mem>>)
      %dma_wait3A = arith.constant 0 : i32
      %dma_wait3A_19 = tpu.memref_slice %arg6[%arg0, %mul3A_14, %dma_wait3A] : memref<2x10240x128xf32, #tpu.memory_space<hbm>> -> memref<1x640x128xf32, #tpu.memory_space<hbm>>
      %dma_wait3A_20 = tpu.memref_squeeze %dma_wait3A_19 : memref<1x640x128xf32, #tpu.memory_space<hbm>> -> memref<640x128xf32, #tpu.memory_space<hbm>>
      %dma_wait3A_21 = arith.constant 0 : i32
      %dma_wait3A_22 = tpu.memref_slice %arg10[%mul3A_12, %dma_wait3A_21] : memref<10240x128xf32, #tpu.memory_space<vmem_shared>> -> memref<640x128xf32, #tpu.memory_space<vmem_shared>>
      tpu.wait_dma2 semaphore(%run_scoped3A : memref<!tpu.dma_semaphore, #tpu.memory_space<semaphore_mem>>) src(%dma_wait3A_22 : memref<640x128xf32, #tpu.memory_space<vmem_shared>>) dst(%dma_wait3A_20 : memref<640x128xf32, #tpu.memory_space<hbm>>)
      tpu.yield
    }) : () -> ()
    return
  }
}

#map = affine_map<(d0, d1) -> (0, 0)>
#map1 = affine_map<(d0, d1) -> (0, 0, 0)>
module attributes {stable_mosaic.version = 14 : i64} {
  func.func @_agg_body(%arg0: i32, %arg1: i32, %arg2: memref<10000x128xf32, #tpu.memory_space<hbm>>, %arg3: memref<32x79x128xi32, #tpu.memory_space<hbm>>, %arg4: memref<32x79x128xi32, #tpu.memory_space<hbm>>, %arg5: memref<10240x128xf32, #tpu.memory_space<hbm>>, %arg6: memref<2x10240x128xf32, #tpu.memory_space<hbm>>, %arg7: memref<79x128xi32, #tpu.memory_space<vmem>>, %arg8: memref<79x128xi32, #tpu.memory_space<vmem>>, %arg9: memref<128x128xf32, #tpu.memory_space<vmem>>, %arg10: memref<10240x128xf32, #tpu.memory_space<vmem_shared>>, %arg11: memref<!tpu.dma_semaphore, #tpu.memory_space<semaphore_mem>>, %arg12: memref<!tpu.dma_semaphore, #tpu.memory_space<semaphore_mem>>) attributes {dimension_semantics = [#tpu.dimension_semantics<core_parallel>, #tpu.dimension_semantics<subcore_parallel>], iteration_bounds = array<i64: 2, 16>, scalar_prefetch = 0 : i64, scratch_operands = 6 : i64, tpu.core_type = #tpu.core_type<sc_vector_subcore>, window_params = [{transform_indices = #map}, {transform_indices = #map1}, {transform_indices = #map1}, {transform_indices = #map}, {transform_indices = #map1}]} {
    %mul3A = arith.constant 2 : i32
    %mul3A_0 = arith.muli %arg1, %mul3A : i32
    %add3A = arith.addi %mul3A_0, %arg0 : i32
    %mul3A_1 = arith.constant 640 : i32
    %mul3A_2 = arith.muli %arg1, %mul3A_1 : i32
    %mul3A_3 = arith.constant 640 : i32
    %mul3A_4 = arith.muli %arg1, %mul3A_3 : i32
    "tpu.region"() ({
      %run_scoped3A = tpu.sem_alloc : memref<!tpu.dma_semaphore, #tpu.memory_space<semaphore_mem>>
      %dma_start3A = arith.constant 0 : i32
      %dma_start3A_15 = tpu.memref_slice %arg10[%mul3A_4, %dma_start3A] : memref<10240x128xf32, #tpu.memory_space<vmem_shared>> -> memref<640x128xf32, #tpu.memory_space<vmem_shared>>
      %dma_start3A_16 = arith.constant 0 : i32
      %dma_start3A_17 = tpu.memref_slice %arg5[%mul3A_2, %dma_start3A_16] : memref<10240x128xf32, #tpu.memory_space<hbm>> -> memref<640x128xf32, #tpu.memory_space<hbm>>
      tpu.enqueue_dma source(%dma_start3A_17 : memref<640x128xf32, #tpu.memory_space<hbm>>) target(%dma_start3A_15 : memref<640x128xf32, #tpu.memory_space<vmem_shared>>) target_semaphore(%run_scoped3A : memref<!tpu.dma_semaphore, #tpu.memory_space<semaphore_mem>>)
      %dma_wait3A = arith.constant 0 : i32
      %dma_wait3A_18 = tpu.memref_slice %arg10[%mul3A_4, %dma_wait3A] : memref<10240x128xf32, #tpu.memory_space<vmem_shared>> -> memref<640x128xf32, #tpu.memory_space<vmem_shared>>
      %dma_wait3A_19 = arith.constant 0 : i32
      %dma_wait3A_20 = tpu.memref_slice %arg5[%mul3A_2, %dma_wait3A_19] : memref<10240x128xf32, #tpu.memory_space<hbm>> -> memref<640x128xf32, #tpu.memory_space<hbm>>
      tpu.wait_dma2 semaphore(%run_scoped3A : memref<!tpu.dma_semaphore, #tpu.memory_space<semaphore_mem>>) src(%dma_wait3A_20 : memref<640x128xf32, #tpu.memory_space<hbm>>) dst(%dma_wait3A_18 : memref<640x128xf32, #tpu.memory_space<vmem_shared>>)
      tpu.yield
    }) : () -> ()
    "tpu.region"() ({
      %run_scoped3A = tpu.sem_alloc : memref<!tpu.dma_semaphore, #tpu.memory_space<semaphore_mem>>
      %dma_start3A = arith.constant 0 : i32
      %dma_start3A_15 = arith.constant 0 : i32
      %dma_start3A_16 = tpu.memref_slice %arg3[%add3A, %dma_start3A, %dma_start3A_15] : memref<32x79x128xi32, #tpu.memory_space<hbm>> -> memref<1x79x128xi32, #tpu.memory_space<hbm>>
      %dma_start3A_17 = tpu.memref_squeeze %dma_start3A_16 : memref<1x79x128xi32, #tpu.memory_space<hbm>> -> memref<79x128xi32, #tpu.memory_space<hbm>>
      %dma_start3A_18 = arith.constant 0 : i32
      %dma_start3A_19 = arith.constant 0 : i32
      %dma_start3A_20 = tpu.memref_slice %arg3[%add3A, %dma_start3A_18, %dma_start3A_19] : memref<32x79x128xi32, #tpu.memory_space<hbm>> -> memref<1x79x128xi32, #tpu.memory_space<hbm>>
      %dma_start3A_21 = tpu.memref_squeeze %dma_start3A_20 : memref<1x79x128xi32, #tpu.memory_space<hbm>> -> memref<79x128xi32, #tpu.memory_space<hbm>>
      tpu.enqueue_dma source(%dma_start3A_21 : memref<79x128xi32, #tpu.memory_space<hbm>>) target(%arg7 : memref<79x128xi32, #tpu.memory_space<vmem>>) target_semaphore(%run_scoped3A : memref<!tpu.dma_semaphore, #tpu.memory_space<semaphore_mem>>)
      %dma_wait3A = arith.constant 0 : i32
      %dma_wait3A_22 = arith.constant 0 : i32
      %dma_wait3A_23 = tpu.memref_slice %arg3[%add3A, %dma_wait3A, %dma_wait3A_22] : memref<32x79x128xi32, #tpu.memory_space<hbm>> -> memref<1x79x128xi32, #tpu.memory_space<hbm>>
      %dma_wait3A_24 = tpu.memref_squeeze %dma_wait3A_23 : memref<1x79x128xi32, #tpu.memory_space<hbm>> -> memref<79x128xi32, #tpu.memory_space<hbm>>
      %dma_wait3A_25 = arith.constant 0 : i32
      %dma_wait3A_26 = arith.constant 0 : i32
      %dma_wait3A_27 = tpu.memref_slice %arg3[%add3A, %dma_wait3A_25, %dma_wait3A_26] : memref<32x79x128xi32, #tpu.memory_space<hbm>> -> memref<1x79x128xi32, #tpu.memory_space<hbm>>
      %dma_wait3A_28 = tpu.memref_squeeze %dma_wait3A_27 : memref<1x79x128xi32, #tpu.memory_space<hbm>> -> memref<79x128xi32, #tpu.memory_space<hbm>>
      tpu.wait_dma2 semaphore(%run_scoped3A : memref<!tpu.dma_semaphore, #tpu.memory_space<semaphore_mem>>) src(%dma_wait3A_28 : memref<79x128xi32, #tpu.memory_space<hbm>>) dst(%arg7 : memref<79x128xi32, #tpu.memory_space<vmem>>)
      tpu.yield
    }) : () -> ()
    "tpu.region"() ({
      %run_scoped3A = tpu.sem_alloc : memref<!tpu.dma_semaphore, #tpu.memory_space<semaphore_mem>>
      %dma_start3A = arith.constant 0 : i32
      %dma_start3A_15 = arith.constant 0 : i32
      %dma_start3A_16 = tpu.memref_slice %arg4[%add3A, %dma_start3A, %dma_start3A_15] : memref<32x79x128xi32, #tpu.memory_space<hbm>> -> memref<1x79x128xi32, #tpu.memory_space<hbm>>
      %dma_start3A_17 = tpu.memref_squeeze %dma_start3A_16 : memref<1x79x128xi32, #tpu.memory_space<hbm>> -> memref<79x128xi32, #tpu.memory_space<hbm>>
      %dma_start3A_18 = arith.constant 0 : i32
      %dma_start3A_19 = arith.constant 0 : i32
      %dma_start3A_20 = tpu.memref_slice %arg4[%add3A, %dma_start3A_18, %dma_start3A_19] : memref<32x79x128xi32, #tpu.memory_space<hbm>> -> memref<1x79x128xi32, #tpu.memory_space<hbm>>
      %dma_start3A_21 = tpu.memref_squeeze %dma_start3A_20 : memref<1x79x128xi32, #tpu.memory_space<hbm>> -> memref<79x128xi32, #tpu.memory_space<hbm>>
      tpu.enqueue_dma source(%dma_start3A_21 : memref<79x128xi32, #tpu.memory_space<hbm>>) target(%arg8 : memref<79x128xi32, #tpu.memory_space<vmem>>) target_semaphore(%run_scoped3A : memref<!tpu.dma_semaphore, #tpu.memory_space<semaphore_mem>>)
      %dma_wait3A = arith.constant 0 : i32
      %dma_wait3A_22 = arith.constant 0 : i32
      %dma_wait3A_23 = tpu.memref_slice %arg4[%add3A, %dma_wait3A, %dma_wait3A_22] : memref<32x79x128xi32, #tpu.memory_space<hbm>> -> memref<1x79x128xi32, #tpu.memory_space<hbm>>
      %dma_wait3A_24 = tpu.memref_squeeze %dma_wait3A_23 : memref<1x79x128xi32, #tpu.memory_space<hbm>> -> memref<79x128xi32, #tpu.memory_space<hbm>>
      %dma_wait3A_25 = arith.constant 0 : i32
      %dma_wait3A_26 = arith.constant 0 : i32
      %dma_wait3A_27 = tpu.memref_slice %arg4[%add3A, %dma_wait3A_25, %dma_wait3A_26] : memref<32x79x128xi32, #tpu.memory_space<hbm>> -> memref<1x79x128xi32, #tpu.memory_space<hbm>>
      %dma_wait3A_28 = tpu.memref_squeeze %dma_wait3A_27 : memref<1x79x128xi32, #tpu.memory_space<hbm>> -> memref<79x128xi32, #tpu.memory_space<hbm>>
      tpu.wait_dma2 semaphore(%run_scoped3A : memref<!tpu.dma_semaphore, #tpu.memory_space<semaphore_mem>>) src(%dma_wait3A_28 : memref<79x128xi32, #tpu.memory_space<hbm>>) dst(%arg8 : memref<79x128xi32, #tpu.memory_space<vmem>>)
      tpu.yield
    }) : () -> ()
    %barrier3A = arith.constant 0 : index
    tpu.barrier barrier_id(%barrier3A)
    %scan3A = arith.constant 0 : i32
    %scan3A_5 = arith.constant 0 : i32
    %scan3A_6 = arith.constant 79 : i32
    %scan3A_7 = arith.addi %scan3A_5, %scan3A_6 : i32
    %scan3A_8 = arith.constant 1 : i32
    scf.for %scan3A_15 = %scan3A_5 to %scan3A_7 step %scan3A_8  : i32 {
      %dma_start3A = arith.constant 0 : i32
      %dma_start3A_16 = tpu.memref_slice %arg7[%scan3A_15, %dma_start3A] : memref<79x128xi32, #tpu.memory_space<vmem>> -> memref<1x128xi32, #tpu.memory_space<vmem>>
      %dma_start3A_17 = tpu.memref_squeeze %dma_start3A_16 : memref<1x128xi32, #tpu.memory_space<vmem>> -> memref<128xi32, #tpu.memory_space<vmem>>
      %dma_start3A_18 = arith.constant 0 : i32
      %dma_start3A_19 = arith.constant 0 : i32
      %dma_start3A_20 = tpu.memref_slice %arg2[%dma_start3A_18, %dma_start3A_19] : memref<10000x128xf32, #tpu.memory_space<hbm>> -> memref<10000x128xf32, #tpu.memory_space<hbm>>
      tpu.enqueue_indirect_dma source(%dma_start3A_20 : memref<10000x128xf32, #tpu.memory_space<hbm>>) target(%arg9 : memref<128x128xf32, #tpu.memory_space<vmem>>) offsets(%dma_start3A_17 : memref<128xi32, #tpu.memory_space<vmem>>) semaphore(%arg11 : memref<!tpu.dma_semaphore, #tpu.memory_space<semaphore_mem>>)
      %dma_wait3A = arith.constant 0 : i32
      %dma_wait3A_21 = tpu.memref_slice %arg7[%scan3A_15, %dma_wait3A] : memref<79x128xi32, #tpu.memory_space<vmem>> -> memref<1x128xi32, #tpu.memory_space<vmem>>
      %dma_wait3A_22 = tpu.memref_squeeze %dma_wait3A_21 : memref<1x128xi32, #tpu.memory_space<vmem>> -> memref<128xi32, #tpu.memory_space<vmem>>
      %dma_wait3A_23 = arith.constant 0 : i32
      %dma_wait3A_24 = arith.constant 0 : i32
      %dma_wait3A_25 = tpu.memref_slice %arg2[%dma_wait3A_23, %dma_wait3A_24] : memref<10000x128xf32, #tpu.memory_space<hbm>> -> memref<10000x128xf32, #tpu.memory_space<hbm>>
      tpu.wait_indirect_dma semaphore(%arg11 : memref<!tpu.dma_semaphore, #tpu.memory_space<semaphore_mem>>) src(%dma_wait3A_25 : memref<10000x128xf32, #tpu.memory_space<hbm>>) dst(%arg9 : memref<128x128xf32, #tpu.memory_space<vmem>>)
      "tpu.region"() ({
        %run_scoped3A = tpu.sem_alloc : memref<!tpu.dma_semaphore, #tpu.memory_space<semaphore_mem>>
        %dma_start3A_26 = arith.constant 0 : i32
        %dma_start3A_27 = tpu.memref_slice %arg8[%scan3A_15, %dma_start3A_26] : memref<79x128xi32, #tpu.memory_space<vmem>> -> memref<1x128xi32, #tpu.memory_space<vmem>>
        %dma_start3A_28 = tpu.memref_squeeze %dma_start3A_27 : memref<1x128xi32, #tpu.memory_space<vmem>> -> memref<128xi32, #tpu.memory_space<vmem>>
        %dma_start3A_29 = arith.constant 0 : i32
        %dma_start3A_30 = arith.constant 0 : i32
        %dma_start3A_31 = tpu.memref_slice %arg10[%dma_start3A_29, %dma_start3A_30] : memref<10240x128xf32, #tpu.memory_space<vmem_shared>> -> memref<10240x128xf32, #tpu.memory_space<vmem_shared>>
        tpu.enqueue_indirect_dma source(%arg9 : memref<128x128xf32, #tpu.memory_space<vmem>>) target(%dma_start3A_31 : memref<10240x128xf32, #tpu.memory_space<vmem_shared>>) offsets(%dma_start3A_28 : memref<128xi32, #tpu.memory_space<vmem>>) semaphore(%run_scoped3A : memref<!tpu.dma_semaphore, #tpu.memory_space<semaphore_mem>>) {add = true}
        %dma_wait3A_32 = arith.constant 0 : i32
        %dma_wait3A_33 = tpu.memref_slice %arg8[%scan3A_15, %dma_wait3A_32] : memref<79x128xi32, #tpu.memory_space<vmem>> -> memref<1x128xi32, #tpu.memory_space<vmem>>
        %dma_wait3A_34 = tpu.memref_squeeze %dma_wait3A_33 : memref<1x128xi32, #tpu.memory_space<vmem>> -> memref<128xi32, #tpu.memory_space<vmem>>
        %dma_wait3A_35 = arith.constant 0 : i32
        %dma_wait3A_36 = arith.constant 0 : i32
        %dma_wait3A_37 = tpu.memref_slice %arg10[%dma_wait3A_35, %dma_wait3A_36] : memref<10240x128xf32, #tpu.memory_space<vmem_shared>> -> memref<10240x128xf32, #tpu.memory_space<vmem_shared>>
        tpu.wait_indirect_dma semaphore(%run_scoped3A : memref<!tpu.dma_semaphore, #tpu.memory_space<semaphore_mem>>) src(%arg9 : memref<128x128xf32, #tpu.memory_space<vmem>>) dst(%dma_wait3A_37 : memref<10240x128xf32, #tpu.memory_space<vmem_shared>>)
        tpu.yield
      }) : () -> ()
    }
    %scan3A_9 = arith.constant 79 : i32
    %barrier3A_10 = arith.constant 0 : index
    tpu.barrier barrier_id(%barrier3A_10)
    %mul3A_11 = arith.constant 640 : i32
    %mul3A_12 = arith.muli %arg1, %mul3A_11 : i32
    %mul3A_13 = arith.constant 640 : i32
    %mul3A_14 = arith.muli %arg1, %mul3A_13 : i32
    "tpu.region"() ({
      %run_scoped3A = tpu.sem_alloc : memref<!tpu.dma_semaphore, #tpu.memory_space<semaphore_mem>>
      %dma_start3A = arith.constant 0 : i32
      %dma_start3A_15 = tpu.memref_slice %arg6[%arg0, %mul3A_14, %dma_start3A] : memref<2x10240x128xf32, #tpu.memory_space<hbm>> -> memref<1x640x128xf32, #tpu.memory_space<hbm>>
      %dma_start3A_16 = tpu.memref_squeeze %dma_start3A_15 : memref<1x640x128xf32, #tpu.memory_space<hbm>> -> memref<640x128xf32, #tpu.memory_space<hbm>>
      %dma_start3A_17 = arith.constant 0 : i32
      %dma_start3A_18 = tpu.memref_slice %arg10[%mul3A_12, %dma_start3A_17] : memref<10240x128xf32, #tpu.memory_space<vmem_shared>> -> memref<640x128xf32, #tpu.memory_space<vmem_shared>>
      tpu.enqueue_dma source(%dma_start3A_18 : memref<640x128xf32, #tpu.memory_space<vmem_shared>>) target(%dma_start3A_16 : memref<640x128xf32, #tpu.memory_space<hbm>>) target_semaphore(%run_scoped3A : memref<!tpu.dma_semaphore, #tpu.memory_space<semaphore_mem>>)
      %dma_wait3A = arith.constant 0 : i32
      %dma_wait3A_19 = tpu.memref_slice %arg6[%arg0, %mul3A_14, %dma_wait3A] : memref<2x10240x128xf32, #tpu.memory_space<hbm>> -> memref<1x640x128xf32, #tpu.memory_space<hbm>>
      %dma_wait3A_20 = tpu.memref_squeeze %dma_wait3A_19 : memref<1x640x128xf32, #tpu.memory_space<hbm>> -> memref<640x128xf32, #tpu.memory_space<hbm>>
      %dma_wait3A_21 = arith.constant 0 : i32
      %dma_wait3A_22 = tpu.memref_slice %arg10[%mul3A_12, %dma_wait3A_21] : memref<10240x128xf32, #tpu.memory_space<vmem_shared>> -> memref<640x128xf32, #tpu.memory_space<vmem_shared>>
      tpu.wait_dma2 semaphore(%run_scoped3A : memref<!tpu.dma_semaphore, #tpu.memory_space<semaphore_mem>>) src(%dma_wait3A_22 : memref<640x128xf32, #tpu.memory_space<vmem_shared>>) dst(%dma_wait3A_20 : memref<640x128xf32, #tpu.memory_space<hbm>>)
      tpu.yield
    }) : () -> ()
    return
  }
}

#map = affine_map<(d0, d1) -> (0, 0, 0)>
#map1 = affine_map<(d0, d1) -> (0, 0)>
module attributes {stable_mosaic.version = 14 : i64} {
  func.func @_deg_body(%arg0: i32, %arg1: i32, %arg2: memref<32x79x128xi32, #tpu.memory_space<hbm>>, %arg3: memref<128x128xf32, #tpu.memory_space<hbm>>, %arg4: memref<10240x128xf32, #tpu.memory_space<hbm>>, %arg5: memref<2x10240x128xf32, #tpu.memory_space<hbm>>, %arg6: memref<79x128xi32, #tpu.memory_space<vmem>>, %arg7: memref<128x128xf32, #tpu.memory_space<vmem>>, %arg8: memref<10240x128xf32, #tpu.memory_space<vmem_shared>>, %arg9: memref<!tpu.dma_semaphore, #tpu.memory_space<semaphore_mem>>, %arg10: memref<!tpu.dma_semaphore, #tpu.memory_space<semaphore_mem>>) attributes {dimension_semantics = [#tpu.dimension_semantics<core_parallel>, #tpu.dimension_semantics<subcore_parallel>], iteration_bounds = array<i64: 2, 16>, scalar_prefetch = 0 : i64, scratch_operands = 5 : i64, tpu.core_type = #tpu.core_type<sc_vector_subcore>, window_params = [{transform_indices = #map}, {transform_indices = #map1}, {transform_indices = #map1}, {transform_indices = #map}]} {
    %mul3A = arith.constant 2 : i32
    %mul3A_0 = arith.muli %arg1, %mul3A : i32
    %add3A = arith.addi %mul3A_0, %arg0 : i32
    %mul3A_1 = arith.constant 640 : i32
    %mul3A_2 = arith.muli %arg1, %mul3A_1 : i32
    %mul3A_3 = arith.constant 640 : i32
    %mul3A_4 = arith.muli %arg1, %mul3A_3 : i32
    "tpu.region"() ({
      %run_scoped3A = tpu.sem_alloc : memref<!tpu.dma_semaphore, #tpu.memory_space<semaphore_mem>>
      %dma_start3A_27 = arith.constant 0 : i32
      %dma_start3A_28 = tpu.memref_slice %arg8[%mul3A_4, %dma_start3A_27] : memref<10240x128xf32, #tpu.memory_space<vmem_shared>> -> memref<640x128xf32, #tpu.memory_space<vmem_shared>>
      %dma_start3A_29 = arith.constant 0 : i32
      %dma_start3A_30 = tpu.memref_slice %arg4[%mul3A_2, %dma_start3A_29] : memref<10240x128xf32, #tpu.memory_space<hbm>> -> memref<640x128xf32, #tpu.memory_space<hbm>>
      tpu.enqueue_dma source(%dma_start3A_30 : memref<640x128xf32, #tpu.memory_space<hbm>>) target(%dma_start3A_28 : memref<640x128xf32, #tpu.memory_space<vmem_shared>>) target_semaphore(%run_scoped3A : memref<!tpu.dma_semaphore, #tpu.memory_space<semaphore_mem>>)
      %dma_wait3A_31 = arith.constant 0 : i32
      %dma_wait3A_32 = tpu.memref_slice %arg8[%mul3A_4, %dma_wait3A_31] : memref<10240x128xf32, #tpu.memory_space<vmem_shared>> -> memref<640x128xf32, #tpu.memory_space<vmem_shared>>
      %dma_wait3A_33 = arith.constant 0 : i32
      %dma_wait3A_34 = tpu.memref_slice %arg4[%mul3A_2, %dma_wait3A_33] : memref<10240x128xf32, #tpu.memory_space<hbm>> -> memref<640x128xf32, #tpu.memory_space<hbm>>
      tpu.wait_dma2 semaphore(%run_scoped3A : memref<!tpu.dma_semaphore, #tpu.memory_space<semaphore_mem>>) src(%dma_wait3A_34 : memref<640x128xf32, #tpu.memory_space<hbm>>) dst(%dma_wait3A_32 : memref<640x128xf32, #tpu.memory_space<vmem_shared>>)
      tpu.yield
    }) : () -> ()
    "tpu.region"() ({
      %run_scoped3A = tpu.sem_alloc : memref<!tpu.dma_semaphore, #tpu.memory_space<semaphore_mem>>
      %dma_start3A_27 = arith.constant 0 : i32
      %dma_start3A_28 = arith.constant 0 : i32
      %dma_start3A_29 = tpu.memref_slice %arg2[%add3A, %dma_start3A_27, %dma_start3A_28] : memref<32x79x128xi32, #tpu.memory_space<hbm>> -> memref<1x79x128xi32, #tpu.memory_space<hbm>>
      %dma_start3A_30 = tpu.memref_squeeze %dma_start3A_29 : memref<1x79x128xi32, #tpu.memory_space<hbm>> -> memref<79x128xi32, #tpu.memory_space<hbm>>
      %dma_start3A_31 = arith.constant 0 : i32
      %dma_start3A_32 = arith.constant 0 : i32
      %dma_start3A_33 = tpu.memref_slice %arg2[%add3A, %dma_start3A_31, %dma_start3A_32] : memref<32x79x128xi32, #tpu.memory_space<hbm>> -> memref<1x79x128xi32, #tpu.memory_space<hbm>>
      %dma_start3A_34 = tpu.memref_squeeze %dma_start3A_33 : memref<1x79x128xi32, #tpu.memory_space<hbm>> -> memref<79x128xi32, #tpu.memory_space<hbm>>
      tpu.enqueue_dma source(%dma_start3A_34 : memref<79x128xi32, #tpu.memory_space<hbm>>) target(%arg6 : memref<79x128xi32, #tpu.memory_space<vmem>>) target_semaphore(%run_scoped3A : memref<!tpu.dma_semaphore, #tpu.memory_space<semaphore_mem>>)
      %dma_wait3A_35 = arith.constant 0 : i32
      %dma_wait3A_36 = arith.constant 0 : i32
      %dma_wait3A_37 = tpu.memref_slice %arg2[%add3A, %dma_wait3A_35, %dma_wait3A_36] : memref<32x79x128xi32, #tpu.memory_space<hbm>> -> memref<1x79x128xi32, #tpu.memory_space<hbm>>
      %dma_wait3A_38 = tpu.memref_squeeze %dma_wait3A_37 : memref<1x79x128xi32, #tpu.memory_space<hbm>> -> memref<79x128xi32, #tpu.memory_space<hbm>>
      %dma_wait3A_39 = arith.constant 0 : i32
      %dma_wait3A_40 = arith.constant 0 : i32
      %dma_wait3A_41 = tpu.memref_slice %arg2[%add3A, %dma_wait3A_39, %dma_wait3A_40] : memref<32x79x128xi32, #tpu.memory_space<hbm>> -> memref<1x79x128xi32, #tpu.memory_space<hbm>>
      %dma_wait3A_42 = tpu.memref_squeeze %dma_wait3A_41 : memref<1x79x128xi32, #tpu.memory_space<hbm>> -> memref<79x128xi32, #tpu.memory_space<hbm>>
      tpu.wait_dma2 semaphore(%run_scoped3A : memref<!tpu.dma_semaphore, #tpu.memory_space<semaphore_mem>>) src(%dma_wait3A_42 : memref<79x128xi32, #tpu.memory_space<hbm>>) dst(%arg6 : memref<79x128xi32, #tpu.memory_space<vmem>>)
      tpu.yield
    }) : () -> ()
    "tpu.region"() ({
      %run_scoped3A = tpu.sem_alloc : memref<!tpu.dma_semaphore, #tpu.memory_space<semaphore_mem>>
      tpu.enqueue_dma source(%arg3 : memref<128x128xf32, #tpu.memory_space<hbm>>) target(%arg7 : memref<128x128xf32, #tpu.memory_space<vmem>>) target_semaphore(%run_scoped3A : memref<!tpu.dma_semaphore, #tpu.memory_space<semaphore_mem>>)
      tpu.wait_dma2 semaphore(%run_scoped3A : memref<!tpu.dma_semaphore, #tpu.memory_space<semaphore_mem>>) src(%arg3 : memref<128x128xf32, #tpu.memory_space<hbm>>) dst(%arg7 : memref<128x128xf32, #tpu.memory_space<vmem>>)
      tpu.yield
    }) : () -> ()
    %barrier3A = arith.constant 0 : index
    tpu.barrier barrier_id(%barrier3A)
    %dma_start3A = arith.constant 0 : i32
    %dma_start3A_5 = arith.constant 0 : i32
    %dma_start3A_6 = tpu.memref_slice %arg6[%dma_start3A, %dma_start3A_5] : memref<79x128xi32, #tpu.memory_space<vmem>> -> memref<1x128xi32, #tpu.memory_space<vmem>>
    %dma_start3A_7 = tpu.memref_squeeze %dma_start3A_6 : memref<1x128xi32, #tpu.memory_space<vmem>> -> memref<128xi32, #tpu.memory_space<vmem>>
    %dma_start3A_8 = arith.constant 0 : i32
    %dma_start3A_9 = arith.constant 0 : i32
    %dma_start3A_10 = tpu.memref_slice %arg8[%dma_start3A_8, %dma_start3A_9] : memref<10240x128xf32, #tpu.memory_space<vmem_shared>> -> memref<10240x128xf32, #tpu.memory_space<vmem_shared>>
    tpu.enqueue_indirect_dma source(%arg7 : memref<128x128xf32, #tpu.memory_space<vmem>>) target(%dma_start3A_10 : memref<10240x128xf32, #tpu.memory_space<vmem_shared>>) offsets(%dma_start3A_7 : memref<128xi32, #tpu.memory_space<vmem>>) semaphore(%arg9 : memref<!tpu.dma_semaphore, #tpu.memory_space<semaphore_mem>>) {add = true}
    %scan3A = arith.constant 0 : i32
    %scan3A_11 = arith.constant 0 : i32
    %scan3A_12 = arith.constant 39 : i32
    %scan3A_13 = arith.addi %scan3A_11, %scan3A_12 : i32
    %scan3A_14 = arith.constant 1 : i32
    scf.for %scan3A_27 = %scan3A_11 to %scan3A_13 step %scan3A_14  : i32 {
      %mul3A_28 = arith.constant 2 : i32
      %mul3A_29 = arith.muli %mul3A_28, %scan3A_27 : i32
      %add3A_30 = arith.constant 1 : i32
      %add3A_31 = arith.addi %mul3A_29, %add3A_30 : i32
      %dma_start3A_32 = arith.constant 0 : i32
      %dma_start3A_33 = tpu.memref_slice %arg6[%add3A_31, %dma_start3A_32] : memref<79x128xi32, #tpu.memory_space<vmem>> -> memref<1x128xi32, #tpu.memory_space<vmem>>
      %dma_start3A_34 = tpu.memref_squeeze %dma_start3A_33 : memref<1x128xi32, #tpu.memory_space<vmem>> -> memref<128xi32, #tpu.memory_space<vmem>>
      %dma_start3A_35 = arith.constant 0 : i32
      %dma_start3A_36 = arith.constant 0 : i32
      %dma_start3A_37 = tpu.memref_slice %arg8[%dma_start3A_35, %dma_start3A_36] : memref<10240x128xf32, #tpu.memory_space<vmem_shared>> -> memref<10240x128xf32, #tpu.memory_space<vmem_shared>>
      tpu.enqueue_indirect_dma source(%arg7 : memref<128x128xf32, #tpu.memory_space<vmem>>) target(%dma_start3A_37 : memref<10240x128xf32, #tpu.memory_space<vmem_shared>>) offsets(%dma_start3A_34 : memref<128xi32, #tpu.memory_space<vmem>>) semaphore(%arg10 : memref<!tpu.dma_semaphore, #tpu.memory_space<semaphore_mem>>) {add = true}
      %dma_wait3A_38 = arith.constant 0 : i32
      %dma_wait3A_39 = tpu.memref_slice %arg6[%mul3A_29, %dma_wait3A_38] : memref<79x128xi32, #tpu.memory_space<vmem>> -> memref<1x128xi32, #tpu.memory_space<vmem>>
      %dma_wait3A_40 = tpu.memref_squeeze %dma_wait3A_39 : memref<1x128xi32, #tpu.memory_space<vmem>> -> memref<128xi32, #tpu.memory_space<vmem>>
      %dma_wait3A_41 = arith.constant 0 : i32
      %dma_wait3A_42 = arith.constant 0 : i32
      %dma_wait3A_43 = tpu.memref_slice %arg8[%dma_wait3A_41, %dma_wait3A_42] : memref<10240x128xf32, #tpu.memory_space<vmem_shared>> -> memref<10240x128xf32, #tpu.memory_space<vmem_shared>>
      tpu.wait_indirect_dma semaphore(%arg9 : memref<!tpu.dma_semaphore, #tpu.memory_space<semaphore_mem>>) src(%arg7 : memref<128x128xf32, #tpu.memory_space<vmem>>) dst(%dma_wait3A_43 : memref<10240x128xf32, #tpu.memory_space<vmem_shared>>)
      %add3A_44 = arith.constant 2 : i32
      %add3A_45 = arith.addi %mul3A_29, %add3A_44 : i32
      %lt3A = arith.constant 79 : i32
      %lt3A_46 = arith.cmpi slt, %add3A_45, %lt3A : i32
      %convert_element_type3A = arith.extui %lt3A_46 : i1 to i32
      %cond3A = arith.constant 0 : i32
      %cond3A_47 = arith.cmpi ne, %convert_element_type3A, %cond3A : i32
      scf.if %cond3A_47 {
        %add3A_56 = arith.constant 2 : i32
        %add3A_57 = arith.addi %mul3A_29, %add3A_56 : i32
        %dma_start3A_58 = arith.constant 0 : i32
        %dma_start3A_59 = tpu.memref_slice %arg6[%add3A_57, %dma_start3A_58] : memref<79x128xi32, #tpu.memory_space<vmem>> -> memref<1x128xi32, #tpu.memory_space<vmem>>
        %dma_start3A_60 = tpu.memref_squeeze %dma_start3A_59 : memref<1x128xi32, #tpu.memory_space<vmem>> -> memref<128xi32, #tpu.memory_space<vmem>>
        %dma_start3A_61 = arith.constant 0 : i32
        %dma_start3A_62 = arith.constant 0 : i32
        %dma_start3A_63 = tpu.memref_slice %arg8[%dma_start3A_61, %dma_start3A_62] : memref<10240x128xf32, #tpu.memory_space<vmem_shared>> -> memref<10240x128xf32, #tpu.memory_space<vmem_shared>>
        tpu.enqueue_indirect_dma source(%arg7 : memref<128x128xf32, #tpu.memory_space<vmem>>) target(%dma_start3A_63 : memref<10240x128xf32, #tpu.memory_space<vmem_shared>>) offsets(%dma_start3A_60 : memref<128xi32, #tpu.memory_space<vmem>>) semaphore(%arg9 : memref<!tpu.dma_semaphore, #tpu.memory_space<semaphore_mem>>) {add = true}
      } else {
      }
      %add3A_48 = arith.constant 1 : i32
      %add3A_49 = arith.addi %mul3A_29, %add3A_48 : i32
      %dma_wait3A_50 = arith.constant 0 : i32
      %dma_wait3A_51 = tpu.memref_slice %arg6[%add3A_49, %dma_wait3A_50] : memref<79x128xi32, #tpu.memory_space<vmem>> -> memref<1x128xi32, #tpu.memory_space<vmem>>
      %dma_wait3A_52 = tpu.memref_squeeze %dma_wait3A_51 : memref<1x128xi32, #tpu.memory_space<vmem>> -> memref<128xi32, #tpu.memory_space<vmem>>
      %dma_wait3A_53 = arith.constant 0 : i32
      %dma_wait3A_54 = arith.constant 0 : i32
      %dma_wait3A_55 = tpu.memref_slice %arg8[%dma_wait3A_53, %dma_wait3A_54] : memref<10240x128xf32, #tpu.memory_space<vmem_shared>> -> memref<10240x128xf32, #tpu.memory_space<vmem_shared>>
      tpu.wait_indirect_dma semaphore(%arg10 : memref<!tpu.dma_semaphore, #tpu.memory_space<semaphore_mem>>) src(%arg7 : memref<128x128xf32, #tpu.memory_space<vmem>>) dst(%dma_wait3A_55 : memref<10240x128xf32, #tpu.memory_space<vmem_shared>>)
    }
    %scan3A_15 = arith.constant 39 : i32
    %dma_wait3A = arith.constant 78 : i32
    %dma_wait3A_16 = arith.constant 0 : i32
    %dma_wait3A_17 = tpu.memref_slice %arg6[%dma_wait3A, %dma_wait3A_16] : memref<79x128xi32, #tpu.memory_space<vmem>> -> memref<1x128xi32, #tpu.memory_space<vmem>>
    %dma_wait3A_18 = tpu.memref_squeeze %dma_wait3A_17 : memref<1x128xi32, #tpu.memory_space<vmem>> -> memref<128xi32, #tpu.memory_space<vmem>>
    %dma_wait3A_19 = arith.constant 0 : i32
    %dma_wait3A_20 = arith.constant 0 : i32
    %dma_wait3A_21 = tpu.memref_slice %arg8[%dma_wait3A_19, %dma_wait3A_20] : memref<10240x128xf32, #tpu.memory_space<vmem_shared>> -> memref<10240x128xf32, #tpu.memory_space<vmem_shared>>
    tpu.wait_indirect_dma semaphore(%arg9 : memref<!tpu.dma_semaphore, #tpu.memory_space<semaphore_mem>>) src(%arg7 : memref<128x128xf32, #tpu.memory_space<vmem>>) dst(%dma_wait3A_21 : memref<10240x128xf32, #tpu.memory_space<vmem_shared>>)
    %barrier3A_22 = arith.constant 0 : index
    tpu.barrier barrier_id(%barrier3A_22)
    %mul3A_23 = arith.constant 640 : i32
    %mul3A_24 = arith.muli %arg1, %mul3A_23 : i32
    %mul3A_25 = arith.constant 640 : i32
    %mul3A_26 = arith.muli %arg1, %mul3A_25 : i32
    "tpu.region"() ({
      %run_scoped3A = tpu.sem_alloc : memref<!tpu.dma_semaphore, #tpu.memory_space<semaphore_mem>>
      %dma_start3A_27 = arith.constant 0 : i32
      %dma_start3A_28 = tpu.memref_slice %arg5[%arg0, %mul3A_26, %dma_start3A_27] : memref<2x10240x128xf32, #tpu.memory_space<hbm>> -> memref<1x640x128xf32, #tpu.memory_space<hbm>>
      %dma_start3A_29 = tpu.memref_squeeze %dma_start3A_28 : memref<1x640x128xf32, #tpu.memory_space<hbm>> -> memref<640x128xf32, #tpu.memory_space<hbm>>
      %dma_start3A_30 = arith.constant 0 : i32
      %dma_start3A_31 = tpu.memref_slice %arg8[%mul3A_24, %dma_start3A_30] : memref<10240x128xf32, #tpu.memory_space<vmem_shared>> -> memref<640x128xf32, #tpu.memory_space<vmem_shared>>
      tpu.enqueue_dma source(%dma_start3A_31 : memref<640x128xf32, #tpu.memory_space<vmem_shared>>) target(%dma_start3A_29 : memref<640x128xf32, #tpu.memory_space<hbm>>) target_semaphore(%run_scoped3A : memref<!tpu.dma_semaphore, #tpu.memory_space<semaphore_mem>>)
      %dma_wait3A_32 = arith.constant 0 : i32
      %dma_wait3A_33 = tpu.memref_slice %arg5[%arg0, %mul3A_26, %dma_wait3A_32] : memref<2x10240x128xf32, #tpu.memory_space<hbm>> -> memref<1x640x128xf32, #tpu.memory_space<hbm>>
      %dma_wait3A_34 = tpu.memref_squeeze %dma_wait3A_33 : memref<1x640x128xf32, #tpu.memory_space<hbm>> -> memref<640x128xf32, #tpu.memory_space<hbm>>
      %dma_wait3A_35 = arith.constant 0 : i32
      %dma_wait3A_36 = tpu.memref_slice %arg8[%mul3A_24, %dma_wait3A_35] : memref<10240x128xf32, #tpu.memory_space<vmem_shared>> -> memref<640x128xf32, #tpu.memory_space<vmem_shared>>
      tpu.wait_dma2 semaphore(%run_scoped3A : memref<!tpu.dma_semaphore, #tpu.memory_space<semaphore_mem>>) src(%dma_wait3A_36 : memref<640x128xf32, #tpu.memory_space<vmem_shared>>) dst(%dma_wait3A_34 : memref<640x128xf32, #tpu.memory_space<hbm>>)
      tpu.yield
    }) : () -> ()
    return
  }
}

#map = affine_map<(d0, d1) -> (0, 0)>
#map1 = affine_map<(d0, d1) -> (0, 0, 0)>
module attributes {stable_mosaic.version = 14 : i64} {
  func.func @_agg_body(%arg0: i32, %arg1: i32, %arg2: memref<10000x128xf32, #tpu.memory_space<hbm>>, %arg3: memref<32x79x128xi32, #tpu.memory_space<hbm>>, %arg4: memref<32x79x128xi32, #tpu.memory_space<hbm>>, %arg5: memref<10240x128xf32, #tpu.memory_space<hbm>>, %arg6: memref<2x10240x128xf32, #tpu.memory_space<hbm>>, %arg7: memref<79x128xi32, #tpu.memory_space<vmem>>, %arg8: memref<79x128xi32, #tpu.memory_space<vmem>>, %arg9: memref<128x128xf32, #tpu.memory_space<vmem>>, %arg10: memref<10240x128xf32, #tpu.memory_space<vmem_shared>>, %arg11: memref<!tpu.dma_semaphore, #tpu.memory_space<semaphore_mem>>, %arg12: memref<!tpu.dma_semaphore, #tpu.memory_space<semaphore_mem>>) attributes {dimension_semantics = [#tpu.dimension_semantics<core_parallel>, #tpu.dimension_semantics<subcore_parallel>], iteration_bounds = array<i64: 2, 16>, scalar_prefetch = 0 : i64, scratch_operands = 6 : i64, tpu.core_type = #tpu.core_type<sc_vector_subcore>, window_params = [{transform_indices = #map}, {transform_indices = #map1}, {transform_indices = #map1}, {transform_indices = #map}, {transform_indices = #map1}]} {
    %mul3A = arith.constant 2 : i32
    %mul3A_0 = arith.muli %arg1, %mul3A : i32
    %add3A = arith.addi %mul3A_0, %arg0 : i32
    %mul3A_1 = arith.constant 640 : i32
    %mul3A_2 = arith.muli %arg1, %mul3A_1 : i32
    %mul3A_3 = arith.constant 640 : i32
    %mul3A_4 = arith.muli %arg1, %mul3A_3 : i32
    "tpu.region"() ({
      %run_scoped3A = tpu.sem_alloc : memref<!tpu.dma_semaphore, #tpu.memory_space<semaphore_mem>>
      %dma_start3A = arith.constant 0 : i32
      %dma_start3A_15 = tpu.memref_slice %arg10[%mul3A_4, %dma_start3A] : memref<10240x128xf32, #tpu.memory_space<vmem_shared>> -> memref<640x128xf32, #tpu.memory_space<vmem_shared>>
      %dma_start3A_16 = arith.constant 0 : i32
      %dma_start3A_17 = tpu.memref_slice %arg5[%mul3A_2, %dma_start3A_16] : memref<10240x128xf32, #tpu.memory_space<hbm>> -> memref<640x128xf32, #tpu.memory_space<hbm>>
      tpu.enqueue_dma source(%dma_start3A_17 : memref<640x128xf32, #tpu.memory_space<hbm>>) target(%dma_start3A_15 : memref<640x128xf32, #tpu.memory_space<vmem_shared>>) target_semaphore(%run_scoped3A : memref<!tpu.dma_semaphore, #tpu.memory_space<semaphore_mem>>)
      %dma_wait3A = arith.constant 0 : i32
      %dma_wait3A_18 = tpu.memref_slice %arg10[%mul3A_4, %dma_wait3A] : memref<10240x128xf32, #tpu.memory_space<vmem_shared>> -> memref<640x128xf32, #tpu.memory_space<vmem_shared>>
      %dma_wait3A_19 = arith.constant 0 : i32
      %dma_wait3A_20 = tpu.memref_slice %arg5[%mul3A_2, %dma_wait3A_19] : memref<10240x128xf32, #tpu.memory_space<hbm>> -> memref<640x128xf32, #tpu.memory_space<hbm>>
      tpu.wait_dma2 semaphore(%run_scoped3A : memref<!tpu.dma_semaphore, #tpu.memory_space<semaphore_mem>>) src(%dma_wait3A_20 : memref<640x128xf32, #tpu.memory_space<hbm>>) dst(%dma_wait3A_18 : memref<640x128xf32, #tpu.memory_space<vmem_shared>>)
      tpu.yield
    }) : () -> ()
    "tpu.region"() ({
      %run_scoped3A = tpu.sem_alloc : memref<!tpu.dma_semaphore, #tpu.memory_space<semaphore_mem>>
      %dma_start3A = arith.constant 0 : i32
      %dma_start3A_15 = arith.constant 0 : i32
      %dma_start3A_16 = tpu.memref_slice %arg3[%add3A, %dma_start3A, %dma_start3A_15] : memref<32x79x128xi32, #tpu.memory_space<hbm>> -> memref<1x79x128xi32, #tpu.memory_space<hbm>>
      %dma_start3A_17 = tpu.memref_squeeze %dma_start3A_16 : memref<1x79x128xi32, #tpu.memory_space<hbm>> -> memref<79x128xi32, #tpu.memory_space<hbm>>
      %dma_start3A_18 = arith.constant 0 : i32
      %dma_start3A_19 = arith.constant 0 : i32
      %dma_start3A_20 = tpu.memref_slice %arg3[%add3A, %dma_start3A_18, %dma_start3A_19] : memref<32x79x128xi32, #tpu.memory_space<hbm>> -> memref<1x79x128xi32, #tpu.memory_space<hbm>>
      %dma_start3A_21 = tpu.memref_squeeze %dma_start3A_20 : memref<1x79x128xi32, #tpu.memory_space<hbm>> -> memref<79x128xi32, #tpu.memory_space<hbm>>
      tpu.enqueue_dma source(%dma_start3A_21 : memref<79x128xi32, #tpu.memory_space<hbm>>) target(%arg7 : memref<79x128xi32, #tpu.memory_space<vmem>>) target_semaphore(%run_scoped3A : memref<!tpu.dma_semaphore, #tpu.memory_space<semaphore_mem>>)
      %dma_wait3A = arith.constant 0 : i32
      %dma_wait3A_22 = arith.constant 0 : i32
      %dma_wait3A_23 = tpu.memref_slice %arg3[%add3A, %dma_wait3A, %dma_wait3A_22] : memref<32x79x128xi32, #tpu.memory_space<hbm>> -> memref<1x79x128xi32, #tpu.memory_space<hbm>>
      %dma_wait3A_24 = tpu.memref_squeeze %dma_wait3A_23 : memref<1x79x128xi32, #tpu.memory_space<hbm>> -> memref<79x128xi32, #tpu.memory_space<hbm>>
      %dma_wait3A_25 = arith.constant 0 : i32
      %dma_wait3A_26 = arith.constant 0 : i32
      %dma_wait3A_27 = tpu.memref_slice %arg3[%add3A, %dma_wait3A_25, %dma_wait3A_26] : memref<32x79x128xi32, #tpu.memory_space<hbm>> -> memref<1x79x128xi32, #tpu.memory_space<hbm>>
      %dma_wait3A_28 = tpu.memref_squeeze %dma_wait3A_27 : memref<1x79x128xi32, #tpu.memory_space<hbm>> -> memref<79x128xi32, #tpu.memory_space<hbm>>
      tpu.wait_dma2 semaphore(%run_scoped3A : memref<!tpu.dma_semaphore, #tpu.memory_space<semaphore_mem>>) src(%dma_wait3A_28 : memref<79x128xi32, #tpu.memory_space<hbm>>) dst(%arg7 : memref<79x128xi32, #tpu.memory_space<vmem>>)
      tpu.yield
    }) : () -> ()
    "tpu.region"() ({
      %run_scoped3A = tpu.sem_alloc : memref<!tpu.dma_semaphore, #tpu.memory_space<semaphore_mem>>
      %dma_start3A = arith.constant 0 : i32
      %dma_start3A_15 = arith.constant 0 : i32
      %dma_start3A_16 = tpu.memref_slice %arg4[%add3A, %dma_start3A, %dma_start3A_15] : memref<32x79x128xi32, #tpu.memory_space<hbm>> -> memref<1x79x128xi32, #tpu.memory_space<hbm>>
      %dma_start3A_17 = tpu.memref_squeeze %dma_start3A_16 : memref<1x79x128xi32, #tpu.memory_space<hbm>> -> memref<79x128xi32, #tpu.memory_space<hbm>>
      %dma_start3A_18 = arith.constant 0 : i32
      %dma_start3A_19 = arith.constant 0 : i32
      %dma_start3A_20 = tpu.memref_slice %arg4[%add3A, %dma_start3A_18, %dma_start3A_19] : memref<32x79x128xi32, #tpu.memory_space<hbm>> -> memref<1x79x128xi32, #tpu.memory_space<hbm>>
      %dma_start3A_21 = tpu.memref_squeeze %dma_start3A_20 : memref<1x79x128xi32, #tpu.memory_space<hbm>> -> memref<79x128xi32, #tpu.memory_space<hbm>>
      tpu.enqueue_dma source(%dma_start3A_21 : memref<79x128xi32, #tpu.memory_space<hbm>>) target(%arg8 : memref<79x128xi32, #tpu.memory_space<vmem>>) target_semaphore(%run_scoped3A : memref<!tpu.dma_semaphore, #tpu.memory_space<semaphore_mem>>)
      %dma_wait3A = arith.constant 0 : i32
      %dma_wait3A_22 = arith.constant 0 : i32
      %dma_wait3A_23 = tpu.memref_slice %arg4[%add3A, %dma_wait3A, %dma_wait3A_22] : memref<32x79x128xi32, #tpu.memory_space<hbm>> -> memref<1x79x128xi32, #tpu.memory_space<hbm>>
      %dma_wait3A_24 = tpu.memref_squeeze %dma_wait3A_23 : memref<1x79x128xi32, #tpu.memory_space<hbm>> -> memref<79x128xi32, #tpu.memory_space<hbm>>
      %dma_wait3A_25 = arith.constant 0 : i32
      %dma_wait3A_26 = arith.constant 0 : i32
      %dma_wait3A_27 = tpu.memref_slice %arg4[%add3A, %dma_wait3A_25, %dma_wait3A_26] : memref<32x79x128xi32, #tpu.memory_space<hbm>> -> memref<1x79x128xi32, #tpu.memory_space<hbm>>
      %dma_wait3A_28 = tpu.memref_squeeze %dma_wait3A_27 : memref<1x79x128xi32, #tpu.memory_space<hbm>> -> memref<79x128xi32, #tpu.memory_space<hbm>>
      tpu.wait_dma2 semaphore(%run_scoped3A : memref<!tpu.dma_semaphore, #tpu.memory_space<semaphore_mem>>) src(%dma_wait3A_28 : memref<79x128xi32, #tpu.memory_space<hbm>>) dst(%arg8 : memref<79x128xi32, #tpu.memory_space<vmem>>)
      tpu.yield
    }) : () -> ()
    %barrier3A = arith.constant 0 : index
    tpu.barrier barrier_id(%barrier3A)
    %scan3A = arith.constant 0 : i32
    %scan3A_5 = arith.constant 0 : i32
    %scan3A_6 = arith.constant 79 : i32
    %scan3A_7 = arith.addi %scan3A_5, %scan3A_6 : i32
    %scan3A_8 = arith.constant 1 : i32
    scf.for %scan3A_15 = %scan3A_5 to %scan3A_7 step %scan3A_8  : i32 {
      %dma_start3A = arith.constant 0 : i32
      %dma_start3A_16 = tpu.memref_slice %arg7[%scan3A_15, %dma_start3A] : memref<79x128xi32, #tpu.memory_space<vmem>> -> memref<1x128xi32, #tpu.memory_space<vmem>>
      %dma_start3A_17 = tpu.memref_squeeze %dma_start3A_16 : memref<1x128xi32, #tpu.memory_space<vmem>> -> memref<128xi32, #tpu.memory_space<vmem>>
      %dma_start3A_18 = arith.constant 0 : i32
      %dma_start3A_19 = arith.constant 0 : i32
      %dma_start3A_20 = tpu.memref_slice %arg2[%dma_start3A_18, %dma_start3A_19] : memref<10000x128xf32, #tpu.memory_space<hbm>> -> memref<10000x128xf32, #tpu.memory_space<hbm>>
      tpu.enqueue_indirect_dma source(%dma_start3A_20 : memref<10000x128xf32, #tpu.memory_space<hbm>>) target(%arg9 : memref<128x128xf32, #tpu.memory_space<vmem>>) offsets(%dma_start3A_17 : memref<128xi32, #tpu.memory_space<vmem>>) semaphore(%arg11 : memref<!tpu.dma_semaphore, #tpu.memory_space<semaphore_mem>>)
      %dma_wait3A = arith.constant 0 : i32
      %dma_wait3A_21 = tpu.memref_slice %arg7[%scan3A_15, %dma_wait3A] : memref<79x128xi32, #tpu.memory_space<vmem>> -> memref<1x128xi32, #tpu.memory_space<vmem>>
      %dma_wait3A_22 = tpu.memref_squeeze %dma_wait3A_21 : memref<1x128xi32, #tpu.memory_space<vmem>> -> memref<128xi32, #tpu.memory_space<vmem>>
      %dma_wait3A_23 = arith.constant 0 : i32
      %dma_wait3A_24 = arith.constant 0 : i32
      %dma_wait3A_25 = tpu.memref_slice %arg2[%dma_wait3A_23, %dma_wait3A_24] : memref<10000x128xf32, #tpu.memory_space<hbm>> -> memref<10000x128xf32, #tpu.memory_space<hbm>>
      tpu.wait_indirect_dma semaphore(%arg11 : memref<!tpu.dma_semaphore, #tpu.memory_space<semaphore_mem>>) src(%dma_wait3A_25 : memref<10000x128xf32, #tpu.memory_space<hbm>>) dst(%arg9 : memref<128x128xf32, #tpu.memory_space<vmem>>)
      "tpu.region"() ({
        %run_scoped3A = tpu.sem_alloc : memref<!tpu.dma_semaphore, #tpu.memory_space<semaphore_mem>>
        %dma_start3A_26 = arith.constant 0 : i32
        %dma_start3A_27 = tpu.memref_slice %arg8[%scan3A_15, %dma_start3A_26] : memref<79x128xi32, #tpu.memory_space<vmem>> -> memref<1x128xi32, #tpu.memory_space<vmem>>
        %dma_start3A_28 = tpu.memref_squeeze %dma_start3A_27 : memref<1x128xi32, #tpu.memory_space<vmem>> -> memref<128xi32, #tpu.memory_space<vmem>>
        %dma_start3A_29 = arith.constant 0 : i32
        %dma_start3A_30 = arith.constant 0 : i32
        %dma_start3A_31 = tpu.memref_slice %arg10[%dma_start3A_29, %dma_start3A_30] : memref<10240x128xf32, #tpu.memory_space<vmem_shared>> -> memref<10240x128xf32, #tpu.memory_space<vmem_shared>>
        tpu.enqueue_indirect_dma source(%arg9 : memref<128x128xf32, #tpu.memory_space<vmem>>) target(%dma_start3A_31 : memref<10240x128xf32, #tpu.memory_space<vmem_shared>>) offsets(%dma_start3A_28 : memref<128xi32, #tpu.memory_space<vmem>>) semaphore(%run_scoped3A : memref<!tpu.dma_semaphore, #tpu.memory_space<semaphore_mem>>) {add = true}
        %dma_wait3A_32 = arith.constant 0 : i32
        %dma_wait3A_33 = tpu.memref_slice %arg8[%scan3A_15, %dma_wait3A_32] : memref<79x128xi32, #tpu.memory_space<vmem>> -> memref<1x128xi32, #tpu.memory_space<vmem>>
        %dma_wait3A_34 = tpu.memref_squeeze %dma_wait3A_33 : memref<1x128xi32, #tpu.memory_space<vmem>> -> memref<128xi32, #tpu.memory_space<vmem>>
        %dma_wait3A_35 = arith.constant 0 : i32
        %dma_wait3A_36 = arith.constant 0 : i32
        %dma_wait3A_37 = tpu.memref_slice %arg10[%dma_wait3A_35, %dma_wait3A_36] : memref<10240x128xf32, #tpu.memory_space<vmem_shared>> -> memref<10240x128xf32, #tpu.memory_space<vmem_shared>>
        tpu.wait_indirect_dma semaphore(%run_scoped3A : memref<!tpu.dma_semaphore, #tpu.memory_space<semaphore_mem>>) src(%arg9 : memref<128x128xf32, #tpu.memory_space<vmem>>) dst(%dma_wait3A_37 : memref<10240x128xf32, #tpu.memory_space<vmem_shared>>)
        tpu.yield
      }) : () -> ()
    }
    %scan3A_9 = arith.constant 79 : i32
    %barrier3A_10 = arith.constant 0 : index
    tpu.barrier barrier_id(%barrier3A_10)
    %mul3A_11 = arith.constant 640 : i32
    %mul3A_12 = arith.muli %arg1, %mul3A_11 : i32
    %mul3A_13 = arith.constant 640 : i32
    %mul3A_14 = arith.muli %arg1, %mul3A_13 : i32
    "tpu.region"() ({
      %run_scoped3A = tpu.sem_alloc : memref<!tpu.dma_semaphore, #tpu.memory_space<semaphore_mem>>
      %dma_start3A = arith.constant 0 : i32
      %dma_start3A_15 = tpu.memref_slice %arg6[%arg0, %mul3A_14, %dma_start3A] : memref<2x10240x128xf32, #tpu.memory_space<hbm>> -> memref<1x640x128xf32, #tpu.memory_space<hbm>>
      %dma_start3A_16 = tpu.memref_squeeze %dma_start3A_15 : memref<1x640x128xf32, #tpu.memory_space<hbm>> -> memref<640x128xf32, #tpu.memory_space<hbm>>
      %dma_start3A_17 = arith.constant 0 : i32
      %dma_start3A_18 = tpu.memref_slice %arg10[%mul3A_12, %dma_start3A_17] : memref<10240x128xf32, #tpu.memory_space<vmem_shared>> -> memref<640x128xf32, #tpu.memory_space<vmem_shared>>
      tpu.enqueue_dma source(%dma_start3A_18 : memref<640x128xf32, #tpu.memory_space<vmem_shared>>) target(%dma_start3A_16 : memref<640x128xf32, #tpu.memory_space<hbm>>) target_semaphore(%run_scoped3A : memref<!tpu.dma_semaphore, #tpu.memory_space<semaphore_mem>>)
      %dma_wait3A = arith.constant 0 : i32
      %dma_wait3A_19 = tpu.memref_slice %arg6[%arg0, %mul3A_14, %dma_wait3A] : memref<2x10240x128xf32, #tpu.memory_space<hbm>> -> memref<1x640x128xf32, #tpu.memory_space<hbm>>
      %dma_wait3A_20 = tpu.memref_squeeze %dma_wait3A_19 : memref<1x640x128xf32, #tpu.memory_space<hbm>> -> memref<640x128xf32, #tpu.memory_space<hbm>>
      %dma_wait3A_21 = arith.constant 0 : i32
      %dma_wait3A_22 = tpu.memref_slice %arg10[%mul3A_12, %dma_wait3A_21] : memref<10240x128xf32, #tpu.memory_space<vmem_shared>> -> memref<640x128xf32, #tpu.memory_space<vmem_shared>>
      tpu.wait_dma2 semaphore(%run_scoped3A : memref<!tpu.dma_semaphore, #tpu.memory_space<semaphore_mem>>) src(%dma_wait3A_22 : memref<640x128xf32, #tpu.memory_space<vmem_shared>>) dst(%dma_wait3A_20 : memref<640x128xf32, #tpu.memory_space<hbm>>)
      tpu.yield
    }) : () -> ()
    return
  }
}

#map = affine_map<(d0, d1) -> (0, 0)>
#map1 = affine_map<(d0, d1) -> (0, 0, 0)>
module attributes {stable_mosaic.version = 14 : i64} {
  func.func @_agg_body(%arg0: i32, %arg1: i32, %arg2: memref<10000x128xf32, #tpu.memory_space<hbm>>, %arg3: memref<32x79x128xi32, #tpu.memory_space<hbm>>, %arg4: memref<32x79x128xi32, #tpu.memory_space<hbm>>, %arg5: memref<10240x128xf32, #tpu.memory_space<hbm>>, %arg6: memref<2x10240x128xf32, #tpu.memory_space<hbm>>, %arg7: memref<79x128xi32, #tpu.memory_space<vmem>>, %arg8: memref<79x128xi32, #tpu.memory_space<vmem>>, %arg9: memref<128x128xf32, #tpu.memory_space<vmem>>, %arg10: memref<10240x128xf32, #tpu.memory_space<vmem_shared>>, %arg11: memref<!tpu.dma_semaphore, #tpu.memory_space<semaphore_mem>>, %arg12: memref<!tpu.dma_semaphore, #tpu.memory_space<semaphore_mem>>) attributes {dimension_semantics = [#tpu.dimension_semantics<core_parallel>, #tpu.dimension_semantics<subcore_parallel>], iteration_bounds = array<i64: 2, 16>, scalar_prefetch = 0 : i64, scratch_operands = 6 : i64, tpu.core_type = #tpu.core_type<sc_vector_subcore>, window_params = [{transform_indices = #map}, {transform_indices = #map1}, {transform_indices = #map1}, {transform_indices = #map}, {transform_indices = #map1}]} {
    %mul3A = arith.constant 2 : i32
    %mul3A_0 = arith.muli %arg1, %mul3A : i32
    %add3A = arith.addi %mul3A_0, %arg0 : i32
    %mul3A_1 = arith.constant 640 : i32
    %mul3A_2 = arith.muli %arg1, %mul3A_1 : i32
    %mul3A_3 = arith.constant 640 : i32
    %mul3A_4 = arith.muli %arg1, %mul3A_3 : i32
    "tpu.region"() ({
      %run_scoped3A = tpu.sem_alloc : memref<!tpu.dma_semaphore, #tpu.memory_space<semaphore_mem>>
      %dma_start3A = arith.constant 0 : i32
      %dma_start3A_15 = tpu.memref_slice %arg10[%mul3A_4, %dma_start3A] : memref<10240x128xf32, #tpu.memory_space<vmem_shared>> -> memref<640x128xf32, #tpu.memory_space<vmem_shared>>
      %dma_start3A_16 = arith.constant 0 : i32
      %dma_start3A_17 = tpu.memref_slice %arg5[%mul3A_2, %dma_start3A_16] : memref<10240x128xf32, #tpu.memory_space<hbm>> -> memref<640x128xf32, #tpu.memory_space<hbm>>
      tpu.enqueue_dma source(%dma_start3A_17 : memref<640x128xf32, #tpu.memory_space<hbm>>) target(%dma_start3A_15 : memref<640x128xf32, #tpu.memory_space<vmem_shared>>) target_semaphore(%run_scoped3A : memref<!tpu.dma_semaphore, #tpu.memory_space<semaphore_mem>>)
      %dma_wait3A = arith.constant 0 : i32
      %dma_wait3A_18 = tpu.memref_slice %arg10[%mul3A_4, %dma_wait3A] : memref<10240x128xf32, #tpu.memory_space<vmem_shared>> -> memref<640x128xf32, #tpu.memory_space<vmem_shared>>
      %dma_wait3A_19 = arith.constant 0 : i32
      %dma_wait3A_20 = tpu.memref_slice %arg5[%mul3A_2, %dma_wait3A_19] : memref<10240x128xf32, #tpu.memory_space<hbm>> -> memref<640x128xf32, #tpu.memory_space<hbm>>
      tpu.wait_dma2 semaphore(%run_scoped3A : memref<!tpu.dma_semaphore, #tpu.memory_space<semaphore_mem>>) src(%dma_wait3A_20 : memref<640x128xf32, #tpu.memory_space<hbm>>) dst(%dma_wait3A_18 : memref<640x128xf32, #tpu.memory_space<vmem_shared>>)
      tpu.yield
    }) : () -> ()
    "tpu.region"() ({
      %run_scoped3A = tpu.sem_alloc : memref<!tpu.dma_semaphore, #tpu.memory_space<semaphore_mem>>
      %dma_start3A = arith.constant 0 : i32
      %dma_start3A_15 = arith.constant 0 : i32
      %dma_start3A_16 = tpu.memref_slice %arg3[%add3A, %dma_start3A, %dma_start3A_15] : memref<32x79x128xi32, #tpu.memory_space<hbm>> -> memref<1x79x128xi32, #tpu.memory_space<hbm>>
      %dma_start3A_17 = tpu.memref_squeeze %dma_start3A_16 : memref<1x79x128xi32, #tpu.memory_space<hbm>> -> memref<79x128xi32, #tpu.memory_space<hbm>>
      %dma_start3A_18 = arith.constant 0 : i32
      %dma_start3A_19 = arith.constant 0 : i32
      %dma_start3A_20 = tpu.memref_slice %arg3[%add3A, %dma_start3A_18, %dma_start3A_19] : memref<32x79x128xi32, #tpu.memory_space<hbm>> -> memref<1x79x128xi32, #tpu.memory_space<hbm>>
      %dma_start3A_21 = tpu.memref_squeeze %dma_start3A_20 : memref<1x79x128xi32, #tpu.memory_space<hbm>> -> memref<79x128xi32, #tpu.memory_space<hbm>>
      tpu.enqueue_dma source(%dma_start3A_21 : memref<79x128xi32, #tpu.memory_space<hbm>>) target(%arg7 : memref<79x128xi32, #tpu.memory_space<vmem>>) target_semaphore(%run_scoped3A : memref<!tpu.dma_semaphore, #tpu.memory_space<semaphore_mem>>)
      %dma_wait3A = arith.constant 0 : i32
      %dma_wait3A_22 = arith.constant 0 : i32
      %dma_wait3A_23 = tpu.memref_slice %arg3[%add3A, %dma_wait3A, %dma_wait3A_22] : memref<32x79x128xi32, #tpu.memory_space<hbm>> -> memref<1x79x128xi32, #tpu.memory_space<hbm>>
      %dma_wait3A_24 = tpu.memref_squeeze %dma_wait3A_23 : memref<1x79x128xi32, #tpu.memory_space<hbm>> -> memref<79x128xi32, #tpu.memory_space<hbm>>
      %dma_wait3A_25 = arith.constant 0 : i32
      %dma_wait3A_26 = arith.constant 0 : i32
      %dma_wait3A_27 = tpu.memref_slice %arg3[%add3A, %dma_wait3A_25, %dma_wait3A_26] : memref<32x79x128xi32, #tpu.memory_space<hbm>> -> memref<1x79x128xi32, #tpu.memory_space<hbm>>
      %dma_wait3A_28 = tpu.memref_squeeze %dma_wait3A_27 : memref<1x79x128xi32, #tpu.memory_space<hbm>> -> memref<79x128xi32, #tpu.memory_space<hbm>>
      tpu.wait_dma2 semaphore(%run_scoped3A : memref<!tpu.dma_semaphore, #tpu.memory_space<semaphore_mem>>) src(%dma_wait3A_28 : memref<79x128xi32, #tpu.memory_space<hbm>>) dst(%arg7 : memref<79x128xi32, #tpu.memory_space<vmem>>)
      tpu.yield
    }) : () -> ()
    "tpu.region"() ({
      %run_scoped3A = tpu.sem_alloc : memref<!tpu.dma_semaphore, #tpu.memory_space<semaphore_mem>>
      %dma_start3A = arith.constant 0 : i32
      %dma_start3A_15 = arith.constant 0 : i32
      %dma_start3A_16 = tpu.memref_slice %arg4[%add3A, %dma_start3A, %dma_start3A_15] : memref<32x79x128xi32, #tpu.memory_space<hbm>> -> memref<1x79x128xi32, #tpu.memory_space<hbm>>
      %dma_start3A_17 = tpu.memref_squeeze %dma_start3A_16 : memref<1x79x128xi32, #tpu.memory_space<hbm>> -> memref<79x128xi32, #tpu.memory_space<hbm>>
      %dma_start3A_18 = arith.constant 0 : i32
      %dma_start3A_19 = arith.constant 0 : i32
      %dma_start3A_20 = tpu.memref_slice %arg4[%add3A, %dma_start3A_18, %dma_start3A_19] : memref<32x79x128xi32, #tpu.memory_space<hbm>> -> memref<1x79x128xi32, #tpu.memory_space<hbm>>
      %dma_start3A_21 = tpu.memref_squeeze %dma_start3A_20 : memref<1x79x128xi32, #tpu.memory_space<hbm>> -> memref<79x128xi32, #tpu.memory_space<hbm>>
      tpu.enqueue_dma source(%dma_start3A_21 : memref<79x128xi32, #tpu.memory_space<hbm>>) target(%arg8 : memref<79x128xi32, #tpu.memory_space<vmem>>) target_semaphore(%run_scoped3A : memref<!tpu.dma_semaphore, #tpu.memory_space<semaphore_mem>>)
      %dma_wait3A = arith.constant 0 : i32
      %dma_wait3A_22 = arith.constant 0 : i32
      %dma_wait3A_23 = tpu.memref_slice %arg4[%add3A, %dma_wait3A, %dma_wait3A_22] : memref<32x79x128xi32, #tpu.memory_space<hbm>> -> memref<1x79x128xi32, #tpu.memory_space<hbm>>
      %dma_wait3A_24 = tpu.memref_squeeze %dma_wait3A_23 : memref<1x79x128xi32, #tpu.memory_space<hbm>> -> memref<79x128xi32, #tpu.memory_space<hbm>>
      %dma_wait3A_25 = arith.constant 0 : i32
      %dma_wait3A_26 = arith.constant 0 : i32
      %dma_wait3A_27 = tpu.memref_slice %arg4[%add3A, %dma_wait3A_25, %dma_wait3A_26] : memref<32x79x128xi32, #tpu.memory_space<hbm>> -> memref<1x79x128xi32, #tpu.memory_space<hbm>>
      %dma_wait3A_28 = tpu.memref_squeeze %dma_wait3A_27 : memref<1x79x128xi32, #tpu.memory_space<hbm>> -> memref<79x128xi32, #tpu.memory_space<hbm>>
      tpu.wait_dma2 semaphore(%run_scoped3A : memref<!tpu.dma_semaphore, #tpu.memory_space<semaphore_mem>>) src(%dma_wait3A_28 : memref<79x128xi32, #tpu.memory_space<hbm>>) dst(%arg8 : memref<79x128xi32, #tpu.memory_space<vmem>>)
      tpu.yield
    }) : () -> ()
    %barrier3A = arith.constant 0 : index
    tpu.barrier barrier_id(%barrier3A)
    %scan3A = arith.constant 0 : i32
    %scan3A_5 = arith.constant 0 : i32
    %scan3A_6 = arith.constant 79 : i32
    %scan3A_7 = arith.addi %scan3A_5, %scan3A_6 : i32
    %scan3A_8 = arith.constant 1 : i32
    scf.for %scan3A_15 = %scan3A_5 to %scan3A_7 step %scan3A_8  : i32 {
      %dma_start3A = arith.constant 0 : i32
      %dma_start3A_16 = tpu.memref_slice %arg7[%scan3A_15, %dma_start3A] : memref<79x128xi32, #tpu.memory_space<vmem>> -> memref<1x128xi32, #tpu.memory_space<vmem>>
      %dma_start3A_17 = tpu.memref_squeeze %dma_start3A_16 : memref<1x128xi32, #tpu.memory_space<vmem>> -> memref<128xi32, #tpu.memory_space<vmem>>
      %dma_start3A_18 = arith.constant 0 : i32
      %dma_start3A_19 = arith.constant 0 : i32
      %dma_start3A_20 = tpu.memref_slice %arg2[%dma_start3A_18, %dma_start3A_19] : memref<10000x128xf32, #tpu.memory_space<hbm>> -> memref<10000x128xf32, #tpu.memory_space<hbm>>
      tpu.enqueue_indirect_dma source(%dma_start3A_20 : memref<10000x128xf32, #tpu.memory_space<hbm>>) target(%arg9 : memref<128x128xf32, #tpu.memory_space<vmem>>) offsets(%dma_start3A_17 : memref<128xi32, #tpu.memory_space<vmem>>) semaphore(%arg11 : memref<!tpu.dma_semaphore, #tpu.memory_space<semaphore_mem>>)
      %dma_wait3A = arith.constant 0 : i32
      %dma_wait3A_21 = tpu.memref_slice %arg7[%scan3A_15, %dma_wait3A] : memref<79x128xi32, #tpu.memory_space<vmem>> -> memref<1x128xi32, #tpu.memory_space<vmem>>
      %dma_wait3A_22 = tpu.memref_squeeze %dma_wait3A_21 : memref<1x128xi32, #tpu.memory_space<vmem>> -> memref<128xi32, #tpu.memory_space<vmem>>
      %dma_wait3A_23 = arith.constant 0 : i32
      %dma_wait3A_24 = arith.constant 0 : i32
      %dma_wait3A_25 = tpu.memref_slice %arg2[%dma_wait3A_23, %dma_wait3A_24] : memref<10000x128xf32, #tpu.memory_space<hbm>> -> memref<10000x128xf32, #tpu.memory_space<hbm>>
      tpu.wait_indirect_dma semaphore(%arg11 : memref<!tpu.dma_semaphore, #tpu.memory_space<semaphore_mem>>) src(%dma_wait3A_25 : memref<10000x128xf32, #tpu.memory_space<hbm>>) dst(%arg9 : memref<128x128xf32, #tpu.memory_space<vmem>>)
      "tpu.region"() ({
        %run_scoped3A = tpu.sem_alloc : memref<!tpu.dma_semaphore, #tpu.memory_space<semaphore_mem>>
        %dma_start3A_26 = arith.constant 0 : i32
        %dma_start3A_27 = tpu.memref_slice %arg8[%scan3A_15, %dma_start3A_26] : memref<79x128xi32, #tpu.memory_space<vmem>> -> memref<1x128xi32, #tpu.memory_space<vmem>>
        %dma_start3A_28 = tpu.memref_squeeze %dma_start3A_27 : memref<1x128xi32, #tpu.memory_space<vmem>> -> memref<128xi32, #tpu.memory_space<vmem>>
        %dma_start3A_29 = arith.constant 0 : i32
        %dma_start3A_30 = arith.constant 0 : i32
        %dma_start3A_31 = tpu.memref_slice %arg10[%dma_start3A_29, %dma_start3A_30] : memref<10240x128xf32, #tpu.memory_space<vmem_shared>> -> memref<10240x128xf32, #tpu.memory_space<vmem_shared>>
        tpu.enqueue_indirect_dma source(%arg9 : memref<128x128xf32, #tpu.memory_space<vmem>>) target(%dma_start3A_31 : memref<10240x128xf32, #tpu.memory_space<vmem_shared>>) offsets(%dma_start3A_28 : memref<128xi32, #tpu.memory_space<vmem>>) semaphore(%run_scoped3A : memref<!tpu.dma_semaphore, #tpu.memory_space<semaphore_mem>>) {add = true}
        %dma_wait3A_32 = arith.constant 0 : i32
        %dma_wait3A_33 = tpu.memref_slice %arg8[%scan3A_15, %dma_wait3A_32] : memref<79x128xi32, #tpu.memory_space<vmem>> -> memref<1x128xi32, #tpu.memory_space<vmem>>
        %dma_wait3A_34 = tpu.memref_squeeze %dma_wait3A_33 : memref<1x128xi32, #tpu.memory_space<vmem>> -> memref<128xi32, #tpu.memory_space<vmem>>
        %dma_wait3A_35 = arith.constant 0 : i32
        %dma_wait3A_36 = arith.constant 0 : i32
        %dma_wait3A_37 = tpu.memref_slice %arg10[%dma_wait3A_35, %dma_wait3A_36] : memref<10240x128xf32, #tpu.memory_space<vmem_shared>> -> memref<10240x128xf32, #tpu.memory_space<vmem_shared>>
        tpu.wait_indirect_dma semaphore(%run_scoped3A : memref<!tpu.dma_semaphore, #tpu.memory_space<semaphore_mem>>) src(%arg9 : memref<128x128xf32, #tpu.memory_space<vmem>>) dst(%dma_wait3A_37 : memref<10240x128xf32, #tpu.memory_space<vmem_shared>>)
        tpu.yield
      }) : () -> ()
    }
    %scan3A_9 = arith.constant 79 : i32
    %barrier3A_10 = arith.constant 0 : index
    tpu.barrier barrier_id(%barrier3A_10)
    %mul3A_11 = arith.constant 640 : i32
    %mul3A_12 = arith.muli %arg1, %mul3A_11 : i32
    %mul3A_13 = arith.constant 640 : i32
    %mul3A_14 = arith.muli %arg1, %mul3A_13 : i32
    "tpu.region"() ({
      %run_scoped3A = tpu.sem_alloc : memref<!tpu.dma_semaphore, #tpu.memory_space<semaphore_mem>>
      %dma_start3A = arith.constant 0 : i32
      %dma_start3A_15 = tpu.memref_slice %arg6[%arg0, %mul3A_14, %dma_start3A] : memref<2x10240x128xf32, #tpu.memory_space<hbm>> -> memref<1x640x128xf32, #tpu.memory_space<hbm>>
      %dma_start3A_16 = tpu.memref_squeeze %dma_start3A_15 : memref<1x640x128xf32, #tpu.memory_space<hbm>> -> memref<640x128xf32, #tpu.memory_space<hbm>>
      %dma_start3A_17 = arith.constant 0 : i32
      %dma_start3A_18 = tpu.memref_slice %arg10[%mul3A_12, %dma_start3A_17] : memref<10240x128xf32, #tpu.memory_space<vmem_shared>> -> memref<640x128xf32, #tpu.memory_space<vmem_shared>>
      tpu.enqueue_dma source(%dma_start3A_18 : memref<640x128xf32, #tpu.memory_space<vmem_shared>>) target(%dma_start3A_16 : memref<640x128xf32, #tpu.memory_space<hbm>>) target_semaphore(%run_scoped3A : memref<!tpu.dma_semaphore, #tpu.memory_space<semaphore_mem>>)
      %dma_wait3A = arith.constant 0 : i32
      %dma_wait3A_19 = tpu.memref_slice %arg6[%arg0, %mul3A_14, %dma_wait3A] : memref<2x10240x128xf32, #tpu.memory_space<hbm>> -> memref<1x640x128xf32, #tpu.memory_space<hbm>>
      %dma_wait3A_20 = tpu.memref_squeeze %dma_wait3A_19 : memref<1x640x128xf32, #tpu.memory_space<hbm>> -> memref<640x128xf32, #tpu.memory_space<hbm>>
      %dma_wait3A_21 = arith.constant 0 : i32
      %dma_wait3A_22 = tpu.memref_slice %arg10[%mul3A_12, %dma_wait3A_21] : memref<10240x128xf32, #tpu.memory_space<vmem_shared>> -> memref<640x128xf32, #tpu.memory_space<vmem_shared>>
      tpu.wait_dma2 semaphore(%run_scoped3A : memref<!tpu.dma_semaphore, #tpu.memory_space<semaphore_mem>>) src(%dma_wait3A_22 : memref<640x128xf32, #tpu.memory_space<vmem_shared>>) dst(%dma_wait3A_20 : memref<640x128xf32, #tpu.memory_space<hbm>>)
      tpu.yield
    }) : () -> ()
    return
  }
}

#map = affine_map<(d0, d1) -> (0, 0)>
#map1 = affine_map<(d0, d1) -> (0, 0, 0)>
module attributes {stable_mosaic.version = 14 : i64} {
  func.func @_agg_body(%arg0: i32, %arg1: i32, %arg2: memref<10000x128xf32, #tpu.memory_space<hbm>>, %arg3: memref<32x79x128xi32, #tpu.memory_space<hbm>>, %arg4: memref<32x79x128xi32, #tpu.memory_space<hbm>>, %arg5: memref<10240x128xf32, #tpu.memory_space<hbm>>, %arg6: memref<2x10240x128xf32, #tpu.memory_space<hbm>>, %arg7: memref<79x128xi32, #tpu.memory_space<vmem>>, %arg8: memref<79x128xi32, #tpu.memory_space<vmem>>, %arg9: memref<128x128xf32, #tpu.memory_space<vmem>>, %arg10: memref<10240x128xf32, #tpu.memory_space<vmem_shared>>, %arg11: memref<!tpu.dma_semaphore, #tpu.memory_space<semaphore_mem>>, %arg12: memref<!tpu.dma_semaphore, #tpu.memory_space<semaphore_mem>>) attributes {dimension_semantics = [#tpu.dimension_semantics<core_parallel>, #tpu.dimension_semantics<subcore_parallel>], iteration_bounds = array<i64: 2, 16>, scalar_prefetch = 0 : i64, scratch_operands = 6 : i64, tpu.core_type = #tpu.core_type<sc_vector_subcore>, window_params = [{transform_indices = #map}, {transform_indices = #map1}, {transform_indices = #map1}, {transform_indices = #map}, {transform_indices = #map1}]} {
    %mul3A = arith.constant 2 : i32
    %mul3A_0 = arith.muli %arg1, %mul3A : i32
    %add3A = arith.addi %mul3A_0, %arg0 : i32
    %mul3A_1 = arith.constant 640 : i32
    %mul3A_2 = arith.muli %arg1, %mul3A_1 : i32
    %mul3A_3 = arith.constant 640 : i32
    %mul3A_4 = arith.muli %arg1, %mul3A_3 : i32
    "tpu.region"() ({
      %run_scoped3A = tpu.sem_alloc : memref<!tpu.dma_semaphore, #tpu.memory_space<semaphore_mem>>
      %dma_start3A = arith.constant 0 : i32
      %dma_start3A_15 = tpu.memref_slice %arg10[%mul3A_4, %dma_start3A] : memref<10240x128xf32, #tpu.memory_space<vmem_shared>> -> memref<640x128xf32, #tpu.memory_space<vmem_shared>>
      %dma_start3A_16 = arith.constant 0 : i32
      %dma_start3A_17 = tpu.memref_slice %arg5[%mul3A_2, %dma_start3A_16] : memref<10240x128xf32, #tpu.memory_space<hbm>> -> memref<640x128xf32, #tpu.memory_space<hbm>>
      tpu.enqueue_dma source(%dma_start3A_17 : memref<640x128xf32, #tpu.memory_space<hbm>>) target(%dma_start3A_15 : memref<640x128xf32, #tpu.memory_space<vmem_shared>>) target_semaphore(%run_scoped3A : memref<!tpu.dma_semaphore, #tpu.memory_space<semaphore_mem>>)
      %dma_wait3A = arith.constant 0 : i32
      %dma_wait3A_18 = tpu.memref_slice %arg10[%mul3A_4, %dma_wait3A] : memref<10240x128xf32, #tpu.memory_space<vmem_shared>> -> memref<640x128xf32, #tpu.memory_space<vmem_shared>>
      %dma_wait3A_19 = arith.constant 0 : i32
      %dma_wait3A_20 = tpu.memref_slice %arg5[%mul3A_2, %dma_wait3A_19] : memref<10240x128xf32, #tpu.memory_space<hbm>> -> memref<640x128xf32, #tpu.memory_space<hbm>>
      tpu.wait_dma2 semaphore(%run_scoped3A : memref<!tpu.dma_semaphore, #tpu.memory_space<semaphore_mem>>) src(%dma_wait3A_20 : memref<640x128xf32, #tpu.memory_space<hbm>>) dst(%dma_wait3A_18 : memref<640x128xf32, #tpu.memory_space<vmem_shared>>)
      tpu.yield
    }) : () -> ()
    "tpu.region"() ({
      %run_scoped3A = tpu.sem_alloc : memref<!tpu.dma_semaphore, #tpu.memory_space<semaphore_mem>>
      %dma_start3A = arith.constant 0 : i32
      %dma_start3A_15 = arith.constant 0 : i32
      %dma_start3A_16 = tpu.memref_slice %arg3[%add3A, %dma_start3A, %dma_start3A_15] : memref<32x79x128xi32, #tpu.memory_space<hbm>> -> memref<1x79x128xi32, #tpu.memory_space<hbm>>
      %dma_start3A_17 = tpu.memref_squeeze %dma_start3A_16 : memref<1x79x128xi32, #tpu.memory_space<hbm>> -> memref<79x128xi32, #tpu.memory_space<hbm>>
      %dma_start3A_18 = arith.constant 0 : i32
      %dma_start3A_19 = arith.constant 0 : i32
      %dma_start3A_20 = tpu.memref_slice %arg3[%add3A, %dma_start3A_18, %dma_start3A_19] : memref<32x79x128xi32, #tpu.memory_space<hbm>> -> memref<1x79x128xi32, #tpu.memory_space<hbm>>
      %dma_start3A_21 = tpu.memref_squeeze %dma_start3A_20 : memref<1x79x128xi32, #tpu.memory_space<hbm>> -> memref<79x128xi32, #tpu.memory_space<hbm>>
      tpu.enqueue_dma source(%dma_start3A_21 : memref<79x128xi32, #tpu.memory_space<hbm>>) target(%arg7 : memref<79x128xi32, #tpu.memory_space<vmem>>) target_semaphore(%run_scoped3A : memref<!tpu.dma_semaphore, #tpu.memory_space<semaphore_mem>>)
      %dma_wait3A = arith.constant 0 : i32
      %dma_wait3A_22 = arith.constant 0 : i32
      %dma_wait3A_23 = tpu.memref_slice %arg3[%add3A, %dma_wait3A, %dma_wait3A_22] : memref<32x79x128xi32, #tpu.memory_space<hbm>> -> memref<1x79x128xi32, #tpu.memory_space<hbm>>
      %dma_wait3A_24 = tpu.memref_squeeze %dma_wait3A_23 : memref<1x79x128xi32, #tpu.memory_space<hbm>> -> memref<79x128xi32, #tpu.memory_space<hbm>>
      %dma_wait3A_25 = arith.constant 0 : i32
      %dma_wait3A_26 = arith.constant 0 : i32
      %dma_wait3A_27 = tpu.memref_slice %arg3[%add3A, %dma_wait3A_25, %dma_wait3A_26] : memref<32x79x128xi32, #tpu.memory_space<hbm>> -> memref<1x79x128xi32, #tpu.memory_space<hbm>>
      %dma_wait3A_28 = tpu.memref_squeeze %dma_wait3A_27 : memref<1x79x128xi32, #tpu.memory_space<hbm>> -> memref<79x128xi32, #tpu.memory_space<hbm>>
      tpu.wait_dma2 semaphore(%run_scoped3A : memref<!tpu.dma_semaphore, #tpu.memory_space<semaphore_mem>>) src(%dma_wait3A_28 : memref<79x128xi32, #tpu.memory_space<hbm>>) dst(%arg7 : memref<79x128xi32, #tpu.memory_space<vmem>>)
      tpu.yield
    }) : () -> ()
    "tpu.region"() ({
      %run_scoped3A = tpu.sem_alloc : memref<!tpu.dma_semaphore, #tpu.memory_space<semaphore_mem>>
      %dma_start3A = arith.constant 0 : i32
      %dma_start3A_15 = arith.constant 0 : i32
      %dma_start3A_16 = tpu.memref_slice %arg4[%add3A, %dma_start3A, %dma_start3A_15] : memref<32x79x128xi32, #tpu.memory_space<hbm>> -> memref<1x79x128xi32, #tpu.memory_space<hbm>>
      %dma_start3A_17 = tpu.memref_squeeze %dma_start3A_16 : memref<1x79x128xi32, #tpu.memory_space<hbm>> -> memref<79x128xi32, #tpu.memory_space<hbm>>
      %dma_start3A_18 = arith.constant 0 : i32
      %dma_start3A_19 = arith.constant 0 : i32
      %dma_start3A_20 = tpu.memref_slice %arg4[%add3A, %dma_start3A_18, %dma_start3A_19] : memref<32x79x128xi32, #tpu.memory_space<hbm>> -> memref<1x79x128xi32, #tpu.memory_space<hbm>>
      %dma_start3A_21 = tpu.memref_squeeze %dma_start3A_20 : memref<1x79x128xi32, #tpu.memory_space<hbm>> -> memref<79x128xi32, #tpu.memory_space<hbm>>
      tpu.enqueue_dma source(%dma_start3A_21 : memref<79x128xi32, #tpu.memory_space<hbm>>) target(%arg8 : memref<79x128xi32, #tpu.memory_space<vmem>>) target_semaphore(%run_scoped3A : memref<!tpu.dma_semaphore, #tpu.memory_space<semaphore_mem>>)
      %dma_wait3A = arith.constant 0 : i32
      %dma_wait3A_22 = arith.constant 0 : i32
      %dma_wait3A_23 = tpu.memref_slice %arg4[%add3A, %dma_wait3A, %dma_wait3A_22] : memref<32x79x128xi32, #tpu.memory_space<hbm>> -> memref<1x79x128xi32, #tpu.memory_space<hbm>>
      %dma_wait3A_24 = tpu.memref_squeeze %dma_wait3A_23 : memref<1x79x128xi32, #tpu.memory_space<hbm>> -> memref<79x128xi32, #tpu.memory_space<hbm>>
      %dma_wait3A_25 = arith.constant 0 : i32
      %dma_wait3A_26 = arith.constant 0 : i32
      %dma_wait3A_27 = tpu.memref_slice %arg4[%add3A, %dma_wait3A_25, %dma_wait3A_26] : memref<32x79x128xi32, #tpu.memory_space<hbm>> -> memref<1x79x128xi32, #tpu.memory_space<hbm>>
      %dma_wait3A_28 = tpu.memref_squeeze %dma_wait3A_27 : memref<1x79x128xi32, #tpu.memory_space<hbm>> -> memref<79x128xi32, #tpu.memory_space<hbm>>
      tpu.wait_dma2 semaphore(%run_scoped3A : memref<!tpu.dma_semaphore, #tpu.memory_space<semaphore_mem>>) src(%dma_wait3A_28 : memref<79x128xi32, #tpu.memory_space<hbm>>) dst(%arg8 : memref<79x128xi32, #tpu.memory_space<vmem>>)
      tpu.yield
    }) : () -> ()
    %barrier3A = arith.constant 0 : index
    tpu.barrier barrier_id(%barrier3A)
    %scan3A = arith.constant 0 : i32
    %scan3A_5 = arith.constant 0 : i32
    %scan3A_6 = arith.constant 79 : i32
    %scan3A_7 = arith.addi %scan3A_5, %scan3A_6 : i32
    %scan3A_8 = arith.constant 1 : i32
    scf.for %scan3A_15 = %scan3A_5 to %scan3A_7 step %scan3A_8  : i32 {
      %dma_start3A = arith.constant 0 : i32
      %dma_start3A_16 = tpu.memref_slice %arg7[%scan3A_15, %dma_start3A] : memref<79x128xi32, #tpu.memory_space<vmem>> -> memref<1x128xi32, #tpu.memory_space<vmem>>
      %dma_start3A_17 = tpu.memref_squeeze %dma_start3A_16 : memref<1x128xi32, #tpu.memory_space<vmem>> -> memref<128xi32, #tpu.memory_space<vmem>>
      %dma_start3A_18 = arith.constant 0 : i32
      %dma_start3A_19 = arith.constant 0 : i32
      %dma_start3A_20 = tpu.memref_slice %arg2[%dma_start3A_18, %dma_start3A_19] : memref<10000x128xf32, #tpu.memory_space<hbm>> -> memref<10000x128xf32, #tpu.memory_space<hbm>>
      tpu.enqueue_indirect_dma source(%dma_start3A_20 : memref<10000x128xf32, #tpu.memory_space<hbm>>) target(%arg9 : memref<128x128xf32, #tpu.memory_space<vmem>>) offsets(%dma_start3A_17 : memref<128xi32, #tpu.memory_space<vmem>>) semaphore(%arg11 : memref<!tpu.dma_semaphore, #tpu.memory_space<semaphore_mem>>)
      %dma_wait3A = arith.constant 0 : i32
      %dma_wait3A_21 = tpu.memref_slice %arg7[%scan3A_15, %dma_wait3A] : memref<79x128xi32, #tpu.memory_space<vmem>> -> memref<1x128xi32, #tpu.memory_space<vmem>>
      %dma_wait3A_22 = tpu.memref_squeeze %dma_wait3A_21 : memref<1x128xi32, #tpu.memory_space<vmem>> -> memref<128xi32, #tpu.memory_space<vmem>>
      %dma_wait3A_23 = arith.constant 0 : i32
      %dma_wait3A_24 = arith.constant 0 : i32
      %dma_wait3A_25 = tpu.memref_slice %arg2[%dma_wait3A_23, %dma_wait3A_24] : memref<10000x128xf32, #tpu.memory_space<hbm>> -> memref<10000x128xf32, #tpu.memory_space<hbm>>
      tpu.wait_indirect_dma semaphore(%arg11 : memref<!tpu.dma_semaphore, #tpu.memory_space<semaphore_mem>>) src(%dma_wait3A_25 : memref<10000x128xf32, #tpu.memory_space<hbm>>) dst(%arg9 : memref<128x128xf32, #tpu.memory_space<vmem>>)
      "tpu.region"() ({
        %run_scoped3A = tpu.sem_alloc : memref<!tpu.dma_semaphore, #tpu.memory_space<semaphore_mem>>
        %dma_start3A_26 = arith.constant 0 : i32
        %dma_start3A_27 = tpu.memref_slice %arg8[%scan3A_15, %dma_start3A_26] : memref<79x128xi32, #tpu.memory_space<vmem>> -> memref<1x128xi32, #tpu.memory_space<vmem>>
        %dma_start3A_28 = tpu.memref_squeeze %dma_start3A_27 : memref<1x128xi32, #tpu.memory_space<vmem>> -> memref<128xi32, #tpu.memory_space<vmem>>
        %dma_start3A_29 = arith.constant 0 : i32
        %dma_start3A_30 = arith.constant 0 : i32
        %dma_start3A_31 = tpu.memref_slice %arg10[%dma_start3A_29, %dma_start3A_30] : memref<10240x128xf32, #tpu.memory_space<vmem_shared>> -> memref<10240x128xf32, #tpu.memory_space<vmem_shared>>
        tpu.enqueue_indirect_dma source(%arg9 : memref<128x128xf32, #tpu.memory_space<vmem>>) target(%dma_start3A_31 : memref<10240x128xf32, #tpu.memory_space<vmem_shared>>) offsets(%dma_start3A_28 : memref<128xi32, #tpu.memory_space<vmem>>) semaphore(%run_scoped3A : memref<!tpu.dma_semaphore, #tpu.memory_space<semaphore_mem>>) {add = true}
        %dma_wait3A_32 = arith.constant 0 : i32
        %dma_wait3A_33 = tpu.memref_slice %arg8[%scan3A_15, %dma_wait3A_32] : memref<79x128xi32, #tpu.memory_space<vmem>> -> memref<1x128xi32, #tpu.memory_space<vmem>>
        %dma_wait3A_34 = tpu.memref_squeeze %dma_wait3A_33 : memref<1x128xi32, #tpu.memory_space<vmem>> -> memref<128xi32, #tpu.memory_space<vmem>>
        %dma_wait3A_35 = arith.constant 0 : i32
        %dma_wait3A_36 = arith.constant 0 : i32
        %dma_wait3A_37 = tpu.memref_slice %arg10[%dma_wait3A_35, %dma_wait3A_36] : memref<10240x128xf32, #tpu.memory_space<vmem_shared>> -> memref<10240x128xf32, #tpu.memory_space<vmem_shared>>
        tpu.wait_indirect_dma semaphore(%run_scoped3A : memref<!tpu.dma_semaphore, #tpu.memory_space<semaphore_mem>>) src(%arg9 : memref<128x128xf32, #tpu.memory_space<vmem>>) dst(%dma_wait3A_37 : memref<10240x128xf32, #tpu.memory_space<vmem_shared>>)
        tpu.yield
      }) : () -> ()
    }
    %scan3A_9 = arith.constant 79 : i32
    %barrier3A_10 = arith.constant 0 : index
    tpu.barrier barrier_id(%barrier3A_10)
    %mul3A_11 = arith.constant 640 : i32
    %mul3A_12 = arith.muli %arg1, %mul3A_11 : i32
    %mul3A_13 = arith.constant 640 : i32
    %mul3A_14 = arith.muli %arg1, %mul3A_13 : i32
    "tpu.region"() ({
      %run_scoped3A = tpu.sem_alloc : memref<!tpu.dma_semaphore, #tpu.memory_space<semaphore_mem>>
      %dma_start3A = arith.constant 0 : i32
      %dma_start3A_15 = tpu.memref_slice %arg6[%arg0, %mul3A_14, %dma_start3A] : memref<2x10240x128xf32, #tpu.memory_space<hbm>> -> memref<1x640x128xf32, #tpu.memory_space<hbm>>
      %dma_start3A_16 = tpu.memref_squeeze %dma_start3A_15 : memref<1x640x128xf32, #tpu.memory_space<hbm>> -> memref<640x128xf32, #tpu.memory_space<hbm>>
      %dma_start3A_17 = arith.constant 0 : i32
      %dma_start3A_18 = tpu.memref_slice %arg10[%mul3A_12, %dma_start3A_17] : memref<10240x128xf32, #tpu.memory_space<vmem_shared>> -> memref<640x128xf32, #tpu.memory_space<vmem_shared>>
      tpu.enqueue_dma source(%dma_start3A_18 : memref<640x128xf32, #tpu.memory_space<vmem_shared>>) target(%dma_start3A_16 : memref<640x128xf32, #tpu.memory_space<hbm>>) target_semaphore(%run_scoped3A : memref<!tpu.dma_semaphore, #tpu.memory_space<semaphore_mem>>)
      %dma_wait3A = arith.constant 0 : i32
      %dma_wait3A_19 = tpu.memref_slice %arg6[%arg0, %mul3A_14, %dma_wait3A] : memref<2x10240x128xf32, #tpu.memory_space<hbm>> -> memref<1x640x128xf32, #tpu.memory_space<hbm>>
      %dma_wait3A_20 = tpu.memref_squeeze %dma_wait3A_19 : memref<1x640x128xf32, #tpu.memory_space<hbm>> -> memref<640x128xf32, #tpu.memory_space<hbm>>
      %dma_wait3A_21 = arith.constant 0 : i32
      %dma_wait3A_22 = tpu.memref_slice %arg10[%mul3A_12, %dma_wait3A_21] : memref<10240x128xf32, #tpu.memory_space<vmem_shared>> -> memref<640x128xf32, #tpu.memory_space<vmem_shared>>
      tpu.wait_dma2 semaphore(%run_scoped3A : memref<!tpu.dma_semaphore, #tpu.memory_space<semaphore_mem>>) src(%dma_wait3A_22 : memref<640x128xf32, #tpu.memory_space<vmem_shared>>) dst(%dma_wait3A_20 : memref<640x128xf32, #tpu.memory_space<hbm>>)
      tpu.yield
    }) : () -> ()
    return
  }
}

module attributes {stable_mosaic.version = 14 : i64} {
  func.func @_dense_body(%arg0: memref<2x10240x128xf32, #tpu.memory_space<vmem>>, %arg1: memref<2x10240x128xf32, #tpu.memory_space<vmem>>, %arg2: memref<10000x128xf32, #tpu.memory_space<vmem>>, %arg3: memref<128x128xf32, #tpu.memory_space<vmem>>, %arg4: memref<128x128xf32, #tpu.memory_space<vmem>>, %arg5: memref<4x128xf32, #tpu.memory_space<vmem>>, %arg6: memref<10000x128xf32, #tpu.memory_space<vmem>>) attributes {dimension_semantics = [], scalar_prefetch = 0 : i64, scratch_operands = 0 : i64, tpu.core_type = #tpu.core_type<tc>} {
    %get3A = arith.constant 0 : index
    %get3A_0 = arith.constant 0 : index
    %get3A_1 = arith.constant 0 : index
    %get3A_2 = vector.load %arg0[%get3A, %get3A_0, %get3A_1] : memref<2x10240x128xf32, #tpu.memory_space<vmem>>, vector<1x10000x128xf32>
    %get3A_3 = vector.shape_cast %get3A_2 : vector<1x10000x128xf32> to vector<10000x128xf32>
    %get3A_4 = arith.constant 1 : index
    %get3A_5 = arith.constant 0 : index
    %get3A_6 = arith.constant 0 : index
    %get3A_7 = vector.load %arg0[%get3A_4, %get3A_5, %get3A_6] : memref<2x10240x128xf32, #tpu.memory_space<vmem>>, vector<1x10000x128xf32>
    %get3A_8 = vector.shape_cast %get3A_7 : vector<1x10000x128xf32> to vector<10000x128xf32>
    %add3A = arith.addf %get3A_3, %get3A_8 : vector<10000x128xf32>
    %get3A_9 = arith.constant 0 : index
    %get3A_10 = arith.constant 0 : index
    %get3A_11 = arith.constant 0 : index
    %get3A_12 = vector.load %arg1[%get3A_9, %get3A_10, %get3A_11] : memref<2x10240x128xf32, #tpu.memory_space<vmem>>, vector<1x10000x1xf32>
    %get3A_13 = vector.shape_cast %get3A_12 : vector<1x10000x1xf32> to vector<10000x1xf32>
    %get3A_14 = arith.constant 1 : index
    %get3A_15 = arith.constant 0 : index
    %get3A_16 = arith.constant 0 : index
    %get3A_17 = vector.load %arg1[%get3A_14, %get3A_15, %get3A_16] : memref<2x10240x128xf32, #tpu.memory_space<vmem>>, vector<1x10000x1xf32>
    %get3A_18 = vector.shape_cast %get3A_17 : vector<1x10000x1xf32> to vector<10000x1xf32>
    %add3A_19 = arith.addf %get3A_13, %get3A_18 : vector<10000x1xf32>
    %max3A = arith.constant 1.000000e+00 : f32
    %max3A_20 = vector.broadcast %max3A : f32 to vector<10000x1xf32>
    %max3A_21 = arith.maximumf %add3A_19, %max3A_20 : vector<10000x1xf32>
    %div3A = vector.broadcast %max3A_21 : vector<10000x1xf32> to vector<10000x128xf32>
    %div3A_22 = arith.divf %add3A, %div3A : vector<10000x128xf32>
    %get3A_23 = arith.constant 0 : index
    %get3A_24 = arith.constant 0 : index
    %get3A_25 = vector.load %arg2[%get3A_23, %get3A_24] : memref<10000x128xf32, #tpu.memory_space<vmem>>, vector<10000x128xf32>
    %get3A_26 = arith.constant 0 : index
    %get3A_27 = arith.constant 0 : index
    %get3A_28 = vector.load %arg3[%get3A_26, %get3A_27] : memref<128x128xf32, #tpu.memory_space<vmem>>, vector<128x128xf32>
    %dot_general3A = arith.constant dense<0.000000e+00> : vector<10000x128xf32>
    %dot_general3A_29 = tpu.matmul %div3A_22, %get3A_28, %dot_general3A {dimension_numbers = #tpu.dot_dimension_numbers<[1], [0], [0], [1], [0, 0, 1, 1], [], []>, transpose_lhs_hint = false} : vector<10000x128xf32>, vector<128x128xf32>, vector<10000x128xf32> -> vector<10000x128xf32>
    %get3A_30 = arith.constant 0 : index
    %get3A_31 = arith.constant 0 : index
    %get3A_32 = vector.load %arg4[%get3A_30, %get3A_31] : memref<128x128xf32, #tpu.memory_space<vmem>>, vector<128x128xf32>
    %dot_general3A_33 = arith.constant dense<0.000000e+00> : vector<10000x128xf32>
    %dot_general3A_34 = tpu.matmul %get3A_25, %get3A_32, %dot_general3A_33 {dimension_numbers = #tpu.dot_dimension_numbers<[1], [0], [0], [1], [0, 0, 1, 1], [], []>, transpose_lhs_hint = false} : vector<10000x128xf32>, vector<128x128xf32>, vector<10000x128xf32> -> vector<10000x128xf32>
    %add3A_35 = arith.addf %dot_general3A_29, %dot_general3A_34 : vector<10000x128xf32>
    %get3A_36 = arith.constant 0 : index
    %get3A_37 = arith.constant 0 : index
    %get3A_38 = vector.load %arg5[%get3A_36, %get3A_37] : memref<4x128xf32, #tpu.memory_space<vmem>>, vector<1x128xf32>
    %add3A_39 = vector.broadcast %get3A_38 : vector<1x128xf32> to vector<10000x128xf32>
    %add3A_40 = arith.addf %add3A_35, %add3A_39 : vector<10000x128xf32>
    %get3A_41 = arith.constant 1 : index
    %get3A_42 = arith.constant 0 : index
    %get3A_43 = vector.load %arg5[%get3A_41, %get3A_42] : memref<4x128xf32, #tpu.memory_space<vmem>>, vector<1x128xf32>
    %get3A_44 = arith.constant 2 : index
    %get3A_45 = arith.constant 0 : index
    %get3A_46 = vector.load %arg5[%get3A_44, %get3A_45] : memref<4x128xf32, #tpu.memory_space<vmem>>, vector<1x128xf32>
    %get3A_47 = arith.constant 3 : index
    %get3A_48 = arith.constant 0 : index
    %get3A_49 = vector.load %arg5[%get3A_47, %get3A_48] : memref<4x128xf32, #tpu.memory_space<vmem>>, vector<1x128xf32>
    %reduce_sum3A = arith.constant dense<0.000000e+00> : vector<128xf32>
    %reduce_sum3A_50 = vector.multi_reduction <add>, %add3A_40, %reduce_sum3A [0] : vector<10000x128xf32> to vector<128xf32>
    %broadcast_in_dim3A = vector.shape_cast %reduce_sum3A_50 : vector<128xf32> to vector<1x128xf32>
    %div3A_51 = arith.constant 1.000000e+04 : f32
    %div3A_52 = vector.broadcast %div3A_51 : f32 to vector<1x128xf32>
    %div3A_53 = arith.divf %broadcast_in_dim3A, %div3A_52 : vector<1x128xf32>
    %mul3A = arith.mulf %get3A_49, %div3A_53 : vector<1x128xf32>
    %sub3A = vector.broadcast %mul3A : vector<1x128xf32> to vector<10000x128xf32>
    %sub3A_54 = arith.subf %add3A_40, %sub3A : vector<10000x128xf32>
    %mul3A_55 = arith.mulf %sub3A_54, %sub3A_54 : vector<10000x128xf32>
    %reduce_sum3A_56 = arith.constant dense<0.000000e+00> : vector<128xf32>
    %reduce_sum3A_57 = vector.multi_reduction <add>, %mul3A_55, %reduce_sum3A_56 [0] : vector<10000x128xf32> to vector<128xf32>
    %broadcast_in_dim3A_58 = vector.shape_cast %reduce_sum3A_57 : vector<128xf32> to vector<1x128xf32>
    %div3A_59 = arith.constant 1.000000e+04 : f32
    %div3A_60 = vector.broadcast %div3A_59 : f32 to vector<1x128xf32>
    %div3A_61 = arith.divf %broadcast_in_dim3A_58, %div3A_60 : vector<1x128xf32>
    %mul3A_62 = vector.broadcast %get3A_43 : vector<1x128xf32> to vector<10000x128xf32>
    %mul3A_63 = arith.mulf %mul3A_62, %sub3A_54 : vector<10000x128xf32>
    %add3A_64 = arith.constant 9.99999974E-6 : f32
    %add3A_65 = vector.broadcast %add3A_64 : f32 to vector<1x128xf32>
    %add3A_66 = arith.addf %div3A_61, %add3A_65 : vector<1x128xf32>
    %sqrt3A = math.sqrt %add3A_66 : vector<1x128xf32>
    %div3A_67 = vector.broadcast %sqrt3A : vector<1x128xf32> to vector<10000x128xf32>
    %div3A_68 = arith.divf %mul3A_63, %div3A_67 : vector<10000x128xf32>
    %add3A_69 = vector.broadcast %get3A_46 : vector<1x128xf32> to vector<10000x128xf32>
    %add3A_70 = arith.addf %div3A_68, %add3A_69 : vector<10000x128xf32>
    %max3A_71 = arith.constant 0.000000e+00 : f32
    %max3A_72 = vector.broadcast %max3A_71 : f32 to vector<10000x128xf32>
    %max3A_73 = arith.maximumf %add3A_70, %max3A_72 : vector<10000x128xf32>
    %swap3A = arith.constant 0 : index
    %swap3A_74 = arith.constant 0 : index
    %swap3A_75 = vector.load %arg6[%swap3A, %swap3A_74] : memref<10000x128xf32, #tpu.memory_space<vmem>>, vector<10000x128xf32>
    tpu.vector_store %arg6[%swap3A, %swap3A_74], %max3A_73 {strides = array<i32>} : memref<10000x128xf32, #tpu.memory_space<vmem>>, vector<10000x128xf32>,
    return
  }
}

module attributes {stable_mosaic.version = 14 : i64} {
  func.func @_heads_body(%arg0: memref<10000x128xf32, #tpu.memory_space<vmem>>, %arg1: memref<5x128x256xf32, #tpu.memory_space<vmem>>, %arg2: memref<5x256xf32, #tpu.memory_space<vmem>>, %arg3: memref<5x256x128xf32, #tpu.memory_space<vmem>>, %arg4: memref<5x128xf32, #tpu.memory_space<vmem>>, %arg5: memref<128x7xf32, #tpu.memory_space<vmem>>, %arg6: memref<128x2xf32, #tpu.memory_space<vmem>>, %arg7: memref<128x5xf32, #tpu.memory_space<vmem>>, %arg8: memref<128x4xf32, #tpu.memory_space<vmem>>, %arg9: memref<128x4xf32, #tpu.memory_space<vmem>>, %arg10: memref<5x8xf32, #tpu.memory_space<vmem>>, %arg11: memref<10000x7xf32, #tpu.memory_space<vmem>>, %arg12: memref<10000x2xf32, #tpu.memory_space<vmem>>, %arg13: memref<10000x5xf32, #tpu.memory_space<vmem>>, %arg14: memref<10000x4xf32, #tpu.memory_space<vmem>>, %arg15: memref<10000x4xf32, #tpu.memory_space<vmem>>) attributes {dimension_semantics = [], scalar_prefetch = 0 : i64, scratch_operands = 0 : i64, tpu.core_type = #tpu.core_type<tc>} {
    %get3A = arith.constant 0 : index
    %get3A_0 = arith.constant 0 : index
    %get3A_1 = vector.load %arg0[%get3A, %get3A_0] : memref<10000x128xf32, #tpu.memory_space<vmem>>, vector<10000x128xf32>
    %get3A_2 = arith.constant 0 : index
    %get3A_3 = arith.constant 0 : index
    %get3A_4 = arith.constant 0 : index
    %get3A_5 = vector.load %arg1[%get3A_2, %get3A_3, %get3A_4] : memref<5x128x256xf32, #tpu.memory_space<vmem>>, vector<1x128x256xf32>
    %get3A_6 = vector.shape_cast %get3A_5 : vector<1x128x256xf32> to vector<128x256xf32>
    %dot_general3A = arith.constant dense<0.000000e+00> : vector<10000x256xf32>
    %dot_general3A_7 = tpu.matmul %get3A_1, %get3A_6, %dot_general3A {dimension_numbers = #tpu.dot_dimension_numbers<[1], [0], [0], [1], [0, 0, 1, 1], [], []>, transpose_lhs_hint = false} : vector<10000x128xf32>, vector<128x256xf32>, vector<10000x256xf32> -> vector<10000x256xf32>
    %get3A_8 = arith.constant 0 : index
    %get3A_9 = arith.constant 0 : index
    %get3A_10 = vector.load %arg2[%get3A_8, %get3A_9] : memref<5x256xf32, #tpu.memory_space<vmem>>, vector<1x256xf32>
    %add3A = vector.broadcast %get3A_10 : vector<1x256xf32> to vector<10000x256xf32>
    %add3A_11 = arith.addf %dot_general3A_7, %add3A : vector<10000x256xf32>
    %max3A = arith.constant 0.000000e+00 : f32
    %max3A_12 = vector.broadcast %max3A : f32 to vector<10000x256xf32>
    %max3A_13 = arith.maximumf %add3A_11, %max3A_12 : vector<10000x256xf32>
    %get3A_14 = arith.constant 0 : index
    %get3A_15 = arith.constant 0 : index
    %get3A_16 = arith.constant 0 : index
    %get3A_17 = vector.load %arg3[%get3A_14, %get3A_15, %get3A_16] : memref<5x256x128xf32, #tpu.memory_space<vmem>>, vector<1x256x128xf32>
    %get3A_18 = vector.shape_cast %get3A_17 : vector<1x256x128xf32> to vector<256x128xf32>
    %dot_general3A_19 = arith.constant dense<0.000000e+00> : vector<10000x128xf32>
    %dot_general3A_20 = tpu.matmul %max3A_13, %get3A_18, %dot_general3A_19 {dimension_numbers = #tpu.dot_dimension_numbers<[1], [0], [0], [1], [0, 0, 1, 1], [], []>, transpose_lhs_hint = false} : vector<10000x256xf32>, vector<256x128xf32>, vector<10000x128xf32> -> vector<10000x128xf32>
    %get3A_21 = arith.constant 0 : index
    %get3A_22 = arith.constant 0 : index
    %get3A_23 = vector.load %arg4[%get3A_21, %get3A_22] : memref<5x128xf32, #tpu.memory_space<vmem>>, vector<1x128xf32>
    %add3A_24 = vector.broadcast %get3A_23 : vector<1x128xf32> to vector<10000x128xf32>
    %add3A_25 = arith.addf %dot_general3A_20, %add3A_24 : vector<10000x128xf32>
    %max3A_26 = arith.constant 0.000000e+00 : f32
    %max3A_27 = vector.broadcast %max3A_26 : f32 to vector<10000x128xf32>
    %max3A_28 = arith.maximumf %add3A_25, %max3A_27 : vector<10000x128xf32>
    %get3A_29 = arith.constant 0 : index
    %get3A_30 = arith.constant 0 : index
    %get3A_31 = vector.load %arg5[%get3A_29, %get3A_30] : memref<128x7xf32, #tpu.memory_space<vmem>>, vector<128x7xf32>
    %dot_general3A_32 = arith.constant dense<0.000000e+00> : vector<10000x7xf32>
    %dot_general3A_33 = tpu.matmul %max3A_28, %get3A_31, %dot_general3A_32 {dimension_numbers = #tpu.dot_dimension_numbers<[1], [0], [0], [1], [0, 0, 1, 1], [], []>, transpose_lhs_hint = false} : vector<10000x128xf32>, vector<128x7xf32>, vector<10000x7xf32> -> vector<10000x7xf32>
    %get3A_34 = arith.constant 0 : index
    %get3A_35 = arith.constant 0 : index
    %get3A_36 = vector.load %arg10[%get3A_34, %get3A_35] : memref<5x8xf32, #tpu.memory_space<vmem>>, vector<1x7xf32>
    %add3A_37 = vector.broadcast %get3A_36 : vector<1x7xf32> to vector<10000x7xf32>
    %add3A_38 = arith.addf %dot_general3A_33, %add3A_37 : vector<10000x7xf32>
    %swap3A = arith.constant 0 : index
    %swap3A_39 = arith.constant 0 : index
    %swap3A_40 = vector.load %arg11[%swap3A, %swap3A_39] : memref<10000x7xf32, #tpu.memory_space<vmem>>, vector<10000x7xf32>
    tpu.vector_store %arg11[%swap3A, %swap3A_39], %add3A_38 {strides = array<i32>} : memref<10000x7xf32, #tpu.memory_space<vmem>>, vector<10000x7xf32>,
    %get3A_41 = arith.constant 1 : index
    %get3A_42 = arith.constant 0 : index
    %get3A_43 = arith.constant 0 : index
    %get3A_44 = vector.load %arg1[%get3A_41, %get3A_42, %get3A_43] : memref<5x128x256xf32, #tpu.memory_space<vmem>>, vector<1x128x256xf32>
    %get3A_45 = vector.shape_cast %get3A_44 : vector<1x128x256xf32> to vector<128x256xf32>
    %dot_general3A_46 = arith.constant dense<0.000000e+00> : vector<10000x256xf32>
    %dot_general3A_47 = tpu.matmul %get3A_1, %get3A_45, %dot_general3A_46 {dimension_numbers = #tpu.dot_dimension_numbers<[1], [0], [0], [1], [0, 0, 1, 1], [], []>, transpose_lhs_hint = false} : vector<10000x128xf32>, vector<128x256xf32>, vector<10000x256xf32> -> vector<10000x256xf32>
    %get3A_48 = arith.constant 1 : index
    %get3A_49 = arith.constant 0 : index
    %get3A_50 = vector.load %arg2[%get3A_48, %get3A_49] : memref<5x256xf32, #tpu.memory_space<vmem>>, vector<1x256xf32>
    %add3A_51 = vector.broadcast %get3A_50 : vector<1x256xf32> to vector<10000x256xf32>
    %add3A_52 = arith.addf %dot_general3A_47, %add3A_51 : vector<10000x256xf32>
    %max3A_53 = arith.constant 0.000000e+00 : f32
    %max3A_54 = vector.broadcast %max3A_53 : f32 to vector<10000x256xf32>
    %max3A_55 = arith.maximumf %add3A_52, %max3A_54 : vector<10000x256xf32>
    %get3A_56 = arith.constant 1 : index
    %get3A_57 = arith.constant 0 : index
    %get3A_58 = arith.constant 0 : index
    %get3A_59 = vector.load %arg3[%get3A_56, %get3A_57, %get3A_58] : memref<5x256x128xf32, #tpu.memory_space<vmem>>, vector<1x256x128xf32>
    %get3A_60 = vector.shape_cast %get3A_59 : vector<1x256x128xf32> to vector<256x128xf32>
    %dot_general3A_61 = arith.constant dense<0.000000e+00> : vector<10000x128xf32>
    %dot_general3A_62 = tpu.matmul %max3A_55, %get3A_60, %dot_general3A_61 {dimension_numbers = #tpu.dot_dimension_numbers<[1], [0], [0], [1], [0, 0, 1, 1], [], []>, transpose_lhs_hint = false} : vector<10000x256xf32>, vector<256x128xf32>, vector<10000x128xf32> -> vector<10000x128xf32>
    %get3A_63 = arith.constant 1 : index
    %get3A_64 = arith.constant 0 : index
    %get3A_65 = vector.load %arg4[%get3A_63, %get3A_64] : memref<5x128xf32, #tpu.memory_space<vmem>>, vector<1x128xf32>
    %add3A_66 = vector.broadcast %get3A_65 : vector<1x128xf32> to vector<10000x128xf32>
    %add3A_67 = arith.addf %dot_general3A_62, %add3A_66 : vector<10000x128xf32>
    %max3A_68 = arith.constant 0.000000e+00 : f32
    %max3A_69 = vector.broadcast %max3A_68 : f32 to vector<10000x128xf32>
    %max3A_70 = arith.maximumf %add3A_67, %max3A_69 : vector<10000x128xf32>
    %get3A_71 = arith.constant 0 : index
    %get3A_72 = arith.constant 0 : index
    %get3A_73 = vector.load %arg6[%get3A_71, %get3A_72] : memref<128x2xf32, #tpu.memory_space<vmem>>, vector<128x2xf32>
    %dot_general3A_74 = arith.constant dense<0.000000e+00> : vector<10000x2xf32>
    %dot_general3A_75 = tpu.matmul %max3A_70, %get3A_73, %dot_general3A_74 {dimension_numbers = #tpu.dot_dimension_numbers<[1], [0], [0], [1], [0, 0, 1, 1], [], []>, transpose_lhs_hint = false} : vector<10000x128xf32>, vector<128x2xf32>, vector<10000x2xf32> -> vector<10000x2xf32>
    %get3A_76 = arith.constant 1 : index
    %get3A_77 = arith.constant 0 : index
    %get3A_78 = vector.load %arg10[%get3A_76, %get3A_77] : memref<5x8xf32, #tpu.memory_space<vmem>>, vector<1x2xf32>
    %add3A_79 = vector.broadcast %get3A_78 : vector<1x2xf32> to vector<10000x2xf32>
    %add3A_80 = arith.addf %dot_general3A_75, %add3A_79 : vector<10000x2xf32>
    %swap3A_81 = arith.constant 0 : index
    %swap3A_82 = arith.constant 0 : index
    %swap3A_83 = vector.load %arg12[%swap3A_81, %swap3A_82] : memref<10000x2xf32, #tpu.memory_space<vmem>>, vector<10000x2xf32>
    tpu.vector_store %arg12[%swap3A_81, %swap3A_82], %add3A_80 {strides = array<i32>} : memref<10000x2xf32, #tpu.memory_space<vmem>>, vector<10000x2xf32>,
    %get3A_84 = arith.constant 2 : index
    %get3A_85 = arith.constant 0 : index
    %get3A_86 = arith.constant 0 : index
    %get3A_87 = vector.load %arg1[%get3A_84, %get3A_85, %get3A_86] : memref<5x128x256xf32, #tpu.memory_space<vmem>>, vector<1x128x256xf32>
    %get3A_88 = vector.shape_cast %get3A_87 : vector<1x128x256xf32> to vector<128x256xf32>
    %dot_general3A_89 = arith.constant dense<0.000000e+00> : vector<10000x256xf32>
    %dot_general3A_90 = tpu.matmul %get3A_1, %get3A_88, %dot_general3A_89 {dimension_numbers = #tpu.dot_dimension_numbers<[1], [0], [0], [1], [0, 0, 1, 1], [], []>, transpose_lhs_hint = false} : vector<10000x128xf32>, vector<128x256xf32>, vector<10000x256xf32> -> vector<10000x256xf32>
    %get3A_91 = arith.constant 2 : index
    %get3A_92 = arith.constant 0 : index
    %get3A_93 = vector.load %arg2[%get3A_91, %get3A_92] : memref<5x256xf32, #tpu.memory_space<vmem>>, vector<1x256xf32>
    %add3A_94 = vector.broadcast %get3A_93 : vector<1x256xf32> to vector<10000x256xf32>
    %add3A_95 = arith.addf %dot_general3A_90, %add3A_94 : vector<10000x256xf32>
    %max3A_96 = arith.constant 0.000000e+00 : f32
    %max3A_97 = vector.broadcast %max3A_96 : f32 to vector<10000x256xf32>
    %max3A_98 = arith.maximumf %add3A_95, %max3A_97 : vector<10000x256xf32>
    %get3A_99 = arith.constant 2 : index
    %get3A_100 = arith.constant 0 : index
    %get3A_101 = arith.constant 0 : index
    %get3A_102 = vector.load %arg3[%get3A_99, %get3A_100, %get3A_101] : memref<5x256x128xf32, #tpu.memory_space<vmem>>, vector<1x256x128xf32>
    %get3A_103 = vector.shape_cast %get3A_102 : vector<1x256x128xf32> to vector<256x128xf32>
    %dot_general3A_104 = arith.constant dense<0.000000e+00> : vector<10000x128xf32>
    %dot_general3A_105 = tpu.matmul %max3A_98, %get3A_103, %dot_general3A_104 {dimension_numbers = #tpu.dot_dimension_numbers<[1], [0], [0], [1], [0, 0, 1, 1], [], []>, transpose_lhs_hint = false} : vector<10000x256xf32>, vector<256x128xf32>, vector<10000x128xf32> -> vector<10000x128xf32>
    %get3A_106 = arith.constant 2 : index
    %get3A_107 = arith.constant 0 : index
    %get3A_108 = vector.load %arg4[%get3A_106, %get3A_107] : memref<5x128xf32, #tpu.memory_space<vmem>>, vector<1x128xf32>
    %add3A_109 = vector.broadcast %get3A_108 : vector<1x128xf32> to vector<10000x128xf32>
    %add3A_110 = arith.addf %dot_general3A_105, %add3A_109 : vector<10000x128xf32>
    %max3A_111 = arith.constant 0.000000e+00 : f32
    %max3A_112 = vector.broadcast %max3A_111 : f32 to vector<10000x128xf32>
    %max3A_113 = arith.maximumf %add3A_110, %max3A_112 : vector<10000x128xf32>
    %get3A_114 = arith.constant 0 : index
    %get3A_115 = arith.constant 0 : index
    %get3A_116 = vector.load %arg7[%get3A_114, %get3A_115] : memref<128x5xf32, #tpu.memory_space<vmem>>, vector<128x5xf32>
    %dot_general3A_117 = arith.constant dense<0.000000e+00> : vector<10000x5xf32>
    %dot_general3A_118 = tpu.matmul %max3A_113, %get3A_116, %dot_general3A_117 {dimension_numbers = #tpu.dot_dimension_numbers<[1], [0], [0], [1], [0, 0, 1, 1], [], []>, transpose_lhs_hint = false} : vector<10000x128xf32>, vector<128x5xf32>, vector<10000x5xf32> -> vector<10000x5xf32>
    %get3A_119 = arith.constant 2 : index
    %get3A_120 = arith.constant 0 : index
    %get3A_121 = vector.load %arg10[%get3A_119, %get3A_120] : memref<5x8xf32, #tpu.memory_space<vmem>>, vector<1x5xf32>
    %add3A_122 = vector.broadcast %get3A_121 : vector<1x5xf32> to vector<10000x5xf32>
    %add3A_123 = arith.addf %dot_general3A_118, %add3A_122 : vector<10000x5xf32>
    %swap3A_124 = arith.constant 0 : index
    %swap3A_125 = arith.constant 0 : index
    %swap3A_126 = vector.load %arg13[%swap3A_124, %swap3A_125] : memref<10000x5xf32, #tpu.memory_space<vmem>>, vector<10000x5xf32>
    tpu.vector_store %arg13[%swap3A_124, %swap3A_125], %add3A_123 {strides = array<i32>} : memref<10000x5xf32, #tpu.memory_space<vmem>>, vector<10000x5xf32>,
    %get3A_127 = arith.constant 3 : index
    %get3A_128 = arith.constant 0 : index
    %get3A_129 = arith.constant 0 : index
    %get3A_130 = vector.load %arg1[%get3A_127, %get3A_128, %get3A_129] : memref<5x128x256xf32, #tpu.memory_space<vmem>>, vector<1x128x256xf32>
    %get3A_131 = vector.shape_cast %get3A_130 : vector<1x128x256xf32> to vector<128x256xf32>
    %dot_general3A_132 = arith.constant dense<0.000000e+00> : vector<10000x256xf32>
    %dot_general3A_133 = tpu.matmul %get3A_1, %get3A_131, %dot_general3A_132 {dimension_numbers = #tpu.dot_dimension_numbers<[1], [0], [0], [1], [0, 0, 1, 1], [], []>, transpose_lhs_hint = false} : vector<10000x128xf32>, vector<128x256xf32>, vector<10000x256xf32> -> vector<10000x256xf32>
    %get3A_134 = arith.constant 3 : index
    %get3A_135 = arith.constant 0 : index
    %get3A_136 = vector.load %arg2[%get3A_134, %get3A_135] : memref<5x256xf32, #tpu.memory_space<vmem>>, vector<1x256xf32>
    %add3A_137 = vector.broadcast %get3A_136 : vector<1x256xf32> to vector<10000x256xf32>
    %add3A_138 = arith.addf %dot_general3A_133, %add3A_137 : vector<10000x256xf32>
    %max3A_139 = arith.constant 0.000000e+00 : f32
    %max3A_140 = vector.broadcast %max3A_139 : f32 to vector<10000x256xf32>
    %max3A_141 = arith.maximumf %add3A_138, %max3A_140 : vector<10000x256xf32>
    %get3A_142 = arith.constant 3 : index
    %get3A_143 = arith.constant 0 : index
    %get3A_144 = arith.constant 0 : index
    %get3A_145 = vector.load %arg3[%get3A_142, %get3A_143, %get3A_144] : memref<5x256x128xf32, #tpu.memory_space<vmem>>, vector<1x256x128xf32>
    %get3A_146 = vector.shape_cast %get3A_145 : vector<1x256x128xf32> to vector<256x128xf32>
    %dot_general3A_147 = arith.constant dense<0.000000e+00> : vector<10000x128xf32>
    %dot_general3A_148 = tpu.matmul %max3A_141, %get3A_146, %dot_general3A_147 {dimension_numbers = #tpu.dot_dimension_numbers<[1], [0], [0], [1], [0, 0, 1, 1], [], []>, transpose_lhs_hint = false} : vector<10000x256xf32>, vector<256x128xf32>, vector<10000x128xf32> -> vector<10000x128xf32>
    %get3A_149 = arith.constant 3 : index
    %get3A_150 = arith.constant 0 : index
    %get3A_151 = vector.load %arg4[%get3A_149, %get3A_150] : memref<5x128xf32, #tpu.memory_space<vmem>>, vector<1x128xf32>
    %add3A_152 = vector.broadcast %get3A_151 : vector<1x128xf32> to vector<10000x128xf32>
    %add3A_153 = arith.addf %dot_general3A_148, %add3A_152 : vector<10000x128xf32>
    %max3A_154 = arith.constant 0.000000e+00 : f32
    %max3A_155 = vector.broadcast %max3A_154 : f32 to vector<10000x128xf32>
    %max3A_156 = arith.maximumf %add3A_153, %max3A_155 : vector<10000x128xf32>
    %get3A_157 = arith.constant 0 : index
    %get3A_158 = arith.constant 0 : index
    %get3A_159 = vector.load %arg8[%get3A_157, %get3A_158] : memref<128x4xf32, #tpu.memory_space<vmem>>, vector<128x4xf32>
    %dot_general3A_160 = arith.constant dense<0.000000e+00> : vector<10000x4xf32>
    %dot_general3A_161 = tpu.matmul %max3A_156, %get3A_159, %dot_general3A_160 {dimension_numbers = #tpu.dot_dimension_numbers<[1], [0], [0], [1], [0, 0, 1, 1], [], []>, transpose_lhs_hint = false} : vector<10000x128xf32>, vector<128x4xf32>, vector<10000x4xf32> -> vector<10000x4xf32>
    %get3A_162 = arith.constant 3 : index
    %get3A_163 = arith.constant 0 : index
    %get3A_164 = vector.load %arg10[%get3A_162, %get3A_163] : memref<5x8xf32, #tpu.memory_space<vmem>>, vector<1x4xf32>
    %add3A_165 = vector.broadcast %get3A_164 : vector<1x4xf32> to vector<10000x4xf32>
    %add3A_166 = arith.addf %dot_general3A_161, %add3A_165 : vector<10000x4xf32>
    %swap3A_167 = arith.constant 0 : index
    %swap3A_168 = arith.constant 0 : index
    %swap3A_169 = vector.load %arg14[%swap3A_167, %swap3A_168] : memref<10000x4xf32, #tpu.memory_space<vmem>>, vector<10000x4xf32>
    tpu.vector_store %arg14[%swap3A_167, %swap3A_168], %add3A_166 {strides = array<i32>} : memref<10000x4xf32, #tpu.memory_space<vmem>>, vector<10000x4xf32>,
    %get3A_170 = arith.constant 4 : index
    %get3A_171 = arith.constant 0 : index
    %get3A_172 = arith.constant 0 : index
    %get3A_173 = vector.load %arg1[%get3A_170, %get3A_171, %get3A_172] : memref<5x128x256xf32, #tpu.memory_space<vmem>>, vector<1x128x256xf32>
    %get3A_174 = vector.shape_cast %get3A_173 : vector<1x128x256xf32> to vector<128x256xf32>
    %dot_general3A_175 = arith.constant dense<0.000000e+00> : vector<10000x256xf32>
    %dot_general3A_176 = tpu.matmul %get3A_1, %get3A_174, %dot_general3A_175 {dimension_numbers = #tpu.dot_dimension_numbers<[1], [0], [0], [1], [0, 0, 1, 1], [], []>, transpose_lhs_hint = false} : vector<10000x128xf32>, vector<128x256xf32>, vector<10000x256xf32> -> vector<10000x256xf32>
    %get3A_177 = arith.constant 4 : index
    %get3A_178 = arith.constant 0 : index
    %get3A_179 = vector.load %arg2[%get3A_177, %get3A_178] : memref<5x256xf32, #tpu.memory_space<vmem>>, vector<1x256xf32>
    %add3A_180 = vector.broadcast %get3A_179 : vector<1x256xf32> to vector<10000x256xf32>
    %add3A_181 = arith.addf %dot_general3A_176, %add3A_180 : vector<10000x256xf32>
    %max3A_182 = arith.constant 0.000000e+00 : f32
    %max3A_183 = vector.broadcast %max3A_182 : f32 to vector<10000x256xf32>
    %max3A_184 = arith.maximumf %add3A_181, %max3A_183 : vector<10000x256xf32>
    %get3A_185 = arith.constant 4 : index
    %get3A_186 = arith.constant 0 : index
    %get3A_187 = arith.constant 0 : index
    %get3A_188 = vector.load %arg3[%get3A_185, %get3A_186, %get3A_187] : memref<5x256x128xf32, #tpu.memory_space<vmem>>, vector<1x256x128xf32>
    %get3A_189 = vector.shape_cast %get3A_188 : vector<1x256x128xf32> to vector<256x128xf32>
    %dot_general3A_190 = arith.constant dense<0.000000e+00> : vector<10000x128xf32>
    %dot_general3A_191 = tpu.matmul %max3A_184, %get3A_189, %dot_general3A_190 {dimension_numbers = #tpu.dot_dimension_numbers<[1], [0], [0], [1], [0, 0, 1, 1], [], []>, transpose_lhs_hint = false} : vector<10000x256xf32>, vector<256x128xf32>, vector<10000x128xf32> -> vector<10000x128xf32>
    %get3A_192 = arith.constant 4 : index
    %get3A_193 = arith.constant 0 : index
    %get3A_194 = vector.load %arg4[%get3A_192, %get3A_193] : memref<5x128xf32, #tpu.memory_space<vmem>>, vector<1x128xf32>
    %add3A_195 = vector.broadcast %get3A_194 : vector<1x128xf32> to vector<10000x128xf32>
    %add3A_196 = arith.addf %dot_general3A_191, %add3A_195 : vector<10000x128xf32>
    %max3A_197 = arith.constant 0.000000e+00 : f32
    %max3A_198 = vector.broadcast %max3A_197 : f32 to vector<10000x128xf32>
    %max3A_199 = arith.maximumf %add3A_196, %max3A_198 : vector<10000x128xf32>
    %get3A_200 = arith.constant 0 : index
    %get3A_201 = arith.constant 0 : index
    %get3A_202 = vector.load %arg9[%get3A_200, %get3A_201] : memref<128x4xf32, #tpu.memory_space<vmem>>, vector<128x4xf32>
    %dot_general3A_203 = arith.constant dense<0.000000e+00> : vector<10000x4xf32>
    %dot_general3A_204 = tpu.matmul %max3A_199, %get3A_202, %dot_general3A_203 {dimension_numbers = #tpu.dot_dimension_numbers<[1], [0], [0], [1], [0, 0, 1, 1], [], []>, transpose_lhs_hint = false} : vector<10000x128xf32>, vector<128x4xf32>, vector<10000x4xf32> -> vector<10000x4xf32>
    %get3A_205 = arith.constant 4 : index
    %get3A_206 = arith.constant 0 : index
    %get3A_207 = vector.load %arg10[%get3A_205, %get3A_206] : memref<5x8xf32, #tpu.memory_space<vmem>>, vector<1x4xf32>
    %add3A_208 = vector.broadcast %get3A_207 : vector<1x4xf32> to vector<10000x4xf32>
    %add3A_209 = arith.addf %dot_general3A_204, %add3A_208 : vector<10000x4xf32>
    %swap3A_210 = arith.constant 0 : index
    %swap3A_211 = arith.constant 0 : index
    %swap3A_212 = vector.load %arg15[%swap3A_210, %swap3A_211] : memref<10000x4xf32, #tpu.memory_space<vmem>>, vector<10000x4xf32>
    tpu.vector_store %arg15[%swap3A_210, %swap3A_211], %add3A_209 {strides = array<i32>} : memref<10000x4xf32, #tpu.memory_space<vmem>>, vector<10000x4xf32>,
    return
  }
}

</mosaic_0001>

<sc_bundles>
// kernel: kernel.14.cloned.1.call-start
scs
__scs_entry_jumppad:
0x0: {  	(pc) =	sbr.rel $0x88, $3  }
0x1: {  	(tag) =	ssettag $0x0;
	lr =	simm.s32 $0x1  }
0x2: {  	[smem:$0x3F8B] =	sst lr;
	_ =	strace $0xD0000000  }
0x3: {  	_ = 	snop  }
0x4: {  	_ = 	snop  }
0x5: {  	_ = 	snop  }
0x6: {  	_ = 	snop  }
0x7: {  	_ = 	snop  }
__scs_overlays_trampoline_lowered:
0x8: {  	[smem:$0x3F9A] =	sst s0  }
0x9: {  	[smem:$0x3F9B] =	sst s1  }
0xa: {  	[smem:$0x3F9C] =	sst s2  }
0xb: {  	[smem:$0x3F9D] =	sst s3  }
0xc: {  	[smem:$0x3F9E] =	sst s4  }
0xd: {  	[smem:$0x3F9F] =	sst s5  }
0xe: {  	[smem:$0x3FA0] =	sst s6  }
0xf: {  	[smem:$0x3FA1] =	sst s7  }
0x10: {  	[smem:$0x3FA2] =	sst s8  }
0x11: {  	[smem:$0x3FA3] =	sst s9;
	s0 =	simm.s32 @!p0 $0x0  }
0x12: {  	s1 =	sld [smem:$0x3F89];
	s0 =	simm.s32 @p0 $0x1  }
0x13: {  	[smem:$0x3FA4] =	sst s0;
	s0 =	simm.s32 @!p1 $0x0  }
0x14: {  	s2 =	sld [smem:$0x3F88];
	s0 =	simm.s32 @p1 $0x1  }
0x15: {  	[smem:$0x3FA5] =	sst s0;
	s0 =	simm.s32 @!p2 $0x0  }
0x16: {  	s3 =	sld [smem:$0x3FDB];
	s0 =	simm.s32 @p2 $0x1  }
0x17: {  	s4 =	simm.s32 $0x1BF5;
	[smem:$0x3FA7] =	sst s0  }
0x18: {  	s0 =	sld [smem:$0x3F8A];
	_ =	swait.ge [sflag:s4], $0x0  }
0x19: {  	s7 =	sld [smem:$0x3F8B]  }
0x1a: {  	s8 =	sadd.s32 $0xFFFFE003, lr  }
0x1b: {  	s9 =	sadd.s32 $0xFFFFFEF7, lr;
	s5 =	simm.s32 $0xFFFFFFFF;
	p2 =	slt.u32 s8, $0xFFFFF086  }
0x1c: {  	p1 =	slt.u32 s9, $0xF7A;
	s5 =	simm.s32 @!p2 $0x0  }
0x1d: {  	s5 =	simm.s32 @p1 $0x1;
	p0 =	seq.s32 s7, s2  }
0x1e: {  	s7 =	smul.u32 @!p0 $0xF7A, s2;
	p2 =	seq.s32 @!p0 s5, $0x0  }
0x1f: {  	s9 =	smul.u32 $0xF7A, s1;
	s8 =	simm.s32 @!p0 $0x1BF5;
	p2 =	por !p2, p0  }
0x20: {  	[sflag:s8] =	ssyncset.s32 @!p0 $0xFFFFF086;
	s6 =	sadd.s32 @!p0 s3, s7;
	s7 =	simm.s32 @!p0 $0x108  }
0x21: {  	s3 =	sadd.s32 s3, s9;
	s6 =	sadd.s32 @!p0 $0x88, s6;
	s7 =	simm.s32 @p2 $0x1082  }
0x22: {  	[simem:s7], [sflag:s8] =	dma.local @!p0 [hbm:s6], $0xF7A  }
0x23: {  	s9 =	sor.u32 $0xD0000000, s2;
	s6 =	simm.s32 $0x108;
	_ =	swait.ge @!p0 [sflag:s8], $0x0  }
0x24: {  	s3 =	sadd.s32 $0x88, s3;
	s6 =	simm.s32 @!p1 $0x1082;
	[sflag:s4] =	ssyncset.s32 $0xFFFFF086  }
0x25: {  	[simem:s6], [sflag:s4] =	dma.local [hbm:s3], $0xF7A  }
0x26: {  	[smem:$0x3F8B] =	sst s1;
	(tag) =	ssettag s2;
	_ =	strace s9  }
0x27: {  	s1 =	sld [smem:$0x3F9B]  }
0x28: {  	s2 =	sld [smem:$0x3F9C]  }
0x29: {  	s4 =	sld [smem:$0x3F9E]  }
0x2a: {  	p0 =	seq.s32 s5, $0x0;
	s5 =	sld [smem:$0x3F9F]  }
0x2b: {  	s6 =	sld [smem:$0x3FA0]  }
0x2c: {  	s7 =	sld [smem:$0x3FA1]  }
0x2d: {  	s3 =	simm.s32 $0x108;
	s8 =	sld [smem:$0x3FA2]  }
0x2e: {  	s3 =	simm.s32 @!p0 $0x1082;
	s9 =	sld [smem:$0x3FA3]  }
0x2f: {  	lr =	sadd.s32 s0, s3;
	s0 =	sld [smem:$0x3F9A]  }
0x30: {  	s3 =	sld [smem:$0x3F9D]  }
0x31: {  	[smem:$0x3FA6] =	sst s10  }
0x32: {  	s10 =	sld [smem:$0x3FA4];
	_ =	sdelay $0x3  }
0x33: {  	p0 =	seq.s32 s10, $0x1;
	s10 =	sld [smem:$0x3FA6];
	_ =	sdelay $0x3  }
0x34: {  	[smem:$0x3FA6] =	sst s10  }
0x35: {  	s10 =	sld [smem:$0x3FA5];
	_ =	sdelay $0x3  }
0x36: {  	p1 =	seq.s32 s10, $0x1;
	s10 =	sld [smem:$0x3FA6];
	_ =	sdelay $0x3  }
0x37: {  	[smem:$0x3FA6] =	sst s10  }
0x38: {  	s10 =	sld [smem:$0x3FA7]  }
0x39: {  	_ = 	snop;
	(pc) =	sbr.ind lr, $3  }
0x3a: {  	_ = 	snop  }
0x3b: {  	_ = 	snop  }
0x3c: {  	p2 =	seq.s32 s10, $0x1;
	s10 =	sld [smem:$0x3FA6]  }
0x3d: {  	_ =	shalt  }
0x3e: {  	_ =	shalt  }
0x3f: {  	_ =	shalt  }
0x40: {  	_ =	shalt  }
0x41: {  	_ =	shalt  }
0x42: {  	_ =	shalt  }
0x43: {  	_ =	shalt  }
0x44: {  	_ =	shalt  }
0x45: {  	_ =	shalt  }
0x46: {  	_ =	shalt  }
0x47: {  	_ =	shalt  }
0x48: {  	_ =	shalt  }
0x49: {  	_ =	shalt  }
0x4a: {  	_ =	shalt  }
0x4b: {  	_ =	shalt  }
0x4c: {  	_ =	shalt  }
0x4d: {  	_ =	shalt  }
0x4e: {  	_ =	shalt  }
0x4f: {  	_ =	shalt  }
0x50: {  	_ =	shalt  }
0x51: {  	_ =	shalt  }
0x52: {  	_ =	shalt  }
0x53: {  	_ =	shalt  }
0x54: {  	_ =	shalt  }
0x55: {  	_ =	shalt  }
0x56: {  	_ =	shalt  }
0x57: {  	_ =	shalt  }
0x58: {  	_ =	shalt  }
0x59: {  	_ =	shalt  }
0x5a: {  	_ =	shalt  }
0x5b: {  	_ =	shalt  }
0x5c: {  	_ =	shalt  }
0x5d: {  	_ =	shalt  }
0x5e: {  	_ =	shalt  }
0x5f: {  	_ =	shalt  }
0x60: {  	_ =	shalt  }
0x61: {  	_ =	shalt  }
0x62: {  	_ =	shalt  }
0x63: {  	_ =	shalt  }
0x64: {  	_ =	shalt  }
0x65: {  	_ =	shalt  }
0x66: {  	_ =	shalt  }
0x67: {  	_ =	shalt  }
0x68: {  	_ =	shalt  }
0x69: {  	_ =	shalt  }
0x6a: {  	_ =	shalt  }
0x6b: {  	_ =	shalt  }
0x6c: {  	_ =	shalt  }
0x6d: {  	_ =	shalt  }
0x6e: {  	_ =	shalt  }
0x6f: {  	_ =	shalt  }
0x70: {  	_ =	shalt  }
0x71: {  	_ =	shalt  }
0x72: {  	_ =	shalt  }
0x73: {  	_ =	shalt  }
0x74: {  	_ =	shalt  }
0x75: {  	_ =	shalt  }
0x76: {  	_ =	shalt  }
0x77: {  	_ =	shalt  }
0x78: {  	_ =	shalt  }
0x79: {  	_ =	shalt  }
0x7a: {  	_ =	shalt  }
0x7b: {  	_ =	shalt  }
0x7c: {  	_ =	shalt  }
0x7d: {  	_ =	shalt  }
0x7e: {  	_ =	shalt  }
0x7f: {  	_ =	shalt  }
0x80: {  	_ =	shalt  }
0x81: {  	_ =	shalt  }
0x82: {  	_ =	shalt  }
0x83: {  	_ =	shalt  }
0x84: {  	_ =	shalt  }
0x85: {  	_ =	shalt  }
0x86: {  	_ =	shalt  }
0x87: {  	_ =	shalt  }
.Lfunc_end0:
.L_simem_size_0:
called_computation_lowered:
.L_overlay_start_0:
0x88: {  	s2 =	sld [smem:$0x3FD9]  }
0x89: {  	s3 =	sld [smem:$0x3FFE];
	_ =	sdelay $0x1  }
0x8a: {  	s1 =	srdreg.scid  }
0x8b: {  	s0 =	sand.u32 $0x1, s1  }
0x8c: {  	s15 =	sshll.u32 s0, $0xA;
	s2 =	sadd.s32 s3, s2  }
0x8d: {  	s2 =	sadd.s32 s2, s15  }
0x8e: {  	[smem:$0x3FB2] =	sst s2  }
0x8f: {  	_ = 	snop  }
0x90: {  	s2 =	sld [smem:$0x3FD0];
	_ =	sdelay $0x2  }
0x91: {  	s16 =	simm.s32 $0xB;
	s4 =	simm.s32 $0x10  }
0x92: {  	[smem:s4], [sflag:s16] =	dma.local [hbm:s2], $0x1  }
0x93: {  	_ =	swait.eq [sflag:s16], $0x1  }
0x94: {  	[sflag:s16] =	ssyncset.done $0x0  }
0x95: {  	[sflag:s16] =	ssyncadd.s32 $0xFFFFFFFF  }
0x96: {  	s17 =	sld [smem:$0x11];
	(tm) =	ssettm $0x1  }
0x97: {  	s18 =	sld [smem:$0x3FFB];
	_ =	sdelay $0x3  }
0x98: {  	_ =	strace s18  }
0x99: {  	s2 =	sld [smem:$0x3FFC];
	_ =	sdelay $0x3  }
0x9a: {  	_ =	strace s2  }
0x9b: {  	s2 =	sld [smem:$0x3FFD];
	_ =	sdelay $0x3  }
0x9c: {  	_ =	strace s2  }
0x9d: {  	_ =	strace $0x8FFFFFFF  }
0x9e: {  	s19 =	sld [smem:$0x3FDB];
	_ =	sdelay $0x1  }
0x9f: {  	s20 =	simm.s32 $_scs_section_size  }
0xa0: {  	s5 =	simm.s32 $_size__tile_overlayer_lowered;
	s6 =	simm.s32 $_tile_overlayer_lowered  }
0xa1: {  	s7 =	simm.s32 $0x1BFF;
	s21 =	sshll.u32 s6, $0x1;
	s4 =	sadd.s32 s20, s19  }
0xa2: {  	s22 =	simm.s32 $0x0;
	s5 =	sshll.u32 s5, $0x1;
	s6 =	sadd.s32 s21, s4  }
0xa3: {  	[timem:s22], [sflag:s7] =	dma.local [hbm:s6], s5  }
0xa4: {  	_ =	swait.ge [sflag:s7], s5  }
0xa5: {  	s5 =	ssub.s32 $0x0, s5;
	[sflag:s7] =	ssyncset.done $0x0  }
0xa6: {  	[sflag:s7] =	ssyncadd.s32 s5;
	_ =	sdelay $0x1  }
0xa7: {  	s23 =	simm.s32 $0x1B8B  }
0xa8: {  	_ =	swait.ge [sflag:s23], $0x1  }
0xa9: {  	[sflag:s23] =	ssyncset.done $0x0  }
0xaa: {  	[sflag:s23] =	ssyncadd.s32 $0xFFFFFFFF  }
0xab: {  	s5 =	sld [smem:$0x0]  }
0xac: {  	s6 =	sand.u32 $0xFFFFFFFE, s1  }
0xad: {  	p0 =	sne.s32 s1, s6  }
0xae: {  	s6 =	sshll.u32 @p0 s6, $0xE  }
0xaf: {  	s6 =	sadd.s32 @p0 $0x11B8D, s6;
	s7 =	sshll.u32 @p0 s5, $0x11  }
0xb0: {  	s6 =	sor.u32 @p0 s7, s6  }
0xb1: {  	[sflag:s6] =	ssyncadd.remote.s32 @p0 $0x1;
	_ =	sdelay $0x1  }
0xb2: {  	s6 =	simm.s32 @p0 $0x1B8D  }
0xb3: {  	_ =	swait.eq @p0 [sflag:s6], $0x1  }
0xb4: {  	[sflag:s6] =	ssyncadd.s32 @p0 $0xFFFFFFFF  }
0xb5: {  	s7 =	sshll.u32 @!p0 s1, $0xE  }
0xb6: {  	s7 =	sor.u32 @!p0 $0x4000, s7;
	s6 =	simm.s32 @!p0 $0x1B8D  }
0xb7: {  	s5 =	sshll.u32 @!p0 s5, $0x11;
	s7 =	sadd.s32 @!p0 $0x11B8D, s7;
	_ =	swait.eq @!p0 [sflag:s6], $0x1  }
0xb8: {  	s5 =	sor.u32 @!p0 s5, s7;
	[sflag:s6] =	ssyncadd.s32 @!p0 $0xFFFFFFFF  }
0xb9: {  	s25 =	simm.s32 $0x1B8E;
	s24 =	sld [smem:$0x3FFE];
	[sflag:s5] =	ssyncadd.remote.s32 @!p0 $0x1  }
0xba: {  	s26 =	simm.s32 $execute0_lowered;
	[smem:$0x3FD2] =	sst s25  }
0xbb: {  	s6 =	sshll.u32 s26, $0x1;
	_ =	strace $0x80000049;
	[dreg:$0x1] =	wrdreg $0xFFFFFFFF  }
0xbc: {  	s28 =	simm.s32 $_size_execute0_lowered;
	s4 =	sadd.s32 s4, s6;
	[dreg:$0x0] =	wrdreg $0x0  }
0xbd: {  	s6 =	sshll.u32 s28, $0x1;
	[dreg:$0x2] =	wrdreg s4  }
0xbe: {  	[dreg:$0x3] =	wrdreg s6  }
0xbf: {  	[dreg:$0x4] =	wrdreg $0xC0  }
0xc0: {  	_ =	task [dreg:s22], $0x5FFFF  }
0xc1: {  	[dreg:$0x1] =	wrdreg $0xFFFFFFFF  }
0xc2: {  	[dreg:$0x0] =	wrdreg $0x60  }
0xc3: {  	[dreg:$0x2] =	wrdreg s24  }
0xc4: {  	[dreg:$0x3] =	wrdreg s17  }
0xc5: {  	[dreg:$0x4] =	wrdreg $0x68000  }
0xc6: {  	[dreg:$0x5] =	wrdreg $0x9  }
0xc7: {  	_ =	task.clear_ibuf [dreg:s22], $0x6FFFF;
	_ =	strace $0x90000049  }
0xc8: {  	s29 =	simm.s32 $0x9;
	_ =	strace $0x8000004B  }
0xc9: {  	_ =	swait.ge [sflag:s29], $0x1  }
0xca: {  	[sflag:s29] =	ssyncadd.s32 $0xFFFFFFFF  }
0xcb: {  	_ =	strace $0x9000004B  }
0xcc: {  	_ =	sfence  }
0xcd: {  	s30 =	sld [smem:$0x0];
	_ =	sdelay $0x2  }
0xce: {  	s31 =	sshll.u32 s1, $0xD;
	s1 =	sshrl.u32 s1, $0x2  }
0xcf: {  	s4 =	sand.u32 $0x4000, s31;
	s1 =	sadd.s32 s1, s30  }
0xd0: {  	s0 =	sor.u32 s4, s0;
	s1 =	sshll.u32 s1, $0x11  }
0xd1: {  	s0 =	sor.u32 s1, s0  }
0xd2: {  	s0 =	sadd.s32 $0x8F2B, s0  }
0xd3: {  	[sflag:s0] =	ssyncadd.remote.s32 $0x1  }
0xd4: {  	_ =	sfence.sel $0xFFFF  }
0xd5: {  	[dreg:$0x0] =	wrdreg $0xFFFFFFFF;
	(pc) =	sbr.abs _section_cstart, $3  }
0xd6: {  	[dreg:$0x1] =	wrdreg $0xFFFFFFFF  }
0xd7: {  	_ =	task.clear_ibuf [dreg:s22], $0x2FFFF;
	_ =	strace $0x9FFFFFFF  }
0xd8: {  	(tm) =	ssettm $0x7FFFFFFF  }
0xd9: {  	_ =	shalt  }
tec
execute0_lowered:
.L_overlay_start_1:
0x0: {  	(tag) =	ssettag $0x1  }
0x1: {  	s1 =	srdreg.scid;
	s5 =	rddreg [dreg:$0x0]  }
0x2: {  	s0 =	stileid.u32;
	s2 =	rddreg [dreg:$0x1]  }
0x3: {  	s3 =	rddreg [dreg:$0x2];
	s4 =	simm.s32 $0x0;
	s13 =	simm.s32 $0x80  }
0x4: {  	s14 =	simm.s32 $0x1;
	s15 =	simm.s32 $0x2;
	s16 =	simm.s32 $0x0  }
0x5: {  	s6 =	sand.u32 $0x1, s1;
	s28 =	sshll.u32 s0, $0x1;
	s8 =	smul.u32 $0x14000, s0  }
0x6: {  	[smem:$0x7FF] =	sst s4;
	s29 =	smul.u32 $0x50000, s0;
	s31 =	sshll.u32 s0, $0x6  }
0x7: {  	s1 =	sor.u32 s6, s28;
	s9 =	smul.u32 $0x140000, s6;
	s6 =	ssub.s32 $0x2, s6  }
0x8: {  	s7 =	smul.u32 $0x500, s1;
	s1 =	rddreg [dreg:$0x3];
	_ =	strace $0x8000004A  }
0x9: {  	s10 =	sshrl.u32 s8, $0x3;
	s30 =	sshrl.u32 s6, $0x1;
	s8 =	sadd.s32 s8, s9  }
0xa: {  	s10 =	sadd.s32 s10, s5;
	s9 =	sshrl.u32 s29, $0x2;
	s11 =	ssub.s32 s6, s30  }
0xb: {  	s6 =	sor.u32 $0x1C03, s31;
	s7 =	sadd.s32 s7, s5;
	s8 =	sshrl.u32 s8, $0x3  }
0xc: {  	s12 =	sadd.s32 s9, s3;
	s9 =	smax.u32 s11, $0x1;
	s11 =	simm.s32 $0x3  }
0xd: {  	s8 =	sadd.s32 s8, s5;
	s5 =	sadd.s32 $0x1B800, s10;
	s7 =	sadd.s32 $0x7800, s7  }
0xe: {  	s10 =	sshrl.u32 s12, $0x3;
	s12 =	simm.s32 $0x2800;
	s8 =	sadd.s32 $0x93800, s8  }
.LBB2_1:
0xf: {  	[spmem:s10], [sflag:s6] =	dma.local [hbm:s5], $0x2800  }
0x10: {  	_ =	swait.ge [sflag:s11], $0x2800  }
0x11: {  	[sflag:s11] =	ssyncset.done $0x0  }
0x12: {  	[sflag:s11] =	ssyncadd.s32 $0xFFFFD800  }
0x13: {  	[tilespmem:s4], [sflag:$0x3] =	stream.linear.gather [hbm4b:s7+s4], $0x2780, $0x38;
	[tilespmem:$0x1A800] =	vst v63  }
0x14: {  	_ =	swait.ge [sflag:s11], $0x2780  }
0x15: {  	[sflag:s11] =	ssyncset.done $0x0  }
0x16: {  	[sflag:s11] =	ssyncadd.s32 $0xFFFFD880  }
0x17: {  	[tilespmem:s12], [sflag:$0x3] =	stream.linear.gather [hbm4b:s2+s4], $0x4000, $0x38;
	[tilespmem:$0x1A800] =	vst v63  }
0x18: {  	_ =	swait.ge [sflag:s11], $0x4000  }
0x19: {  	[sflag:s11] =	ssyncset.done $0x0  }
0x1a: {  	[sflag:s11] =	ssyncadd.s32 $0xFFFFC000  }
0x1b: {  	[bflag:$0x0] =	sbarrier.arrive $0xFFFF  }
0x1c: {  	[spmem:s3] =	stream.indirect.scatter.add.f32 [tilespmem:s12], [sflag:$0x1], $0x80, s4, s13, $0xb8;
	[tilespmem:$0x1A800] =	vst v63  }
0x1d: {  	s17 =	simm.s32 $0x80  }
0x1e: {  	[spmem:s3] =	stream.indirect.scatter.add.f32 [tilespmem:s12], [sflag:$0x2], $0x80, s17, s13, $0xb8;
	[tilespmem:$0x1A800] =	vst v63  }
0x1f: {  	_ =	swait.ge [sflag:s14], $0x4000  }
0x20: {  	[sflag:s14] =	ssyncset.done $0x0  }
0x21: {  	s31 =	simm.s32 $0x100;
	[sflag:s14] =	ssyncadd.s32 $0xFFFFC000  }
0x22: {  	[spmem:s3] =	stream.indirect.scatter.add.f32 [tilespmem:s12], [sflag:$0x1], $0x80, s31, s13, $0xb8;
	[tilespmem:$0x1A800] =	vst v63  }
0x23: {  	_ =	swait.ge [sflag:s15], $0x4000  }
0x24: {  	s18 =	simm.s32 $0xFFFF6C00;
	s17 =	simm.s32 $0xFFFFDA00;
	[sflag:s15] =	ssyncset.done $0x0  }
.LBB2_2:
0x25: {  	s19 =	sadd.s32 $0x2780, s17  }
0x26: {  	[sflag:s15] =	ssyncadd.s32 $0xFFFFC000;
	s20 =	smov.u32 s18;
	s21 =	sadd.s32 $0x400, s18  }
0x27: {  	[spmem:s3] =	stream.indirect.scatter.add.f32 [tilespmem:s12], [sflag:$0x2], $0x80, s19, s13, $0xb8;
	[tilespmem:$0x1A800] =	vst v63  }
0x28: {  	p0 =	sne.s32 s18, $0xFFFFFC00;
	_ =	swait.ge [sflag:s14], $0x4000  }
.Ltmp0:
0x29: {  	[sflag:s14] =	ssyncset.done $0x0;
	(pc) =	sbr.rel @p0 .LBB2_2-.Ltmp0, $4  }
0x2a: {  	s17 =	sadd.s32 $0x2800, s17;
	[sflag:s14] =	ssyncadd.s32 $0xFFFFC000  }
0x2b: {  	[spmem:s3] =	stream.indirect.scatter.add.f32 [tilespmem:s12], [sflag:$0x1], $0x80, s17, s13, $0xb8;
	[tilespmem:$0x1A800] =	vst v63  }
0x2c: {  	_ =	swait.ge [sflag:s15], $0x4000  }
0x2d: {  	s18 =	smov.u32 s21;
	s17 =	sshra.s32 s20, $0x2;
	[sflag:s15] =	ssyncset.done $0x0  }
0x2e: {  	s18 =	sadd.s32 $0x2780, s17;
	[sflag:s15] =	ssyncadd.s32 $0xFFFFC000  }
0x2f: {  	[spmem:s3] =	stream.indirect.scatter.add.f32 [tilespmem:s12], [sflag:$0x2], $0x80, s18, s13, $0xb8;
	[tilespmem:$0x1A800] =	vst v63  }
0x30: {  	_ =	swait.ge [sflag:s14], $0x4000  }
0x31: {  	[sflag:s14] =	ssyncset.done $0x0  }
0x32: {  	s31 =	sadd.s32 $0x2800, s17;
	[sflag:s14] =	ssyncadd.s32 $0xFFFFC000  }
0x33: {  	[spmem:s3] =	stream.indirect.scatter.add.f32 [tilespmem:s12], [sflag:$0x1], $0x80, s31, s13, $0xb8;
	[tilespmem:$0x1A800] =	vst v63  }
0x34: {  	_ =	swait.ge [sflag:s15], $0x4000  }
0x35: {  	[sflag:s15] =	ssyncset.done $0x0  }
0x36: {  	[sflag:s15] =	ssyncadd.s32 $0xFFFFC000  }
0x37: {  	_ =	swait.ge [sflag:s14], $0x4000  }
0x38: {  	s16 =	sadd.s32 $0x1, s16;
	[sflag:s14] =	ssyncset.done $0x0  }
0x39: {  	p0 =	sne.s32 s16, s9;
	[sflag:s14] =	ssyncadd.s32 $0xFFFFC000  }
.Ltmp1:
0x3a: {  	[bflag:$0x0] =	sbarrier.arrive $0xFFFF;
	(pc) =	sbr.rel @p0 .LBB2_1-.Ltmp1, $4  }
0x3b: {  	[hbm:s8], [sflag:s6] =	dma.local [spmem:s10], $0x2800  }
0x3c: {  	_ =	swait.ge [sflag:s11], $0x2800  }
0x3d: {  	[sflag:s11] =	ssyncset.done $0x0  }
0x3e: {  	[sflag:s11] =	ssyncadd.s32 $0xFFFFD800  }
0x3f: {  	_ =	sfence.sel $0x180000  }
0x40: {  	[bflag:$0x0] =	sbarrier.arrive $0xFFFF  }
0x41: {  	p0 =	sne.s32 s0, $0x0;
	_ =	strace $0x9000004A  }
0x42: {  	s0 =	sadd.s32 @!p0 $0x100000, s1;
	[bflag:$0x2] =	sbarrier.arrive $0xFFFF  }
0x43: {  	[sflag:s0] =	ssyncadd.tile.s32 @!p0 $0x1;
	_ =	shalt  }
.Lfunc_end2:
_tile_overlayer_lowered:
.L_overlay_start_2:
0x44: {  	(tag) =	ssettag $0x2  }
0x45: {  	s0 =	rddreg [dreg:$0x0];
	s2 =	stileid.u32  }
0x46: {  	s1 =	rddreg [dreg:$0x1];
	p0 =	sne.s32 s2, $0x0  }
0x47: {  	s3 =	rddreg [dreg:$0x2];
	[bflag:$0x3] =	sbarrier.arrive $0xFFFF;
	s2 =	simm.s32 @!p0 $0x1C03  }
0x48: {  	[timem:s3], [sflag:s2] =	dma.local @!p0 [hbm:s0], s1  }
0x49: {  	s0 =	simm.s32 @!p0 $0x3  }
0x4a: {  	_ =	swait.ge @!p0 [sflag:s0], s1  }
0x4b: {  	s1 =	ssub.s32 @!p0 $0x0, s1;
	[sflag:s0] =	ssyncset.done @!p0 $0x0  }
0x4c: {  	[sflag:s0] =	ssyncadd.s32 @!p0 s1  }
0x4d: {  	[bflag:$0x3] =	sbarrier.arrive $0xFFFF  }
0x4e: {  	_ =	shalt  }

// kernel: kernel.17.cloned.1.call-start
scs
__scs_entry_jumppad:
0x0: {  	(pc) =	sbr.rel $0x88, $3  }
0x1: {  	(tag) =	ssettag $0x0;
	lr =	simm.s32 $0x1  }
0x2: {  	[smem:$0x3F8B] =	sst lr;
	_ =	strace $0xD0000000  }
0x3: {  	_ = 	snop  }
0x4: {  	_ = 	snop  }
0x5: {  	_ = 	snop  }
0x6: {  	_ = 	snop  }
0x7: {  	_ = 	snop  }
__scs_overlays_trampoline_lowered:
0x8: {  	[smem:$0x3F9A] =	sst s0  }
0x9: {  	[smem:$0x3F9B] =	sst s1  }
0xa: {  	[smem:$0x3F9C] =	sst s2  }
0xb: {  	[smem:$0x3F9D] =	sst s3  }
0xc: {  	[smem:$0x3F9E] =	sst s4  }
0xd: {  	[smem:$0x3F9F] =	sst s5  }
0xe: {  	[smem:$0x3FA0] =	sst s6  }
0xf: {  	[smem:$0x3FA1] =	sst s7  }
0x10: {  	[smem:$0x3FA2] =	sst s8  }
0x11: {  	[smem:$0x3FA3] =	sst s9;
	s0 =	simm.s32 @!p0 $0x0  }
0x12: {  	s1 =	sld [smem:$0x3F89];
	s0 =	simm.s32 @p0 $0x1  }
0x13: {  	[smem:$0x3FA4] =	sst s0;
	s0 =	simm.s32 @!p1 $0x0  }
0x14: {  	s2 =	sld [smem:$0x3F88];
	s0 =	simm.s32 @p1 $0x1  }
0x15: {  	[smem:$0x3FA5] =	sst s0;
	s0 =	simm.s32 @!p2 $0x0  }
0x16: {  	s3 =	sld [smem:$0x3FDB];
	s0 =	simm.s32 @p2 $0x1  }
0x17: {  	s4 =	simm.s32 $0x1BF5;
	[smem:$0x3FA7] =	sst s0  }
0x18: {  	s0 =	sld [smem:$0x3F8A];
	_ =	swait.ge [sflag:s4], $0x0  }
0x19: {  	s7 =	sld [smem:$0x3F8B]  }
0x1a: {  	s8 =	sadd.s32 $0xFFFFE003, lr  }
0x1b: {  	s9 =	sadd.s32 $0xFFFFFEF7, lr;
	s5 =	simm.s32 $0xFFFFFFFF;
	p2 =	slt.u32 s8, $0xFFFFF086  }
0x1c: {  	p1 =	slt.u32 s9, $0xF7A;
	s5 =	simm.s32 @!p2 $0x0  }
0x1d: {  	s5 =	simm.s32 @p1 $0x1;
	p0 =	seq.s32 s7, s2  }
0x1e: {  	s7 =	smul.u32 @!p0 $0xF7A, s2;
	p2 =	seq.s32 @!p0 s5, $0x0  }
0x1f: {  	s9 =	smul.u32 $0xF7A, s1;
	s8 =	simm.s32 @!p0 $0x1BF5;
	p2 =	por !p2, p0  }
0x20: {  	[sflag:s8] =	ssyncset.s32 @!p0 $0xFFFFF086;
	s6 =	sadd.s32 @!p0 s3, s7;
	s7 =	simm.s32 @!p0 $0x108  }
0x21: {  	s3 =	sadd.s32 s3, s9;
	s6 =	sadd.s32 @!p0 $0x88, s6;
	s7 =	simm.s32 @p2 $0x1082  }
0x22: {  	[simem:s7], [sflag:s8] =	dma.local @!p0 [hbm:s6], $0xF7A  }
0x23: {  	s9 =	sor.u32 $0xD0000000, s2;
	s6 =	simm.s32 $0x108;
	_ =	swait.ge @!p0 [sflag:s8], $0x0  }
0x24: {  	s3 =	sadd.s32 $0x88, s3;
	s6 =	simm.s32 @!p1 $0x1082;
	[sflag:s4] =	ssyncset.s32 $0xFFFFF086  }
0x25: {  	[simem:s6], [sflag:s4] =	dma.local [hbm:s3], $0xF7A  }
0x26: {  	[smem:$0x3F8B] =	sst s1;
	(tag) =	ssettag s2;
	_ =	strace s9  }
0x27: {  	s1 =	sld [smem:$0x3F9B]  }
0x28: {  	s2 =	sld [smem:$0x3F9C]  }
0x29: {  	s4 =	sld [smem:$0x3F9E]  }
0x2a: {  	p0 =	seq.s32 s5, $0x0;
	s5 =	sld [smem:$0x3F9F]  }
0x2b: {  	s6 =	sld [smem:$0x3FA0]  }
0x2c: {  	s7 =	sld [smem:$0x3FA1]  }
0x2d: {  	s3 =	simm.s32 $0x108;
	s8 =	sld [smem:$0x3FA2]  }
0x2e: {  	s3 =	simm.s32 @!p0 $0x1082;
	s9 =	sld [smem:$0x3FA3]  }
0x2f: {  	lr =	sadd.s32 s0, s3;
	s0 =	sld [smem:$0x3F9A]  }
0x30: {  	s3 =	sld [smem:$0x3F9D]  }
0x31: {  	[smem:$0x3FA6] =	sst s10  }
0x32: {  	s10 =	sld [smem:$0x3FA4];
	_ =	sdelay $0x3  }
0x33: {  	p0 =	seq.s32 s10, $0x1;
	s10 =	sld [smem:$0x3FA6];
	_ =	sdelay $0x3  }
0x34: {  	[smem:$0x3FA6] =	sst s10  }
0x35: {  	s10 =	sld [smem:$0x3FA5];
	_ =	sdelay $0x3  }
0x36: {  	p1 =	seq.s32 s10, $0x1;
	s10 =	sld [smem:$0x3FA6];
	_ =	sdelay $0x3  }
0x37: {  	[smem:$0x3FA6] =	sst s10  }
0x38: {  	s10 =	sld [smem:$0x3FA7]  }
0x39: {  	_ = 	snop;
	(pc) =	sbr.ind lr, $3  }
0x3a: {  	_ = 	snop  }
0x3b: {  	_ = 	snop  }
0x3c: {  	p2 =	seq.s32 s10, $0x1;
	s10 =	sld [smem:$0x3FA6]  }
0x3d: {  	_ =	shalt  }
0x3e: {  	_ =	shalt  }
0x3f: {  	_ =	shalt  }
0x40: {  	_ =	shalt  }
0x41: {  	_ =	shalt  }
0x42: {  	_ =	shalt  }
0x43: {  	_ =	shalt  }
0x44: {  	_ =	shalt  }
0x45: {  	_ =	shalt  }
0x46: {  	_ =	shalt  }
0x47: {  	_ =	shalt  }
0x48: {  	_ =	shalt  }
0x49: {  	_ =	shalt  }
0x4a: {  	_ =	shalt  }
0x4b: {  	_ =	shalt  }
0x4c: {  	_ =	shalt  }
0x4d: {  	_ =	shalt  }
0x4e: {  	_ =	shalt  }
0x4f: {  	_ =	shalt  }
0x50: {  	_ =	shalt  }
0x51: {  	_ =	shalt  }
0x52: {  	_ =	shalt  }
0x53: {  	_ =	shalt  }
0x54: {  	_ =	shalt  }
0x55: {  	_ =	shalt  }
0x56: {  	_ =	shalt  }
0x57: {  	_ =	shalt  }
0x58: {  	_ =	shalt  }
0x59: {  	_ =	shalt  }
0x5a: {  	_ =	shalt  }
0x5b: {  	_ =	shalt  }
0x5c: {  	_ =	shalt  }
0x5d: {  	_ =	shalt  }
0x5e: {  	_ =	shalt  }
0x5f: {  	_ =	shalt  }
0x60: {  	_ =	shalt  }
0x61: {  	_ =	shalt  }
0x62: {  	_ =	shalt  }
0x63: {  	_ =	shalt  }
0x64: {  	_ =	shalt  }
0x65: {  	_ =	shalt  }
0x66: {  	_ =	shalt  }
0x67: {  	_ =	shalt  }
0x68: {  	_ =	shalt  }
0x69: {  	_ =	shalt  }
0x6a: {  	_ =	shalt  }
0x6b: {  	_ =	shalt  }
0x6c: {  	_ =	shalt  }
0x6d: {  	_ =	shalt  }
0x6e: {  	_ =	shalt  }
0x6f: {  	_ =	shalt  }
0x70: {  	_ =	shalt  }
0x71: {  	_ =	shalt  }
0x72: {  	_ =	shalt  }
0x73: {  	_ =	shalt  }
0x74: {  	_ =	shalt  }
0x75: {  	_ =	shalt  }
0x76: {  	_ =	shalt  }
0x77: {  	_ =	shalt  }
0x78: {  	_ =	shalt  }
0x79: {  	_ =	shalt  }
0x7a: {  	_ =	shalt  }
0x7b: {  	_ =	shalt  }
0x7c: {  	_ =	shalt  }
0x7d: {  	_ =	shalt  }
0x7e: {  	_ =	shalt  }
0x7f: {  	_ =	shalt  }
0x80: {  	_ =	shalt  }
0x81: {  	_ =	shalt  }
0x82: {  	_ =	shalt  }
0x83: {  	_ =	shalt  }
0x84: {  	_ =	shalt  }
0x85: {  	_ =	shalt  }
0x86: {  	_ =	shalt  }
0x87: {  	_ =	shalt  }
.Lfunc_end0:
.L_simem_size_0:
called_computation.1_lowered:
.L_overlay_start_0:
0x88: {  	s2 =	sld [smem:$0x3FD9]  }
0x89: {  	s3 =	sld [smem:$0x3FFE];
	_ =	sdelay $0x1  }
0x8a: {  	s1 =	srdreg.scid  }
0x8b: {  	s0 =	sand.u32 $0x1, s1  }
0x8c: {  	s17 =	sshll.u32 s0, $0xA;
	s2 =	sadd.s32 s3, s2  }
0x8d: {  	s2 =	sadd.s32 s2, s17  }
0x8e: {  	[smem:$0x3FB2] =	sst s2  }
0x8f: {  	_ = 	snop  }
0x90: {  	s2 =	sld [smem:$0x3FC9];
	(tm) =	ssettm $0x1  }
0x91: {  	s18 =	sld [smem:$0x3FFB];
	_ =	sdelay $0x3  }
0x92: {  	_ =	strace s18  }
0x93: {  	s3 =	sld [smem:$0x3FFC];
	_ =	sdelay $0x3  }
0x94: {  	_ =	strace s3  }
0x95: {  	s3 =	sld [smem:$0x3FFD];
	_ =	sdelay $0x3  }
0x96: {  	_ =	strace s3  }
0x97: {  	_ =	strace $0x8FFFFFFF  }
0x98: {  	s19 =	sld [smem:$0x3FDB];
	_ =	sdelay $0x1  }
0x99: {  	s4 =	simm.s32 $_scs_section_size  }
0x9a: {  	s5 =	simm.s32 $_size__tile_overlayer_lowered;
	s6 =	simm.s32 $_tile_overlayer_lowered  }
0x9b: {  	s22 =	simm.s32 $0x1BFF;
	s21 =	sshll.u32 s6, $0x1;
	s3 =	sadd.s32 s4, s19  }
0x9c: {  	s7 =	simm.s32 $0x0;
	s20 =	sshll.u32 s5, $0x1;
	s5 =	sadd.s32 s21, s3  }
0x9d: {  	[timem:s7], [sflag:s22] =	dma.local [hbm:s5], s20  }
0x9e: {  	_ =	swait.ge [sflag:s22], s20  }
0x9f: {  	s4 =	ssub.s32 $0x0, s20;
	[sflag:s22] =	ssyncset.done $0x0  }
0xa0: {  	[sflag:s22] =	ssyncadd.s32 s4;
	_ =	sdelay $0x1  }
0xa1: {  	s23 =	simm.s32 $0x1B8B  }
0xa2: {  	_ =	swait.ge [sflag:s23], $0x1  }
0xa3: {  	[sflag:s23] =	ssyncset.done $0x0  }
0xa4: {  	s25 =	simm.s32 $0x1B8E;
	s24 =	sld [smem:$0x3FFE];
	[sflag:s23] =	ssyncadd.s32 $0xFFFFFFFF  }
0xa5: {  	s26 =	simm.s32 $execute0_lowered;
	[smem:$0x3FD2] =	sst s25  }
0xa6: {  	s5 =	sshll.u32 s26, $0x1;
	_ =	strace $0x80000046;
	[dreg:$0x1] =	wrdreg $0xFFFFFFFF  }
0xa7: {  	s28 =	simm.s32 $_size_execute0_lowered;
	s3 =	sadd.s32 s3, s5;
	[dreg:$0x0] =	wrdreg $0x0  }
0xa8: {  	s5 =	sshll.u32 s28, $0x1;
	[dreg:$0x2] =	wrdreg s3  }
0xa9: {  	[dreg:$0x3] =	wrdreg s5  }
0xaa: {  	[dreg:$0x4] =	wrdreg $0xC0  }
0xab: {  	_ =	task [dreg:s7], $0x5FFFF  }
0xac: {  	[dreg:$0x1] =	wrdreg $0xFFFFFFFF  }
0xad: {  	[dreg:$0x0] =	wrdreg $0x60  }
0xae: {  	[dreg:$0x2] =	wrdreg s2  }
0xaf: {  	[dreg:$0x3] =	wrdreg s24  }
0xb0: {  	[dreg:$0x4] =	wrdreg $0x90000  }
0xb1: {  	[dreg:$0x5] =	wrdreg $0xA  }
0xb2: {  	_ =	task.clear_ibuf [dreg:s7], $0x6FFFF;
	_ =	strace $0x90000046  }
0xb3: {  	s29 =	simm.s32 $0xA;
	_ =	strace $0x80000048  }
0xb4: {  	_ =	swait.ge [sflag:s29], $0x1  }
0xb5: {  	[sflag:s29] =	ssyncadd.s32 $0xFFFFFFFF  }
0xb6: {  	_ =	strace $0x90000048  }
0xb7: {  	_ =	sfence  }
0xb8: {  	s30 =	sld [smem:$0x0];
	_ =	sdelay $0x2  }
0xb9: {  	s31 =	sshll.u32 s1, $0xD;
	s1 =	sshrl.u32 s1, $0x2  }
0xba: {  	s3 =	sand.u32 $0x4000, s31;
	s1 =	sadd.s32 s1, s30  }
0xbb: {  	s0 =	sor.u32 s3, s0;
	s1 =	sshll.u32 s1, $0x11  }
0xbc: {  	s0 =	sor.u32 s1, s0  }
0xbd: {  	s0 =	sadd.s32 $0x8F2B, s0  }
0xbe: {  	[sflag:s0] =	ssyncadd.remote.s32 $0x1  }
0xbf: {  	_ =	sfence.sel $0xFFFF  }
0xc0: {  	[dreg:$0x0] =	wrdreg $0xFFFFFFFF;
	(pc) =	sbr.abs _section_cstart, $3  }
0xc1: {  	[dreg:$0x1] =	wrdreg $0xFFFFFFFF  }
0xc2: {  	_ =	task.clear_ibuf [dreg:s7], $0x2FFFF;
	_ =	strace $0x9FFFFFFF  }
0xc3: {  	(tm) =	ssettm $0x7FFFFFFF  }
tec
execute0_lowered:
.L_overlay_start_1:
0x0: {  	(tag) =	ssettag $0x1  }
0x1: {  	s1 =	rddreg [dreg:$0x0]  }
0x2: {  	s2 =	srdreg.scid;
	s6 =	rddreg [dreg:$0x1]  }
0x3: {  	s0 =	stileid.u32;
	s3 =	rddreg [dreg:$0x2]  }
0x4: {  	s4 =	simm.s32 $0x0;
	s14 =	simm.s32 $0x80;
	s15 =	simm.s32 $0x5000  }
0x5: {  	s16 =	simm.s32 $0x1;
	s17 =	simm.s32 $0x0;
	s8 =	smul.u32 $0x14000, s0  }
0x6: {  	s5 =	sand.u32 $0x1, s2;
	s26 =	sshll.u32 s0, $0x1;
	s29 =	smul.u32 $0x50000, s0  }
0x7: {  	[smem:$0x7FF] =	sst s4;
	s2 =	sor.u32 s5, s26;
	s9 =	smul.u32 $0x140000, s5  }
0x8: {  	s31 =	sshll.u32 s0, $0x6;
	s5 =	ssub.s32 $0x2, s5;
	s7 =	smul.u32 $0x500, s2  }
0x9: {  	s2 =	rddreg [dreg:$0x3];
	_ =	strace $0x80000047;
	s28 =	sshrl.u32 s8, $0x3  }
0xa: {  	s11 =	sshrl.u32 s5, $0x1;
	s30 =	sshrl.u32 s29, $0x2;
	s8 =	sadd.s32 s8, s9  }
0xb: {  	s11 =	ssub.s32 s5, s11;
	s13 =	sadd.s32 s30, s3;
	s8 =	sshrl.u32 s8, $0x3  }
0xc: {  	s10 =	sadd.s32 s7, s6;
	s7 =	sadd.s32 s28, s6;
	s12 =	sadd.s32 s8, s6  }
0xd: {  	s5 =	sadd.s32 $0x1B800, s7;
	s6 =	sor.u32 $0x1C02, s31;
	s7 =	sadd.s32 $0x11800, s10  }
0xe: {  	s8 =	sadd.s32 $0x7800, s10;
	s10 =	smax.u32 s11, $0x1;
	s11 =	sshrl.u32 s13, $0x3  }
0xf: {  	s13 =	simm.s32 $0x2800;
	s9 =	sadd.s32 $0x43800, s12;
	s12 =	simm.s32 $0x2  }
.LBB2_1:
0x10: {  	[spmem:s11], [sflag:s6] =	dma.local [hbm:s5], $0x2800  }
0x11: {  	_ =	swait.ge [sflag:s12], $0x2800  }
0x12: {  	[sflag:s12] =	ssyncset.done $0x0  }
0x13: {  	[sflag:s12] =	ssyncadd.s32 $0xFFFFD800  }
0x14: {  	[tilespmem:s4], [sflag:$0x2] =	stream.linear.gather [hbm4b:s7+s4], $0x2780, $0x38;
	[tilespmem:$0x1D000] =	vst v63  }
0x15: {  	_ =	swait.ge [sflag:s12], $0x2780  }
0x16: {  	[sflag:s12] =	ssyncset.done $0x0  }
0x17: {  	[sflag:s12] =	ssyncadd.s32 $0xFFFFD880  }
0x18: {  	[tilespmem:s13], [sflag:$0x2] =	stream.linear.gather [hbm4b:s8+s4], $0x2780, $0x38;
	[tilespmem:$0x1D000] =	vst v63  }
0x19: {  	_ =	swait.ge [sflag:s12], $0x2780  }
0x1a: {  	[sflag:s12] =	ssyncset.done $0x0  }
0x1b: {  	[sflag:s12] =	ssyncadd.s32 $0xFFFFD880  }
0x1c: {  	s18 =	simm.s32 $0x0;
	[bflag:$0x0] =	sbarrier.arrive $0xFFFF  }
0x1d: {  	[tilespmem:s15], [sflag:$0x1] =	stream.indirect.gather [hbm4b:s1+s14], $0x80, s18, s14, $0xb8;
	[tilespmem:$0x1D000] =	vst v63  }
0x1e: {  	_ =	swait.ge [sflag:s16], $0x4000  }
0x1f: {  	[sflag:s16] =	ssyncset.done $0x0  }
0x20: {  	s31 =	simm.s32 $0x2800;
	[sflag:s16] =	ssyncadd.s32 $0xFFFFC000  }
0x21: {  	[spmem:s3] =	stream.indirect.scatter.add.f32 [tilespmem:s15], [sflag:$0x2], $0x80, s31, s14, $0xb8;
	[tilespmem:$0x1D000] =	vst v63  }
0x22: {  	_ =	swait.ge [sflag:s12], $0x4000  }
0x23: {  	s19 =	simm.s32 $0x400;
	s18 =	simm.s32 $0x200;
	[sflag:s12] =	ssyncset.done $0x0  }
.LBB2_2:
0x24: {  	s20 =	sshra.s32 s18, $0x2  }
0x25: {  	[sflag:s12] =	ssyncadd.s32 $0xFFFFC000;
	s18 =	smov.u32 s19;
	s21 =	sadd.s32 $0x200, s19  }
0x26: {  	[tilespmem:s15], [sflag:$0x1] =	stream.indirect.gather [hbm4b:s1+s14], $0x80, s20, s14, $0xb8;
	[tilespmem:$0x1D000] =	vst v63  }
0x27: {  	p0 =	sne.s32 s19, $0x9C00;
	_ =	swait.ge [sflag:s16], $0x4000  }
.Ltmp0:
0x28: {  	[sflag:s16] =	ssyncset.done $0x0;
	(pc) =	sbr.rel @p0 .LBB2_2-.Ltmp0, $4  }
0x29: {  	s19 =	sadd.s32 $0x2800, s20;
	[sflag:s16] =	ssyncadd.s32 $0xFFFFC000  }
0x2a: {  	[spmem:s3] =	stream.indirect.scatter.add.f32 [tilespmem:s15], [sflag:$0x2], $0x80, s19, s14, $0xb8;
	[tilespmem:$0x1D000] =	vst v63  }
0x2b: {  	_ =	swait.ge [sflag:s12], $0x4000  }
0x2c: {  	s19 =	smov.u32 s21;
	[sflag:s12] =	ssyncset.done $0x0  }
0x2d: {  	s18 =	sshra.s32 s18, $0x2;
	[sflag:s12] =	ssyncadd.s32 $0xFFFFC000  }
0x2e: {  	[tilespmem:s15], [sflag:$0x1] =	stream.indirect.gather [hbm4b:s1+s14], $0x80, s18, s14, $0xb8;
	[tilespmem:$0x1D000] =	vst v63  }
0x2f: {  	_ =	swait.ge [sflag:s16], $0x4000  }
0x30: {  	[sflag:s16] =	ssyncset.done $0x0  }
0x31: {  	s18 =	sadd.s32 $0x2800, s18;
	[sflag:s16] =	ssyncadd.s32 $0xFFFFC000  }
0x32: {  	[spmem:s3] =	stream.indirect.scatter.add.f32 [tilespmem:s15], [sflag:$0x2], $0x80, s18, s14, $0xb8;
	[tilespmem:$0x1D000] =	vst v63  }
0x33: {  	_ =	swait.ge [sflag:s12], $0x4000  }
0x34: {  	s17 =	sadd.s32 $0x1, s17;
	[sflag:s12] =	ssyncset.done $0x0  }
0x35: {  	p0 =	sne.s32 s17, s10;
	[sflag:s12] =	ssyncadd.s32 $0xFFFFC000  }
.Ltmp1:
0x36: {  	[bflag:$0x0] =	sbarrier.arrive $0xFFFF;
	(pc) =	sbr.rel @p0 .LBB2_1-.Ltmp1, $4  }
0x37: {  	[hbm:s9], [sflag:s6] =	dma.local [spmem:s11], $0x2800  }
0x38: {  	_ =	swait.ge [sflag:s12], $0x2800  }
0x39: {  	[sflag:s12] =	ssyncset.done $0x0  }
0x3a: {  	[sflag:s12] =	ssyncadd.s32 $0xFFFFD800  }
0x3b: {  	_ =	sfence.sel $0x180000  }
0x3c: {  	[bflag:$0x0] =	sbarrier.arrive $0xFFFF  }
0x3d: {  	p0 =	sne.s32 s0, $0x0;
	_ =	strace $0x90000047  }
0x3e: {  	s0 =	sadd.s32 @!p0 $0x100000, s2;
	[bflag:$0x2] =	sbarrier.arrive $0xFFFF  }
0x3f: {  	[sflag:s0] =	ssyncadd.tile.s32 @!p0 $0x1;
	_ =	shalt  }
.Lfunc_end2:
_tile_overlayer_lowered:
.L_overlay_start_2:
0x40: {  	(tag) =	ssettag $0x2  }
0x41: {  	s0 =	rddreg [dreg:$0x0];
	s2 =	stileid.u32  }
0x42: {  	s1 =	rddreg [dreg:$0x1];
	p0 =	sne.s32 s2, $0x0  }
0x43: {  	s3 =	rddreg [dreg:$0x2];
	[bflag:$0x3] =	sbarrier.arrive $0xFFFF;
	s2 =	simm.s32 @!p0 $0x1C02  }
0x44: {  	[timem:s3], [sflag:s2] =	dma.local @!p0 [hbm:s0], s1  }
0x45: {  	s0 =	simm.s32 @!p0 $0x2  }
0x46: {  	_ =	swait.ge @!p0 [sflag:s0], s1  }
0x47: {  	s1 =	ssub.s32 @!p0 $0x0, s1;
	[sflag:s0] =	ssyncset.done @!p0 $0x0  }
0x48: {  	[sflag:s0] =	ssyncadd.s32 @!p0 s1  }
0x49: {  	[bflag:$0x3] =	sbarrier.arrive $0xFFFF  }
0x4a: {  	_ =	shalt  }

// kernel: kernel.20.cloned.1.call-start
scs
__scs_entry_jumppad:
0x0: {  	(pc) =	sbr.rel $0x88, $3  }
0x1: {  	(tag) =	ssettag $0x0;
	lr =	simm.s32 $0x1  }
0x2: {  	[smem:$0x3F8B] =	sst lr;
	_ =	strace $0xD0000000  }
0x3: {  	_ = 	snop  }
0x4: {  	_ = 	snop  }
0x5: {  	_ = 	snop  }
0x6: {  	_ = 	snop  }
0x7: {  	_ = 	snop  }
__scs_overlays_trampoline_lowered:
0x8: {  	[smem:$0x3F9A] =	sst s0  }
0x9: {  	[smem:$0x3F9B] =	sst s1  }
0xa: {  	[smem:$0x3F9C] =	sst s2  }
0xb: {  	[smem:$0x3F9D] =	sst s3  }
0xc: {  	[smem:$0x3F9E] =	sst s4  }
0xd: {  	[smem:$0x3F9F] =	sst s5  }
0xe: {  	[smem:$0x3FA0] =	sst s6  }
0xf: {  	[smem:$0x3FA1] =	sst s7  }
0x10: {  	[smem:$0x3FA2] =	sst s8  }
0x11: {  	[smem:$0x3FA3] =	sst s9;
	s0 =	simm.s32 @!p0 $0x0  }
0x12: {  	s1 =	sld [smem:$0x3F89];
	s0 =	simm.s32 @p0 $0x1  }
0x13: {  	[smem:$0x3FA4] =	sst s0;
	s0 =	simm.s32 @!p1 $0x0  }
0x14: {  	s2 =	sld [smem:$0x3F88];
	s0 =	simm.s32 @p1 $0x1  }
0x15: {  	[smem:$0x3FA5] =	sst s0;
	s0 =	simm.s32 @!p2 $0x0  }
0x16: {  	s3 =	sld [smem:$0x3FDB];
	s0 =	simm.s32 @p2 $0x1  }
0x17: {  	s4 =	simm.s32 $0x1BF5;
	[smem:$0x3FA7] =	sst s0  }
0x18: {  	s0 =	sld [smem:$0x3F8A];
	_ =	swait.ge [sflag:s4], $0x0  }
0x19: {  	s7 =	sld [smem:$0x3F8B]  }
0x1a: {  	s8 =	sadd.s32 $0xFFFFE003, lr  }
0x1b: {  	s9 =	sadd.s32 $0xFFFFFEF7, lr;
	s5 =	simm.s32 $0xFFFFFFFF;
	p2 =	slt.u32 s8, $0xFFFFF086  }
0x1c: {  	p1 =	slt.u32 s9, $0xF7A;
	s5 =	simm.s32 @!p2 $0x0  }
0x1d: {  	s5 =	simm.s32 @p1 $0x1;
	p0 =	seq.s32 s7, s2  }
0x1e: {  	s7 =	smul.u32 @!p0 $0xF7A, s2;
	p2 =	seq.s32 @!p0 s5, $0x0  }
0x1f: {  	s9 =	smul.u32 $0xF7A, s1;
	s8 =	simm.s32 @!p0 $0x1BF5;
	p2 =	por !p2, p0  }
0x20: {  	[sflag:s8] =	ssyncset.s32 @!p0 $0xFFFFF086;
	s6 =	sadd.s32 @!p0 s3, s7;
	s7 =	simm.s32 @!p0 $0x108  }
0x21: {  	s3 =	sadd.s32 s3, s9;
	s6 =	sadd.s32 @!p0 $0x88, s6;
	s7 =	simm.s32 @p2 $0x1082  }
0x22: {  	[simem:s7], [sflag:s8] =	dma.local @!p0 [hbm:s6], $0xF7A  }
0x23: {  	s9 =	sor.u32 $0xD0000000, s2;
	s6 =	simm.s32 $0x108;
	_ =	swait.ge @!p0 [sflag:s8], $0x0  }
0x24: {  	s3 =	sadd.s32 $0x88, s3;
	s6 =	simm.s32 @!p1 $0x1082;
	[sflag:s4] =	ssyncset.s32 $0xFFFFF086  }
0x25: {  	[simem:s6], [sflag:s4] =	dma.local [hbm:s3], $0xF7A  }
0x26: {  	[smem:$0x3F8B] =	sst s1;
	(tag) =	ssettag s2;
	_ =	strace s9  }
0x27: {  	s1 =	sld [smem:$0x3F9B]  }
0x28: {  	s2 =	sld [smem:$0x3F9C]  }
0x29: {  	s4 =	sld [smem:$0x3F9E]  }
0x2a: {  	p0 =	seq.s32 s5, $0x0;
	s5 =	sld [smem:$0x3F9F]  }
0x2b: {  	s6 =	sld [smem:$0x3FA0]  }
0x2c: {  	s7 =	sld [smem:$0x3FA1]  }
0x2d: {  	s3 =	simm.s32 $0x108;
	s8 =	sld [smem:$0x3FA2]  }
0x2e: {  	s3 =	simm.s32 @!p0 $0x1082;
	s9 =	sld [smem:$0x3FA3]  }
0x2f: {  	lr =	sadd.s32 s0, s3;
	s0 =	sld [smem:$0x3F9A]  }
0x30: {  	s3 =	sld [smem:$0x3F9D]  }
0x31: {  	[smem:$0x3FA6] =	sst s10  }
0x32: {  	s10 =	sld [smem:$0x3FA4];
	_ =	sdelay $0x3  }
0x33: {  	p0 =	seq.s32 s10, $0x1;
	s10 =	sld [smem:$0x3FA6];
	_ =	sdelay $0x3  }
0x34: {  	[smem:$0x3FA6] =	sst s10  }
0x35: {  	s10 =	sld [smem:$0x3FA5];
	_ =	sdelay $0x3  }
0x36: {  	p1 =	seq.s32 s10, $0x1;
	s10 =	sld [smem:$0x3FA6];
	_ =	sdelay $0x3  }
0x37: {  	[smem:$0x3FA6] =	sst s10  }
0x38: {  	s10 =	sld [smem:$0x3FA7]  }
0x39: {  	_ = 	snop;
	(pc) =	sbr.ind lr, $3  }
0x3a: {  	_ = 	snop  }
0x3b: {  	_ = 	snop  }
0x3c: {  	p2 =	seq.s32 s10, $0x1;
	s10 =	sld [smem:$0x3FA6]  }
0x3d: {  	_ =	shalt  }
0x3e: {  	_ =	shalt  }
0x3f: {  	_ =	shalt  }
0x40: {  	_ =	shalt  }
0x41: {  	_ =	shalt  }
0x42: {  	_ =	shalt  }
0x43: {  	_ =	shalt  }
0x44: {  	_ =	shalt  }
0x45: {  	_ =	shalt  }
0x46: {  	_ =	shalt  }
0x47: {  	_ =	shalt  }
0x48: {  	_ =	shalt  }
0x49: {  	_ =	shalt  }
0x4a: {  	_ =	shalt  }
0x4b: {  	_ =	shalt  }
0x4c: {  	_ =	shalt  }
0x4d: {  	_ =	shalt  }
0x4e: {  	_ =	shalt  }
0x4f: {  	_ =	shalt  }
0x50: {  	_ =	shalt  }
0x51: {  	_ =	shalt  }
0x52: {  	_ =	shalt  }
0x53: {  	_ =	shalt  }
0x54: {  	_ =	shalt  }
0x55: {  	_ =	shalt  }
0x56: {  	_ =	shalt  }
0x57: {  	_ =	shalt  }
0x58: {  	_ =	shalt  }
0x59: {  	_ =	shalt  }
0x5a: {  	_ =	shalt  }
0x5b: {  	_ =	shalt  }
0x5c: {  	_ =	shalt  }
0x5d: {  	_ =	shalt  }
0x5e: {  	_ =	shalt  }
0x5f: {  	_ =	shalt  }
0x60: {  	_ =	shalt  }
0x61: {  	_ =	shalt  }
0x62: {  	_ =	shalt  }
0x63: {  	_ =	shalt  }
0x64: {  	_ =	shalt  }
0x65: {  	_ =	shalt  }
0x66: {  	_ =	shalt  }
0x67: {  	_ =	shalt  }
0x68: {  	_ =	shalt  }
0x69: {  	_ =	shalt  }
0x6a: {  	_ =	shalt  }
0x6b: {  	_ =	shalt  }
0x6c: {  	_ =	shalt  }
0x6d: {  	_ =	shalt  }
0x6e: {  	_ =	shalt  }
0x6f: {  	_ =	shalt  }
0x70: {  	_ =	shalt  }
0x71: {  	_ =	shalt  }
0x72: {  	_ =	shalt  }
0x73: {  	_ =	shalt  }
0x74: {  	_ =	shalt  }
0x75: {  	_ =	shalt  }
0x76: {  	_ =	shalt  }
0x77: {  	_ =	shalt  }
0x78: {  	_ =	shalt  }
0x79: {  	_ =	shalt  }
0x7a: {  	_ =	shalt  }
0x7b: {  	_ =	shalt  }
0x7c: {  	_ =	shalt  }
0x7d: {  	_ =	shalt  }
0x7e: {  	_ =	shalt  }
0x7f: {  	_ =	shalt  }
0x80: {  	_ =	shalt  }
0x81: {  	_ =	shalt  }
0x82: {  	_ =	shalt  }
0x83: {  	_ =	shalt  }
0x84: {  	_ =	shalt  }
0x85: {  	_ =	shalt  }
0x86: {  	_ =	shalt  }
0x87: {  	_ =	shalt  }
.Lfunc_end0:
.L_simem_size_0:
called_computation.2_lowered:
.L_overlay_start_0:
0x88: {  	s2 =	sld [smem:$0x3FD9]  }
0x89: {  	s3 =	sld [smem:$0x3FFE];
	_ =	sdelay $0x1  }
0x8a: {  	s1 =	srdreg.scid  }
0x8b: {  	s0 =	sand.u32 $0x1, s1  }
0x8c: {  	s16 =	sshll.u32 s0, $0xA;
	s2 =	sadd.s32 s3, s2  }
0x8d: {  	s2 =	sadd.s32 s2, s16  }
0x8e: {  	[smem:$0x3FB2] =	sst s2  }
0x8f: {  	_ = 	snop  }
0x90: {  	(tm) =	ssettm $0x1  }
0x91: {  	s17 =	sld [smem:$0x3FFB];
	_ =	sdelay $0x3  }
0x92: {  	_ =	strace s17  }
0x93: {  	s2 =	sld [smem:$0x3FFC];
	_ =	sdelay $0x3  }
0x94: {  	_ =	strace s2  }
0x95: {  	s2 =	sld [smem:$0x3FFD];
	_ =	sdelay $0x3  }
0x96: {  	_ =	strace s2  }
0x97: {  	_ =	strace $0x8FFFFFFF  }
0x98: {  	s18 =	sld [smem:$0x3FDB];
	_ =	sdelay $0x1  }
0x99: {  	s19 =	simm.s32 $_scs_section_size  }
0x9a: {  	s4 =	simm.s32 $_size__tile_overlayer_lowered;
	s5 =	simm.s32 $_tile_overlayer_lowered  }
0x9b: {  	s22 =	simm.s32 $0x1BFF;
	s21 =	sshll.u32 s5, $0x1;
	s2 =	sadd.s32 s19, s18  }
0x9c: {  	s6 =	simm.s32 $0x0;
	s20 =	sshll.u32 s4, $0x1;
	s4 =	sadd.s32 s21, s2  }
0x9d: {  	[timem:s6], [sflag:s22] =	dma.local [hbm:s4], s20  }
0x9e: {  	_ =	swait.ge [sflag:s22], s20  }
0x9f: {  	s3 =	ssub.s32 $0x0, s20;
	[sflag:s22] =	ssyncset.done $0x0  }
0xa0: {  	[sflag:s22] =	ssyncadd.s32 s3;
	_ =	sdelay $0x1  }
0xa1: {  	s23 =	simm.s32 $0x1B8B  }
0xa2: {  	_ =	swait.ge [sflag:s23], $0x1  }
0xa3: {  	[sflag:s23] =	ssyncset.done $0x0  }
0xa4: {  	s25 =	simm.s32 $0x1B8E;
	s24 =	sld [smem:$0x3FFE];
	[sflag:s23] =	ssyncadd.s32 $0xFFFFFFFF  }
0xa5: {  	s26 =	simm.s32 $execute0_lowered;
	[smem:$0x3FD2] =	sst s25  }
0xa6: {  	s4 =	sshll.u32 s26, $0x1;
	_ =	strace $0x8000004C;
	[dreg:$0x1] =	wrdreg $0xFFFFFFFF  }
0xa7: {  	s28 =	simm.s32 $_size_execute0_lowered;
	s2 =	sadd.s32 s2, s4;
	[dreg:$0x0] =	wrdreg $0x0  }
0xa8: {  	s4 =	sshll.u32 s28, $0x1;
	[dreg:$0x2] =	wrdreg s2  }
0xa9: {  	[dreg:$0x3] =	wrdreg s4  }
0xaa: {  	[dreg:$0x4] =	wrdreg $0xC0  }
0xab: {  	_ =	task [dreg:s6], $0x5FFFF  }
0xac: {  	[dreg:$0x1] =	wrdreg $0xFFFFFFFF  }
0xad: {  	[dreg:$0x0] =	wrdreg $0x60  }
0xae: {  	[dreg:$0x2] =	wrdreg s24  }
0xaf: {  	[dreg:$0x3] =	wrdreg $0x90000  }
0xb0: {  	[dreg:$0x4] =	wrdreg $0x9  }
0xb1: {  	_ =	task.clear_ibuf [dreg:s6], $0x5FFFF;
	_ =	strace $0x9000004C  }
0xb2: {  	s29 =	simm.s32 $0x9;
	_ =	strace $0x8000004E  }
0xb3: {  	_ =	swait.ge [sflag:s29], $0x1  }
0xb4: {  	[sflag:s29] =	ssyncadd.s32 $0xFFFFFFFF  }
0xb5: {  	_ =	strace $0x9000004E  }
0xb6: {  	_ =	sfence  }
0xb7: {  	s30 =	sld [smem:$0x0];
	_ =	sdelay $0x2  }
0xb8: {  	s31 =	sshll.u32 s1, $0xD;
	s1 =	sshrl.u32 s1, $0x2  }
0xb9: {  	s3 =	sand.u32 $0x4000, s31;
	s1 =	sadd.s32 s1, s30  }
0xba: {  	s0 =	sor.u32 s3, s0;
	s1 =	sshll.u32 s1, $0x11  }
0xbb: {  	s0 =	sor.u32 s1, s0  }
0xbc: {  	s0 =	sadd.s32 $0x8F2B, s0  }
0xbd: {  	[sflag:s0] =	ssyncadd.remote.s32 $0x1  }
0xbe: {  	_ =	sfence.sel $0xFFFF  }
0xbf: {  	[dreg:$0x0] =	wrdreg $0xFFFFFFFF;
	(pc) =	sbr.abs _section_cstart, $3  }
0xc0: {  	[dreg:$0x1] =	wrdreg $0xFFFFFFFF  }
0xc1: {  	_ =	task.clear_ibuf [dreg:s6], $0x2FFFF;
	_ =	strace $0x9FFFFFFF  }
0xc2: {  	(tm) =	ssettm $0x7FFFFFFF  }
0xc3: {  	_ =	shalt  }
tec
execute0_lowered:
.L_overlay_start_1:
0x0: {  	(tag) =	ssettag $0x1  }
0x1: {  	s1 =	srdreg.scid;
	s5 =	rddreg [dreg:$0x0]  }
0x2: {  	s0 =	stileid.u32;
	s2 =	rddreg [dreg:$0x1];
	s3 =	simm.s32 $0x0  }
0x3: {  	s14 =	simm.s32 $0x80;
	s15 =	simm.s32 $0x5000;
	s16 =	simm.s32 $0x1  }
0x4: {  	s17 =	simm.s32 $0x0;
	s6 =	sand.u32 $0x1, s1;
	s1 =	rddreg [dreg:$0x2]  }
0x5: {  	s26 =	sshll.u32 s0, $0x1;
	[smem:$0x7FF] =	sst s3;
	s8 =	smul.u32 $0x14000, s0  }
0x6: {  	s29 =	smul.u32 $0x50000, s0;
	s31 =	sshll.u32 s0, $0x6;
	s4 =	sor.u32 s6, s26  }
0x7: {  	_ =	strace $0x8000004D;
	s9 =	smul.u32 $0x140000, s6;
	s6 =	ssub.s32 $0x2, s6  }
0x8: {  	s7 =	smul.u32 $0x500, s4;
	s4 =	sadd.s32 $0x43800, s5;
	s28 =	sshrl.u32 s8, $0x3  }
0x9: {  	s11 =	sshrl.u32 s6, $0x1;
	s30 =	sshrl.u32 s29, $0x2;
	s8 =	sadd.s32 s8, s9  }
0xa: {  	s11 =	ssub.s32 s6, s11;
	s13 =	sadd.s32 s30, s2;
	s6 =	sor.u32 $0x1C02, s31  }
0xb: {  	s10 =	sadd.s32 s7, s5;
	s7 =	sadd.s32 s28, s5;
	s8 =	sshrl.u32 s8, $0x3  }
0xc: {  	s12 =	sadd.s32 s8, s5;
	s5 =	sadd.s32 $0x1B800, s7;
	s7 =	sadd.s32 $0x11800, s10  }
0xd: {  	s8 =	sadd.s32 $0x7800, s10;
	s10 =	smax.u32 s11, $0x1;
	s11 =	sshrl.u32 s13, $0x3  }
0xe: {  	s13 =	simm.s32 $0x2800;
	s9 =	sadd.s32 $0xE3800, s12;
	s12 =	simm.s32 $0x2  }
.LBB2_1:
0xf: {  	[spmem:s11], [sflag:s6] =	dma.local [hbm:s5], $0x2800  }
0x10: {  	_ =	swait.ge [sflag:s12], $0x2800  }
0x11: {  	[sflag:s12] =	ssyncset.done $0x0  }
0x12: {  	[sflag:s12] =	ssyncadd.s32 $0xFFFFD800  }
0x13: {  	[tilespmem:s3], [sflag:$0x2] =	stream.linear.gather [hbm4b:s7+s3], $0x2780, $0x38;
	[tilespmem:$0x1D000] =	vst v63  }
0x14: {  	_ =	swait.ge [sflag:s12], $0x2780  }
0x15: {  	[sflag:s12] =	ssyncset.done $0x0  }
0x16: {  	[sflag:s12] =	ssyncadd.s32 $0xFFFFD880  }
0x17: {  	[tilespmem:s13], [sflag:$0x2] =	stream.linear.gather [hbm4b:s8+s3], $0x2780, $0x38;
	[tilespmem:$0x1D000] =	vst v63  }
0x18: {  	_ =	swait.ge [sflag:s12], $0x2780  }
0x19: {  	[sflag:s12] =	ssyncset.done $0x0  }
0x1a: {  	[sflag:s12] =	ssyncadd.s32 $0xFFFFD880  }
0x1b: {  	s18 =	simm.s32 $0x0;
	[bflag:$0x0] =	sbarrier.arrive $0xFFFF  }
0x1c: {  	[tilespmem:s15], [sflag:$0x1] =	stream.indirect.gather [hbm4b:s4+s14], $0x80, s18, s14, $0xb8;
	[tilespmem:$0x1D000] =	vst v63  }
0x1d: {  	_ =	swait.ge [sflag:s16], $0x4000  }
0x1e: {  	[sflag:s16] =	ssyncset.done $0x0  }
0x1f: {  	s31 =	simm.s32 $0x2800;
	[sflag:s16] =	ssyncadd.s32 $0xFFFFC000  }
0x20: {  	[spmem:s2] =	stream.indirect.scatter.add.f32 [tilespmem:s15], [sflag:$0x2], $0x80, s31, s14, $0xb8;
	[tilespmem:$0x1D000] =	vst v63  }
0x21: {  	_ =	swait.ge [sflag:s12], $0x4000  }
0x22: {  	s19 =	simm.s32 $0x400;
	s18 =	simm.s32 $0x200;
	[sflag:s12] =	ssyncset.done $0x0  }
.LBB2_2:
0x23: {  	s20 =	sshra.s32 s18, $0x2  }
0x24: {  	[sflag:s12] =	ssyncadd.s32 $0xFFFFC000;
	s18 =	smov.u32 s19;
	s21 =	sadd.s32 $0x200, s19  }
0x25: {  	[tilespmem:s15], [sflag:$0x1] =	stream.indirect.gather [hbm4b:s4+s14], $0x80, s20, s14, $0xb8;
	[tilespmem:$0x1D000] =	vst v63  }
0x26: {  	p0 =	sne.s32 s19, $0x9C00;
	_ =	swait.ge [sflag:s16], $0x4000  }
.Ltmp0:
0x27: {  	[sflag:s16] =	ssyncset.done $0x0;
	(pc) =	sbr.rel @p0 .LBB2_2-.Ltmp0, $4  }
0x28: {  	s19 =	sadd.s32 $0x2800, s20;
	[sflag:s16] =	ssyncadd.s32 $0xFFFFC000  }
0x29: {  	[spmem:s2] =	stream.indirect.scatter.add.f32 [tilespmem:s15], [sflag:$0x2], $0x80, s19, s14, $0xb8;
	[tilespmem:$0x1D000] =	vst v63  }
0x2a: {  	_ =	swait.ge [sflag:s12], $0x4000  }
0x2b: {  	s19 =	smov.u32 s21;
	[sflag:s12] =	ssyncset.done $0x0  }
0x2c: {  	s18 =	sshra.s32 s18, $0x2;
	[sflag:s12] =	ssyncadd.s32 $0xFFFFC000  }
0x2d: {  	[tilespmem:s15], [sflag:$0x1] =	stream.indirect.gather [hbm4b:s4+s14], $0x80, s18, s14, $0xb8;
	[tilespmem:$0x1D000] =	vst v63  }
0x2e: {  	_ =	swait.ge [sflag:s16], $0x4000  }
0x2f: {  	[sflag:s16] =	ssyncset.done $0x0  }
0x30: {  	s18 =	sadd.s32 $0x2800, s18;
	[sflag:s16] =	ssyncadd.s32 $0xFFFFC000  }
0x31: {  	[spmem:s2] =	stream.indirect.scatter.add.f32 [tilespmem:s15], [sflag:$0x2], $0x80, s18, s14, $0xb8;
	[tilespmem:$0x1D000] =	vst v63  }
0x32: {  	_ =	swait.ge [sflag:s12], $0x4000  }
0x33: {  	s17 =	sadd.s32 $0x1, s17;
	[sflag:s12] =	ssyncset.done $0x0  }
0x34: {  	p0 =	sne.s32 s17, s10;
	[sflag:s12] =	ssyncadd.s32 $0xFFFFC000  }
.Ltmp1:
0x35: {  	[bflag:$0x0] =	sbarrier.arrive $0xFFFF;
	(pc) =	sbr.rel @p0 .LBB2_1-.Ltmp1, $4  }
0x36: {  	[hbm:s9], [sflag:s6] =	dma.local [spmem:s11], $0x2800  }
0x37: {  	_ =	swait.ge [sflag:s12], $0x2800  }
0x38: {  	[sflag:s12] =	ssyncset.done $0x0  }
0x39: {  	[sflag:s12] =	ssyncadd.s32 $0xFFFFD800  }
0x3a: {  	_ =	sfence.sel $0x180000  }
0x3b: {  	[bflag:$0x0] =	sbarrier.arrive $0xFFFF  }
0x3c: {  	p0 =	sne.s32 s0, $0x0;
	_ =	strace $0x9000004D  }
0x3d: {  	s0 =	sadd.s32 @!p0 $0x100000, s1;
	[bflag:$0x2] =	sbarrier.arrive $0xFFFF  }
0x3e: {  	[sflag:s0] =	ssyncadd.tile.s32 @!p0 $0x1;
	_ =	shalt  }
.Lfunc_end2:
_tile_overlayer_lowered:
.L_overlay_start_2:
0x3f: {  	(tag) =	ssettag $0x2  }
0x40: {  	s0 =	rddreg [dreg:$0x0];
	s2 =	stileid.u32  }
0x41: {  	s1 =	rddreg [dreg:$0x1];
	p0 =	sne.s32 s2, $0x0  }
0x42: {  	s3 =	rddreg [dreg:$0x2];
	[bflag:$0x3] =	sbarrier.arrive $0xFFFF;
	s2 =	simm.s32 @!p0 $0x1C02  }
0x43: {  	[timem:s3], [sflag:s2] =	dma.local @!p0 [hbm:s0], s1  }
0x44: {  	s0 =	simm.s32 @!p0 $0x2  }
0x45: {  	_ =	swait.ge @!p0 [sflag:s0], s1  }
0x46: {  	s1 =	ssub.s32 @!p0 $0x0, s1;
	[sflag:s0] =	ssyncset.done @!p0 $0x0  }
0x47: {  	[sflag:s0] =	ssyncadd.s32 @!p0 s1  }
0x48: {  	[bflag:$0x3] =	sbarrier.arrive $0xFFFF  }
0x49: {  	_ =	shalt  }

// kernel: kernel.23.cloned.1.call-start
scs
__scs_entry_jumppad:
0x0: {  	(pc) =	sbr.rel $0x88, $3  }
0x1: {  	(tag) =	ssettag $0x0;
	lr =	simm.s32 $0x1  }
0x2: {  	[smem:$0x3F8B] =	sst lr;
	_ =	strace $0xD0000000  }
0x3: {  	_ = 	snop  }
0x4: {  	_ = 	snop  }
0x5: {  	_ = 	snop  }
0x6: {  	_ = 	snop  }
0x7: {  	_ = 	snop  }
__scs_overlays_trampoline_lowered:
0x8: {  	[smem:$0x3F9A] =	sst s0  }
0x9: {  	[smem:$0x3F9B] =	sst s1  }
0xa: {  	[smem:$0x3F9C] =	sst s2  }
0xb: {  	[smem:$0x3F9D] =	sst s3  }
0xc: {  	[smem:$0x3F9E] =	sst s4  }
0xd: {  	[smem:$0x3F9F] =	sst s5  }
0xe: {  	[smem:$0x3FA0] =	sst s6  }
0xf: {  	[smem:$0x3FA1] =	sst s7  }
0x10: {  	[smem:$0x3FA2] =	sst s8  }
0x11: {  	[smem:$0x3FA3] =	sst s9;
	s0 =	simm.s32 @!p0 $0x0  }
0x12: {  	s1 =	sld [smem:$0x3F89];
	s0 =	simm.s32 @p0 $0x1  }
0x13: {  	[smem:$0x3FA4] =	sst s0;
	s0 =	simm.s32 @!p1 $0x0  }
0x14: {  	s2 =	sld [smem:$0x3F88];
	s0 =	simm.s32 @p1 $0x1  }
0x15: {  	[smem:$0x3FA5] =	sst s0;
	s0 =	simm.s32 @!p2 $0x0  }
0x16: {  	s3 =	sld [smem:$0x3FDB];
	s0 =	simm.s32 @p2 $0x1  }
0x17: {  	s4 =	simm.s32 $0x1BF5;
	[smem:$0x3FA7] =	sst s0  }
0x18: {  	s0 =	sld [smem:$0x3F8A];
	_ =	swait.ge [sflag:s4], $0x0  }
0x19: {  	s7 =	sld [smem:$0x3F8B]  }
0x1a: {  	s8 =	sadd.s32 $0xFFFFE003, lr  }
0x1b: {  	s9 =	sadd.s32 $0xFFFFFEF7, lr;
	s5 =	simm.s32 $0xFFFFFFFF;
	p2 =	slt.u32 s8, $0xFFFFF086  }
0x1c: {  	p1 =	slt.u32 s9, $0xF7A;
	s5 =	simm.s32 @!p2 $0x0  }
0x1d: {  	s5 =	simm.s32 @p1 $0x1;
	p0 =	seq.s32 s7, s2  }
0x1e: {  	s7 =	smul.u32 @!p0 $0xF7A, s2;
	p2 =	seq.s32 @!p0 s5, $0x0  }
0x1f: {  	s9 =	smul.u32 $0xF7A, s1;
	s8 =	simm.s32 @!p0 $0x1BF5;
	p2 =	por !p2, p0  }
0x20: {  	[sflag:s8] =	ssyncset.s32 @!p0 $0xFFFFF086;
	s6 =	sadd.s32 @!p0 s3, s7;
	s7 =	simm.s32 @!p0 $0x108  }
0x21: {  	s3 =	sadd.s32 s3, s9;
	s6 =	sadd.s32 @!p0 $0x88, s6;
	s7 =	simm.s32 @p2 $0x1082  }
0x22: {  	[simem:s7], [sflag:s8] =	dma.local @!p0 [hbm:s6], $0xF7A  }
0x23: {  	s9 =	sor.u32 $0xD0000000, s2;
	s6 =	simm.s32 $0x108;
	_ =	swait.ge @!p0 [sflag:s8], $0x0  }
0x24: {  	s3 =	sadd.s32 $0x88, s3;
	s6 =	simm.s32 @!p1 $0x1082;
	[sflag:s4] =	ssyncset.s32 $0xFFFFF086  }
0x25: {  	[simem:s6], [sflag:s4] =	dma.local [hbm:s3], $0xF7A  }
0x26: {  	[smem:$0x3F8B] =	sst s1;
	(tag) =	ssettag s2;
	_ =	strace s9  }
0x27: {  	s1 =	sld [smem:$0x3F9B]  }
0x28: {  	s2 =	sld [smem:$0x3F9C]  }
0x29: {  	s4 =	sld [smem:$0x3F9E]  }
0x2a: {  	p0 =	seq.s32 s5, $0x0;
	s5 =	sld [smem:$0x3F9F]  }
0x2b: {  	s6 =	sld [smem:$0x3FA0]  }
0x2c: {  	s7 =	sld [smem:$0x3FA1]  }
0x2d: {  	s3 =	simm.s32 $0x108;
	s8 =	sld [smem:$0x3FA2]  }
0x2e: {  	s3 =	simm.s32 @!p0 $0x1082;
	s9 =	sld [smem:$0x3FA3]  }
0x2f: {  	lr =	sadd.s32 s0, s3;
	s0 =	sld [smem:$0x3F9A]  }
0x30: {  	s3 =	sld [smem:$0x3F9D]  }
0x31: {  	[smem:$0x3FA6] =	sst s10  }
0x32: {  	s10 =	sld [smem:$0x3FA4];
	_ =	sdelay $0x3  }
0x33: {  	p0 =	seq.s32 s10, $0x1;
	s10 =	sld [smem:$0x3FA6];
	_ =	sdelay $0x3  }
0x34: {  	[smem:$0x3FA6] =	sst s10  }
0x35: {  	s10 =	sld [smem:$0x3FA5];
	_ =	sdelay $0x3  }
0x36: {  	p1 =	seq.s32 s10, $0x1;
	s10 =	sld [smem:$0x3FA6];
	_ =	sdelay $0x3  }
0x37: {  	[smem:$0x3FA6] =	sst s10  }
0x38: {  	s10 =	sld [smem:$0x3FA7]  }
0x39: {  	_ = 	snop;
	(pc) =	sbr.ind lr, $3  }
0x3a: {  	_ = 	snop  }
0x3b: {  	_ = 	snop  }
0x3c: {  	p2 =	seq.s32 s10, $0x1;
	s10 =	sld [smem:$0x3FA6]  }
0x3d: {  	_ =	shalt  }
0x3e: {  	_ =	shalt  }
0x3f: {  	_ =	shalt  }
0x40: {  	_ =	shalt  }
0x41: {  	_ =	shalt  }
0x42: {  	_ =	shalt  }
0x43: {  	_ =	shalt  }
0x44: {  	_ =	shalt  }
0x45: {  	_ =	shalt  }
0x46: {  	_ =	shalt  }
0x47: {  	_ =	shalt  }
0x48: {  	_ =	shalt  }
0x49: {  	_ =	shalt  }
0x4a: {  	_ =	shalt  }
0x4b: {  	_ =	shalt  }
0x4c: {  	_ =	shalt  }
0x4d: {  	_ =	shalt  }
0x4e: {  	_ =	shalt  }
0x4f: {  	_ =	shalt  }
0x50: {  	_ =	shalt  }
0x51: {  	_ =	shalt  }
0x52: {  	_ =	shalt  }
0x53: {  	_ =	shalt  }
0x54: {  	_ =	shalt  }
0x55: {  	_ =	shalt  }
0x56: {  	_ =	shalt  }
0x57: {  	_ =	shalt  }
0x58: {  	_ =	shalt  }
0x59: {  	_ =	shalt  }
0x5a: {  	_ =	shalt  }
0x5b: {  	_ =	shalt  }
0x5c: {  	_ =	shalt  }
0x5d: {  	_ =	shalt  }
0x5e: {  	_ =	shalt  }
0x5f: {  	_ =	shalt  }
0x60: {  	_ =	shalt  }
0x61: {  	_ =	shalt  }
0x62: {  	_ =	shalt  }
0x63: {  	_ =	shalt  }
0x64: {  	_ =	shalt  }
0x65: {  	_ =	shalt  }
0x66: {  	_ =	shalt  }
0x67: {  	_ =	shalt  }
0x68: {  	_ =	shalt  }
0x69: {  	_ =	shalt  }
0x6a: {  	_ =	shalt  }
0x6b: {  	_ =	shalt  }
0x6c: {  	_ =	shalt  }
0x6d: {  	_ =	shalt  }
0x6e: {  	_ =	shalt  }
0x6f: {  	_ =	shalt  }
0x70: {  	_ =	shalt  }
0x71: {  	_ =	shalt  }
0x72: {  	_ =	shalt  }
0x73: {  	_ =	shalt  }
0x74: {  	_ =	shalt  }
0x75: {  	_ =	shalt  }
0x76: {  	_ =	shalt  }
0x77: {  	_ =	shalt  }
0x78: {  	_ =	shalt  }
0x79: {  	_ =	shalt  }
0x7a: {  	_ =	shalt  }
0x7b: {  	_ =	shalt  }
0x7c: {  	_ =	shalt  }
0x7d: {  	_ =	shalt  }
0x7e: {  	_ =	shalt  }
0x7f: {  	_ =	shalt  }
0x80: {  	_ =	shalt  }
0x81: {  	_ =	shalt  }
0x82: {  	_ =	shalt  }
0x83: {  	_ =	shalt  }
0x84: {  	_ =	shalt  }
0x85: {  	_ =	shalt  }
0x86: {  	_ =	shalt  }
0x87: {  	_ =	shalt  }
.Lfunc_end0:
.L_simem_size_0:
called_computation.3_lowered:
.L_overlay_start_0:
0x88: {  	s2 =	sld [smem:$0x3FD9]  }
0x89: {  	s3 =	sld [smem:$0x3FFE];
	_ =	sdelay $0x1  }
0x8a: {  	s1 =	srdreg.scid  }
0x8b: {  	s0 =	sand.u32 $0x1, s1  }
0x8c: {  	s16 =	sshll.u32 s0, $0xA;
	s2 =	sadd.s32 s3, s2  }
0x8d: {  	s2 =	sadd.s32 s2, s16  }
0x8e: {  	[smem:$0x3FB2] =	sst s2  }
0x8f: {  	_ = 	snop  }
0x90: {  	(tm) =	ssettm $0x1  }
0x91: {  	s17 =	sld [smem:$0x3FFB];
	_ =	sdelay $0x3  }
0x92: {  	_ =	strace s17  }
0x93: {  	s2 =	sld [smem:$0x3FFC];
	_ =	sdelay $0x3  }
0x94: {  	_ =	strace s2  }
0x95: {  	s2 =	sld [smem:$0x3FFD];
	_ =	sdelay $0x3  }
0x96: {  	_ =	strace s2  }
0x97: {  	_ =	strace $0x8FFFFFFF  }
0x98: {  	s18 =	sld [smem:$0x3FDB];
	_ =	sdelay $0x1  }
0x99: {  	s19 =	simm.s32 $_scs_section_size  }
0x9a: {  	s4 =	simm.s32 $_size__tile_overlayer_lowered;
	s5 =	simm.s32 $_tile_overlayer_lowered  }
0x9b: {  	s22 =	simm.s32 $0x1BFF;
	s21 =	sshll.u32 s5, $0x1;
	s2 =	sadd.s32 s19, s18  }
0x9c: {  	s6 =	simm.s32 $0x0;
	s20 =	sshll.u32 s4, $0x1;
	s4 =	sadd.s32 s21, s2  }
0x9d: {  	[timem:s6], [sflag:s22] =	dma.local [hbm:s4], s20  }
0x9e: {  	_ =	swait.ge [sflag:s22], s20  }
0x9f: {  	s3 =	ssub.s32 $0x0, s20;
	[sflag:s22] =	ssyncset.done $0x0  }
0xa0: {  	[sflag:s22] =	ssyncadd.s32 s3;
	_ =	sdelay $0x1  }
0xa1: {  	s23 =	simm.s32 $0x1B8B  }
0xa2: {  	_ =	swait.ge [sflag:s23], $0x1  }
0xa3: {  	[sflag:s23] =	ssyncset.done $0x0  }
0xa4: {  	s25 =	simm.s32 $0x1B8E;
	s24 =	sld [smem:$0x3FFE];
	[sflag:s23] =	ssyncadd.s32 $0xFFFFFFFF  }
0xa5: {  	s26 =	simm.s32 $execute0_lowered;
	[smem:$0x3FD2] =	sst s25  }
0xa6: {  	s4 =	sshll.u32 s26, $0x1;
	_ =	strace $0x8000004F;
	[dreg:$0x1] =	wrdreg $0xFFFFFFFF  }
0xa7: {  	s28 =	simm.s32 $_size_execute0_lowered;
	s2 =	sadd.s32 s2, s4;
	[dreg:$0x0] =	wrdreg $0x0  }
0xa8: {  	s4 =	sshll.u32 s28, $0x1;
	[dreg:$0x2] =	wrdreg s2  }
0xa9: {  	[dreg:$0x3] =	wrdreg s4  }
0xaa: {  	[dreg:$0x4] =	wrdreg $0xC0  }
0xab: {  	_ =	task [dreg:s6], $0x5FFFF  }
0xac: {  	[dreg:$0x1] =	wrdreg $0xFFFFFFFF  }
0xad: {  	[dreg:$0x0] =	wrdreg $0x60  }
0xae: {  	[dreg:$0x2] =	wrdreg s24  }
0xaf: {  	[dreg:$0x3] =	wrdreg $0x90000  }
0xb0: {  	[dreg:$0x4] =	wrdreg $0x9  }
0xb1: {  	_ =	task.clear_ibuf [dreg:s6], $0x5FFFF;
	_ =	strace $0x9000004F  }
0xb2: {  	s29 =	simm.s32 $0x9;
	_ =	strace $0x80000051  }
0xb3: {  	_ =	swait.ge [sflag:s29], $0x1  }
0xb4: {  	[sflag:s29] =	ssyncadd.s32 $0xFFFFFFFF  }
0xb5: {  	_ =	strace $0x90000051  }
0xb6: {  	_ =	sfence  }
0xb7: {  	s30 =	sld [smem:$0x0];
	_ =	sdelay $0x2  }
0xb8: {  	s31 =	sshll.u32 s1, $0xD;
	s1 =	sshrl.u32 s1, $0x2  }
0xb9: {  	s3 =	sand.u32 $0x4000, s31;
	s1 =	sadd.s32 s1, s30  }
0xba: {  	s0 =	sor.u32 s3, s0;
	s1 =	sshll.u32 s1, $0x11  }
0xbb: {  	s0 =	sor.u32 s1, s0  }
0xbc: {  	s0 =	sadd.s32 $0x8F2B, s0  }
0xbd: {  	[sflag:s0] =	ssyncadd.remote.s32 $0x1  }
0xbe: {  	_ =	sfence.sel $0xFFFF  }
0xbf: {  	[dreg:$0x0] =	wrdreg $0xFFFFFFFF;
	(pc) =	sbr.abs _section_cstart, $3  }
0xc0: {  	[dreg:$0x1] =	wrdreg $0xFFFFFFFF  }
0xc1: {  	_ =	task.clear_ibuf [dreg:s6], $0x2FFFF;
	_ =	strace $0x9FFFFFFF  }
0xc2: {  	(tm) =	ssettm $0x7FFFFFFF  }
0xc3: {  	_ =	shalt  }
tec
execute0_lowered:
.L_overlay_start_1:
0x0: {  	(tag) =	ssettag $0x1  }
0x1: {  	s1 =	srdreg.scid;
	s5 =	rddreg [dreg:$0x0]  }
0x2: {  	s0 =	stileid.u32;
	s2 =	rddreg [dreg:$0x1];
	s3 =	simm.s32 $0x0  }
0x3: {  	s14 =	simm.s32 $0x80;
	s15 =	simm.s32 $0x5000;
	s16 =	simm.s32 $0x1  }
0x4: {  	s17 =	simm.s32 $0x0;
	s6 =	sand.u32 $0x1, s1;
	s1 =	rddreg [dreg:$0x2]  }
0x5: {  	s26 =	sshll.u32 s0, $0x1;
	[smem:$0x7FF] =	sst s3;
	s8 =	smul.u32 $0x14000, s0  }
0x6: {  	s29 =	smul.u32 $0x50000, s0;
	s31 =	sshll.u32 s0, $0x6;
	s4 =	sor.u32 s6, s26  }
0x7: {  	_ =	strace $0x80000050;
	s9 =	smul.u32 $0x140000, s6;
	s6 =	ssub.s32 $0x2, s6  }
0x8: {  	s7 =	smul.u32 $0x500, s4;
	s4 =	sadd.s32 $0x43800, s5;
	s28 =	sshrl.u32 s8, $0x3  }
0x9: {  	s11 =	sshrl.u32 s6, $0x1;
	s30 =	sshrl.u32 s29, $0x2;
	s8 =	sadd.s32 s8, s9  }
0xa: {  	s11 =	ssub.s32 s6, s11;
	s13 =	sadd.s32 s30, s2;
	s6 =	sor.u32 $0x1C02, s31  }
0xb: {  	s10 =	sadd.s32 s7, s5;
	s7 =	sadd.s32 s28, s5;
	s8 =	sshrl.u32 s8, $0x3  }
0xc: {  	s12 =	sadd.s32 s8, s5;
	s5 =	sadd.s32 $0x1B800, s7;
	s7 =	sadd.s32 $0x11800, s10  }
0xd: {  	s8 =	sadd.s32 $0x7800, s10;
	s10 =	smax.u32 s11, $0x1;
	s11 =	sshrl.u32 s13, $0x3  }
0xe: {  	s13 =	simm.s32 $0x2800;
	s9 =	sadd.s32 $0xE3800, s12;
	s12 =	simm.s32 $0x2  }
.LBB2_1:
0xf: {  	[spmem:s11], [sflag:s6] =	dma.local [hbm:s5], $0x2800  }
0x10: {  	_ =	swait.ge [sflag:s12], $0x2800  }
0x11: {  	[sflag:s12] =	ssyncset.done $0x0  }
0x12: {  	[sflag:s12] =	ssyncadd.s32 $0xFFFFD800  }
0x13: {  	[tilespmem:s3], [sflag:$0x2] =	stream.linear.gather [hbm4b:s7+s3], $0x2780, $0x38;
	[tilespmem:$0x1D000] =	vst v63  }
0x14: {  	_ =	swait.ge [sflag:s12], $0x2780  }
0x15: {  	[sflag:s12] =	ssyncset.done $0x0  }
0x16: {  	[sflag:s12] =	ssyncadd.s32 $0xFFFFD880  }
0x17: {  	[tilespmem:s13], [sflag:$0x2] =	stream.linear.gather [hbm4b:s8+s3], $0x2780, $0x38;
	[tilespmem:$0x1D000] =	vst v63  }
0x18: {  	_ =	swait.ge [sflag:s12], $0x2780  }
0x19: {  	[sflag:s12] =	ssyncset.done $0x0  }
0x1a: {  	[sflag:s12] =	ssyncadd.s32 $0xFFFFD880  }
0x1b: {  	s18 =	simm.s32 $0x0;
	[bflag:$0x0] =	sbarrier.arrive $0xFFFF  }
0x1c: {  	[tilespmem:s15], [sflag:$0x1] =	stream.indirect.gather [hbm4b:s4+s14], $0x80, s18, s14, $0xb8;
	[tilespmem:$0x1D000] =	vst v63  }
0x1d: {  	_ =	swait.ge [sflag:s16], $0x4000  }
0x1e: {  	[sflag:s16] =	ssyncset.done $0x0  }
0x1f: {  	s31 =	simm.s32 $0x2800;
	[sflag:s16] =	ssyncadd.s32 $0xFFFFC000  }
0x20: {  	[spmem:s2] =	stream.indirect.scatter.add.f32 [tilespmem:s15], [sflag:$0x2], $0x80, s31, s14, $0xb8;
	[tilespmem:$0x1D000] =	vst v63  }
0x21: {  	_ =	swait.ge [sflag:s12], $0x4000  }
0x22: {  	s19 =	simm.s32 $0x400;
	s18 =	simm.s32 $0x200;
	[sflag:s12] =	ssyncset.done $0x0  }
.LBB2_2:
0x23: {  	s20 =	sshra.s32 s18, $0x2  }
0x24: {  	[sflag:s12] =	ssyncadd.s32 $0xFFFFC000;
	s18 =	smov.u32 s19;
	s21 =	sadd.s32 $0x200, s19  }
0x25: {  	[tilespmem:s15], [sflag:$0x1] =	stream.indirect.gather [hbm4b:s4+s14], $0x80, s20, s14, $0xb8;
	[tilespmem:$0x1D000] =	vst v63  }
0x26: {  	p0 =	sne.s32 s19, $0x9C00;
	_ =	swait.ge [sflag:s16], $0x4000  }
.Ltmp0:
0x27: {  	[sflag:s16] =	ssyncset.done $0x0;
	(pc) =	sbr.rel @p0 .LBB2_2-.Ltmp0, $4  }
0x28: {  	s19 =	sadd.s32 $0x2800, s20;
	[sflag:s16] =	ssyncadd.s32 $0xFFFFC000  }
0x29: {  	[spmem:s2] =	stream.indirect.scatter.add.f32 [tilespmem:s15], [sflag:$0x2], $0x80, s19, s14, $0xb8;
	[tilespmem:$0x1D000] =	vst v63  }
0x2a: {  	_ =	swait.ge [sflag:s12], $0x4000  }
0x2b: {  	s19 =	smov.u32 s21;
	[sflag:s12] =	ssyncset.done $0x0  }
0x2c: {  	s18 =	sshra.s32 s18, $0x2;
	[sflag:s12] =	ssyncadd.s32 $0xFFFFC000  }
0x2d: {  	[tilespmem:s15], [sflag:$0x1] =	stream.indirect.gather [hbm4b:s4+s14], $0x80, s18, s14, $0xb8;
	[tilespmem:$0x1D000] =	vst v63  }
0x2e: {  	_ =	swait.ge [sflag:s16], $0x4000  }
0x2f: {  	[sflag:s16] =	ssyncset.done $0x0  }
0x30: {  	s18 =	sadd.s32 $0x2800, s18;
	[sflag:s16] =	ssyncadd.s32 $0xFFFFC000  }
0x31: {  	[spmem:s2] =	stream.indirect.scatter.add.f32 [tilespmem:s15], [sflag:$0x2], $0x80, s18, s14, $0xb8;
	[tilespmem:$0x1D000] =	vst v63  }
0x32: {  	_ =	swait.ge [sflag:s12], $0x4000  }
0x33: {  	s17 =	sadd.s32 $0x1, s17;
	[sflag:s12] =	ssyncset.done $0x0  }
0x34: {  	p0 =	sne.s32 s17, s10;
	[sflag:s12] =	ssyncadd.s32 $0xFFFFC000  }
.Ltmp1:
0x35: {  	[bflag:$0x0] =	sbarrier.arrive $0xFFFF;
	(pc) =	sbr.rel @p0 .LBB2_1-.Ltmp1, $4  }
0x36: {  	[hbm:s9], [sflag:s6] =	dma.local [spmem:s11], $0x2800  }
0x37: {  	_ =	swait.ge [sflag:s12], $0x2800  }
0x38: {  	[sflag:s12] =	ssyncset.done $0x0  }
0x39: {  	[sflag:s12] =	ssyncadd.s32 $0xFFFFD800  }
0x3a: {  	_ =	sfence.sel $0x180000  }
0x3b: {  	[bflag:$0x0] =	sbarrier.arrive $0xFFFF  }
0x3c: {  	p0 =	sne.s32 s0, $0x0;
	_ =	strace $0x90000050  }
0x3d: {  	s0 =	sadd.s32 @!p0 $0x100000, s1;
	[bflag:$0x2] =	sbarrier.arrive $0xFFFF  }
0x3e: {  	[sflag:s0] =	ssyncadd.tile.s32 @!p0 $0x1;
	_ =	shalt  }
.Lfunc_end2:
_tile_overlayer_lowered:
.L_overlay_start_2:
0x3f: {  	(tag) =	ssettag $0x2  }
0x40: {  	s0 =	rddreg [dreg:$0x0];
	s2 =	stileid.u32  }
0x41: {  	s1 =	rddreg [dreg:$0x1];
	p0 =	sne.s32 s2, $0x0  }
0x42: {  	s3 =	rddreg [dreg:$0x2];
	[bflag:$0x3] =	sbarrier.arrive $0xFFFF;
	s2 =	simm.s32 @!p0 $0x1C02  }
0x43: {  	[timem:s3], [sflag:s2] =	dma.local @!p0 [hbm:s0], s1  }
0x44: {  	s0 =	simm.s32 @!p0 $0x2  }
0x45: {  	_ =	swait.ge @!p0 [sflag:s0], s1  }
0x46: {  	s1 =	ssub.s32 @!p0 $0x0, s1;
	[sflag:s0] =	ssyncset.done @!p0 $0x0  }
0x47: {  	[sflag:s0] =	ssyncadd.s32 @!p0 s1  }
0x48: {  	[bflag:$0x3] =	sbarrier.arrive $0xFFFF  }
0x49: {  	_ =	shalt  }

// kernel: kernel.26.cloned.1.call-start
scs
__scs_entry_jumppad:
0x0: {  	(pc) =	sbr.rel $0x88, $3  }
0x1: {  	(tag) =	ssettag $0x0;
	lr =	simm.s32 $0x1  }
0x2: {  	[smem:$0x3F8B] =	sst lr;
	_ =	strace $0xD0000000  }
0x3: {  	_ = 	snop  }
0x4: {  	_ = 	snop  }
0x5: {  	_ = 	snop  }
0x6: {  	_ = 	snop  }
0x7: {  	_ = 	snop  }
__scs_overlays_trampoline_lowered:
0x8: {  	[smem:$0x3F9A] =	sst s0  }
0x9: {  	[smem:$0x3F9B] =	sst s1  }
0xa: {  	[smem:$0x3F9C] =	sst s2  }
0xb: {  	[smem:$0x3F9D] =	sst s3  }
0xc: {  	[smem:$0x3F9E] =	sst s4  }
0xd: {  	[smem:$0x3F9F] =	sst s5  }
0xe: {  	[smem:$0x3FA0] =	sst s6  }
0xf: {  	[smem:$0x3FA1] =	sst s7  }
0x10: {  	[smem:$0x3FA2] =	sst s8  }
0x11: {  	[smem:$0x3FA3] =	sst s9;
	s0 =	simm.s32 @!p0 $0x0  }
0x12: {  	s1 =	sld [smem:$0x3F89];
	s0 =	simm.s32 @p0 $0x1  }
0x13: {  	[smem:$0x3FA4] =	sst s0;
	s0 =	simm.s32 @!p1 $0x0  }
0x14: {  	s2 =	sld [smem:$0x3F88];
	s0 =	simm.s32 @p1 $0x1  }
0x15: {  	[smem:$0x3FA5] =	sst s0;
	s0 =	simm.s32 @!p2 $0x0  }
0x16: {  	s3 =	sld [smem:$0x3FDB];
	s0 =	simm.s32 @p2 $0x1  }
0x17: {  	s4 =	simm.s32 $0x1BF5;
	[smem:$0x3FA7] =	sst s0  }
0x18: {  	s0 =	sld [smem:$0x3F8A];
	_ =	swait.ge [sflag:s4], $0x0  }
0x19: {  	s7 =	sld [smem:$0x3F8B]  }
0x1a: {  	s8 =	sadd.s32 $0xFFFFE003, lr  }
0x1b: {  	s9 =	sadd.s32 $0xFFFFFEF7, lr;
	s5 =	simm.s32 $0xFFFFFFFF;
	p2 =	slt.u32 s8, $0xFFFFF086  }
0x1c: {  	p1 =	slt.u32 s9, $0xF7A;
	s5 =	simm.s32 @!p2 $0x0  }
0x1d: {  	s5 =	simm.s32 @p1 $0x1;
	p0 =	seq.s32 s7, s2  }
0x1e: {  	s7 =	smul.u32 @!p0 $0xF7A, s2;
	p2 =	seq.s32 @!p0 s5, $0x0  }
0x1f: {  	s9 =	smul.u32 $0xF7A, s1;
	s8 =	simm.s32 @!p0 $0x1BF5;
	p2 =	por !p2, p0  }
0x20: {  	[sflag:s8] =	ssyncset.s32 @!p0 $0xFFFFF086;
	s6 =	sadd.s32 @!p0 s3, s7;
	s7 =	simm.s32 @!p0 $0x108  }
0x21: {  	s3 =	sadd.s32 s3, s9;
	s6 =	sadd.s32 @!p0 $0x88, s6;
	s7 =	simm.s32 @p2 $0x1082  }
0x22: {  	[simem:s7], [sflag:s8] =	dma.local @!p0 [hbm:s6], $0xF7A  }
0x23: {  	s9 =	sor.u32 $0xD0000000, s2;
	s6 =	simm.s32 $0x108;
	_ =	swait.ge @!p0 [sflag:s8], $0x0  }
0x24: {  	s3 =	sadd.s32 $0x88, s3;
	s6 =	simm.s32 @!p1 $0x1082;
	[sflag:s4] =	ssyncset.s32 $0xFFFFF086  }
0x25: {  	[simem:s6], [sflag:s4] =	dma.local [hbm:s3], $0xF7A  }
0x26: {  	[smem:$0x3F8B] =	sst s1;
	(tag) =	ssettag s2;
	_ =	strace s9  }
0x27: {  	s1 =	sld [smem:$0x3F9B]  }
0x28: {  	s2 =	sld [smem:$0x3F9C]  }
0x29: {  	s4 =	sld [smem:$0x3F9E]  }
0x2a: {  	p0 =	seq.s32 s5, $0x0;
	s5 =	sld [smem:$0x3F9F]  }
0x2b: {  	s6 =	sld [smem:$0x3FA0]  }
0x2c: {  	s7 =	sld [smem:$0x3FA1]  }
0x2d: {  	s3 =	simm.s32 $0x108;
	s8 =	sld [smem:$0x3FA2]  }
0x2e: {  	s3 =	simm.s32 @!p0 $0x1082;
	s9 =	sld [smem:$0x3FA3]  }
0x2f: {  	lr =	sadd.s32 s0, s3;
	s0 =	sld [smem:$0x3F9A]  }
0x30: {  	s3 =	sld [smem:$0x3F9D]  }
0x31: {  	[smem:$0x3FA6] =	sst s10  }
0x32: {  	s10 =	sld [smem:$0x3FA4];
	_ =	sdelay $0x3  }
0x33: {  	p0 =	seq.s32 s10, $0x1;
	s10 =	sld [smem:$0x3FA6];
	_ =	sdelay $0x3  }
0x34: {  	[smem:$0x3FA6] =	sst s10  }
0x35: {  	s10 =	sld [smem:$0x3FA5];
	_ =	sdelay $0x3  }
0x36: {  	p1 =	seq.s32 s10, $0x1;
	s10 =	sld [smem:$0x3FA6];
	_ =	sdelay $0x3  }
0x37: {  	[smem:$0x3FA6] =	sst s10  }
0x38: {  	s10 =	sld [smem:$0x3FA7]  }
0x39: {  	_ = 	snop;
	(pc) =	sbr.ind lr, $3  }
0x3a: {  	_ = 	snop  }
0x3b: {  	_ = 	snop  }
0x3c: {  	p2 =	seq.s32 s10, $0x1;
	s10 =	sld [smem:$0x3FA6]  }
0x3d: {  	_ =	shalt  }
0x3e: {  	_ =	shalt  }
0x3f: {  	_ =	shalt  }
0x40: {  	_ =	shalt  }
0x41: {  	_ =	shalt  }
0x42: {  	_ =	shalt  }
0x43: {  	_ =	shalt  }
0x44: {  	_ =	shalt  }
0x45: {  	_ =	shalt  }
0x46: {  	_ =	shalt  }
0x47: {  	_ =	shalt  }
0x48: {  	_ =	shalt  }
0x49: {  	_ =	shalt  }
0x4a: {  	_ =	shalt  }
0x4b: {  	_ =	shalt  }
0x4c: {  	_ =	shalt  }
0x4d: {  	_ =	shalt  }
0x4e: {  	_ =	shalt  }
0x4f: {  	_ =	shalt  }
0x50: {  	_ =	shalt  }
0x51: {  	_ =	shalt  }
0x52: {  	_ =	shalt  }
0x53: {  	_ =	shalt  }
0x54: {  	_ =	shalt  }
0x55: {  	_ =	shalt  }
0x56: {  	_ =	shalt  }
0x57: {  	_ =	shalt  }
0x58: {  	_ =	shalt  }
0x59: {  	_ =	shalt  }
0x5a: {  	_ =	shalt  }
0x5b: {  	_ =	shalt  }
0x5c: {  	_ =	shalt  }
0x5d: {  	_ =	shalt  }
0x5e: {  	_ =	shalt  }
0x5f: {  	_ =	shalt  }
0x60: {  	_ =	shalt  }
0x61: {  	_ =	shalt  }
0x62: {  	_ =	shalt  }
0x63: {  	_ =	shalt  }
0x64: {  	_ =	shalt  }
0x65: {  	_ =	shalt  }
0x66: {  	_ =	shalt  }
0x67: {  	_ =	shalt  }
0x68: {  	_ =	shalt  }
0x69: {  	_ =	shalt  }
0x6a: {  	_ =	shalt  }
0x6b: {  	_ =	shalt  }
0x6c: {  	_ =	shalt  }
0x6d: {  	_ =	shalt  }
0x6e: {  	_ =	shalt  }
0x6f: {  	_ =	shalt  }
0x70: {  	_ =	shalt  }
0x71: {  	_ =	shalt  }
0x72: {  	_ =	shalt  }
0x73: {  	_ =	shalt  }
0x74: {  	_ =	shalt  }
0x75: {  	_ =	shalt  }
0x76: {  	_ =	shalt  }
0x77: {  	_ =	shalt  }
0x78: {  	_ =	shalt  }
0x79: {  	_ =	shalt  }
0x7a: {  	_ =	shalt  }
0x7b: {  	_ =	shalt  }
0x7c: {  	_ =	shalt  }
0x7d: {  	_ =	shalt  }
0x7e: {  	_ =	shalt  }
0x7f: {  	_ =	shalt  }
0x80: {  	_ =	shalt  }
0x81: {  	_ =	shalt  }
0x82: {  	_ =	shalt  }
0x83: {  	_ =	shalt  }
0x84: {  	_ =	shalt  }
0x85: {  	_ =	shalt  }
0x86: {  	_ =	shalt  }
0x87: {  	_ =	shalt  }
.Lfunc_end0:
.L_simem_size_0:
called_computation.4_lowered:
.L_overlay_start_0:
0x88: {  	s2 =	sld [smem:$0x3FD9]  }
0x89: {  	s3 =	sld [smem:$0x3FFE];
	_ =	sdelay $0x1  }
0x8a: {  	s1 =	srdreg.scid  }
0x8b: {  	s0 =	sand.u32 $0x1, s1  }
0x8c: {  	s16 =	sshll.u32 s0, $0xA;
	s2 =	sadd.s32 s3, s2  }
0x8d: {  	s2 =	sadd.s32 s2, s16  }
0x8e: {  	[smem:$0x3FB2] =	sst s2  }
0x8f: {  	_ = 	snop  }
0x90: {  	(tm) =	ssettm $0x1  }
0x91: {  	s17 =	sld [smem:$0x3FFB];
	_ =	sdelay $0x3  }
0x92: {  	_ =	strace s17  }
0x93: {  	s2 =	sld [smem:$0x3FFC];
	_ =	sdelay $0x3  }
0x94: {  	_ =	strace s2  }
0x95: {  	s2 =	sld [smem:$0x3FFD];
	_ =	sdelay $0x3  }
0x96: {  	_ =	strace s2  }
0x97: {  	_ =	strace $0x8FFFFFFF  }
0x98: {  	s18 =	sld [smem:$0x3FDB];
	_ =	sdelay $0x1  }
0x99: {  	s19 =	simm.s32 $_scs_section_size  }
0x9a: {  	s4 =	simm.s32 $_size__tile_overlayer_lowered;
	s5 =	simm.s32 $_tile_overlayer_lowered  }
0x9b: {  	s22 =	simm.s32 $0x1BFF;
	s21 =	sshll.u32 s5, $0x1;
	s2 =	sadd.s32 s19, s18  }
0x9c: {  	s6 =	simm.s32 $0x0;
	s20 =	sshll.u32 s4, $0x1;
	s4 =	sadd.s32 s21, s2  }
0x9d: {  	[timem:s6], [sflag:s22] =	dma.local [hbm:s4], s20  }
0x9e: {  	_ =	swait.ge [sflag:s22], s20  }
0x9f: {  	s3 =	ssub.s32 $0x0, s20;
	[sflag:s22] =	ssyncset.done $0x0  }
0xa0: {  	[sflag:s22] =	ssyncadd.s32 s3;
	_ =	sdelay $0x1  }
0xa1: {  	s23 =	simm.s32 $0x1B8B  }
0xa2: {  	_ =	swait.ge [sflag:s23], $0x1  }
0xa3: {  	[sflag:s23] =	ssyncset.done $0x0  }
0xa4: {  	s25 =	simm.s32 $0x1B8E;
	s24 =	sld [smem:$0x3FFE];
	[sflag:s23] =	ssyncadd.s32 $0xFFFFFFFF  }
0xa5: {  	s26 =	simm.s32 $execute0_lowered;
	[smem:$0x3FD2] =	sst s25  }
0xa6: {  	s4 =	sshll.u32 s26, $0x1;
	_ =	strace $0x80000052;
	[dreg:$0x1] =	wrdreg $0xFFFFFFFF  }
0xa7: {  	s28 =	simm.s32 $_size_execute0_lowered;
	s2 =	sadd.s32 s2, s4;
	[dreg:$0x0] =	wrdreg $0x0  }
0xa8: {  	s4 =	sshll.u32 s28, $0x1;
	[dreg:$0x2] =	wrdreg s2  }
0xa9: {  	[dreg:$0x3] =	wrdreg s4  }
0xaa: {  	[dreg:$0x4] =	wrdreg $0xC0  }
0xab: {  	_ =	task [dreg:s6], $0x5FFFF  }
0xac: {  	[dreg:$0x1] =	wrdreg $0xFFFFFFFF  }
0xad: {  	[dreg:$0x0] =	wrdreg $0x60  }
0xae: {  	[dreg:$0x2] =	wrdreg s24  }
0xaf: {  	[dreg:$0x3] =	wrdreg $0x90000  }
0xb0: {  	[dreg:$0x4] =	wrdreg $0x9  }
0xb1: {  	_ =	task.clear_ibuf [dreg:s6], $0x5FFFF;
	_ =	strace $0x90000052  }
0xb2: {  	s29 =	simm.s32 $0x9;
	_ =	strace $0x80000054  }
0xb3: {  	_ =	swait.ge [sflag:s29], $0x1  }
0xb4: {  	[sflag:s29] =	ssyncadd.s32 $0xFFFFFFFF  }
0xb5: {  	_ =	strace $0x90000054  }
0xb6: {  	_ =	sfence  }
0xb7: {  	s30 =	sld [smem:$0x0];
	_ =	sdelay $0x2  }
0xb8: {  	s31 =	sshll.u32 s1, $0xD;
	s1 =	sshrl.u32 s1, $0x2  }
0xb9: {  	s3 =	sand.u32 $0x4000, s31;
	s1 =	sadd.s32 s1, s30  }
0xba: {  	s0 =	sor.u32 s3, s0;
	s1 =	sshll.u32 s1, $0x11  }
0xbb: {  	s0 =	sor.u32 s1, s0  }
0xbc: {  	s0 =	sadd.s32 $0x8F2B, s0  }
0xbd: {  	[sflag:s0] =	ssyncadd.remote.s32 $0x1  }
0xbe: {  	_ =	sfence.sel $0xFFFF  }
0xbf: {  	[dreg:$0x0] =	wrdreg $0xFFFFFFFF;
	(pc) =	sbr.abs _section_cstart, $3  }
0xc0: {  	[dreg:$0x1] =	wrdreg $0xFFFFFFFF  }
0xc1: {  	_ =	task.clear_ibuf [dreg:s6], $0x2FFFF;
	_ =	strace $0x9FFFFFFF  }
0xc2: {  	(tm) =	ssettm $0x7FFFFFFF  }
0xc3: {  	_ =	shalt  }
tec
execute0_lowered:
.L_overlay_start_1:
0x0: {  	(tag) =	ssettag $0x1  }
0x1: {  	s1 =	srdreg.scid;
	s5 =	rddreg [dreg:$0x0]  }
0x2: {  	s0 =	stileid.u32;
	s2 =	rddreg [dreg:$0x1];
	s3 =	simm.s32 $0x0  }
0x3: {  	s14 =	simm.s32 $0x80;
	s15 =	simm.s32 $0x5000;
	s16 =	simm.s32 $0x1  }
0x4: {  	s17 =	simm.s32 $0x0;
	s6 =	sand.u32 $0x1, s1;
	s1 =	rddreg [dreg:$0x2]  }
0x5: {  	s26 =	sshll.u32 s0, $0x1;
	[smem:$0x7FF] =	sst s3;
	s8 =	smul.u32 $0x14000, s0  }
0x6: {  	s29 =	smul.u32 $0x50000, s0;
	s31 =	sshll.u32 s0, $0x6;
	s4 =	sor.u32 s6, s26  }
0x7: {  	_ =	strace $0x80000053;
	s9 =	smul.u32 $0x140000, s6;
	s6 =	ssub.s32 $0x2, s6  }
0x8: {  	s7 =	smul.u32 $0x500, s4;
	s4 =	sadd.s32 $0x43800, s5;
	s28 =	sshrl.u32 s8, $0x3  }
0x9: {  	s11 =	sshrl.u32 s6, $0x1;
	s30 =	sshrl.u32 s29, $0x2;
	s8 =	sadd.s32 s8, s9  }
0xa: {  	s11 =	ssub.s32 s6, s11;
	s13 =	sadd.s32 s30, s2;
	s6 =	sor.u32 $0x1C02, s31  }
0xb: {  	s10 =	sadd.s32 s7, s5;
	s7 =	sadd.s32 s28, s5;
	s8 =	sshrl.u32 s8, $0x3  }
0xc: {  	s12 =	sadd.s32 s8, s5;
	s5 =	sadd.s32 $0x1B800, s7;
	s7 =	sadd.s32 $0x11800, s10  }
0xd: {  	s8 =	sadd.s32 $0x7800, s10;
	s10 =	smax.u32 s11, $0x1;
	s11 =	sshrl.u32 s13, $0x3  }
0xe: {  	s13 =	simm.s32 $0x2800;
	s9 =	sadd.s32 $0xE3800, s12;
	s12 =	simm.s32 $0x2  }
.LBB2_1:
0xf: {  	[spmem:s11], [sflag:s6] =	dma.local [hbm:s5], $0x2800  }
0x10: {  	_ =	swait.ge [sflag:s12], $0x2800  }
0x11: {  	[sflag:s12] =	ssyncset.done $0x0  }
0x12: {  	[sflag:s12] =	ssyncadd.s32 $0xFFFFD800  }
0x13: {  	[tilespmem:s3], [sflag:$0x2] =	stream.linear.gather [hbm4b:s7+s3], $0x2780, $0x38;
	[tilespmem:$0x1D000] =	vst v63  }
0x14: {  	_ =	swait.ge [sflag:s12], $0x2780  }
0x15: {  	[sflag:s12] =	ssyncset.done $0x0  }
0x16: {  	[sflag:s12] =	ssyncadd.s32 $0xFFFFD880  }
0x17: {  	[tilespmem:s13], [sflag:$0x2] =	stream.linear.gather [hbm4b:s8+s3], $0x2780, $0x38;
	[tilespmem:$0x1D000] =	vst v63  }
0x18: {  	_ =	swait.ge [sflag:s12], $0x2780  }
0x19: {  	[sflag:s12] =	ssyncset.done $0x0  }
0x1a: {  	[sflag:s12] =	ssyncadd.s32 $0xFFFFD880  }
0x1b: {  	s18 =	simm.s32 $0x0;
	[bflag:$0x0] =	sbarrier.arrive $0xFFFF  }
0x1c: {  	[tilespmem:s15], [sflag:$0x1] =	stream.indirect.gather [hbm4b:s4+s14], $0x80, s18, s14, $0xb8;
	[tilespmem:$0x1D000] =	vst v63  }
0x1d: {  	_ =	swait.ge [sflag:s16], $0x4000  }
0x1e: {  	[sflag:s16] =	ssyncset.done $0x0  }
0x1f: {  	s31 =	simm.s32 $0x2800;
	[sflag:s16] =	ssyncadd.s32 $0xFFFFC000  }
0x20: {  	[spmem:s2] =	stream.indirect.scatter.add.f32 [tilespmem:s15], [sflag:$0x2], $0x80, s31, s14, $0xb8;
	[tilespmem:$0x1D000] =	vst v63  }
0x21: {  	_ =	swait.ge [sflag:s12], $0x4000  }
0x22: {  	s19 =	simm.s32 $0x400;
	s18 =	simm.s32 $0x200;
	[sflag:s12] =	ssyncset.done $0x0  }
.LBB2_2:
0x23: {  	s20 =	sshra.s32 s18, $0x2  }
0x24: {  	[sflag:s12] =	ssyncadd.s32 $0xFFFFC000;
	s18 =	smov.u32 s19;
	s21 =	sadd.s32 $0x200, s19  }
0x25: {  	[tilespmem:s15], [sflag:$0x1] =	stream.indirect.gather [hbm4b:s4+s14], $0x80, s20, s14, $0xb8;
	[tilespmem:$0x1D000] =	vst v63  }
0x26: {  	p0 =	sne.s32 s19, $0x9C00;
	_ =	swait.ge [sflag:s16], $0x4000  }
.Ltmp0:
0x27: {  	[sflag:s16] =	ssyncset.done $0x0;
	(pc) =	sbr.rel @p0 .LBB2_2-.Ltmp0, $4  }
0x28: {  	s19 =	sadd.s32 $0x2800, s20;
	[sflag:s16] =	ssyncadd.s32 $0xFFFFC000  }
0x29: {  	[spmem:s2] =	stream.indirect.scatter.add.f32 [tilespmem:s15], [sflag:$0x2], $0x80, s19, s14, $0xb8;
	[tilespmem:$0x1D000] =	vst v63  }
0x2a: {  	_ =	swait.ge [sflag:s12], $0x4000  }
0x2b: {  	s19 =	smov.u32 s21;
	[sflag:s12] =	ssyncset.done $0x0  }
0x2c: {  	s18 =	sshra.s32 s18, $0x2;
	[sflag:s12] =	ssyncadd.s32 $0xFFFFC000  }
0x2d: {  	[tilespmem:s15], [sflag:$0x1] =	stream.indirect.gather [hbm4b:s4+s14], $0x80, s18, s14, $0xb8;
	[tilespmem:$0x1D000] =	vst v63  }
0x2e: {  	_ =	swait.ge [sflag:s16], $0x4000  }
0x2f: {  	[sflag:s16] =	ssyncset.done $0x0  }
0x30: {  	s18 =	sadd.s32 $0x2800, s18;
	[sflag:s16] =	ssyncadd.s32 $0xFFFFC000  }
0x31: {  	[spmem:s2] =	stream.indirect.scatter.add.f32 [tilespmem:s15], [sflag:$0x2], $0x80, s18, s14, $0xb8;
	[tilespmem:$0x1D000] =	vst v63  }
0x32: {  	_ =	swait.ge [sflag:s12], $0x4000  }
0x33: {  	s17 =	sadd.s32 $0x1, s17;
	[sflag:s12] =	ssyncset.done $0x0  }
0x34: {  	p0 =	sne.s32 s17, s10;
	[sflag:s12] =	ssyncadd.s32 $0xFFFFC000  }
.Ltmp1:
0x35: {  	[bflag:$0x0] =	sbarrier.arrive $0xFFFF;
	(pc) =	sbr.rel @p0 .LBB2_1-.Ltmp1, $4  }
0x36: {  	[hbm:s9], [sflag:s6] =	dma.local [spmem:s11], $0x2800  }
0x37: {  	_ =	swait.ge [sflag:s12], $0x2800  }
0x38: {  	[sflag:s12] =	ssyncset.done $0x0  }
0x39: {  	[sflag:s12] =	ssyncadd.s32 $0xFFFFD800  }
0x3a: {  	_ =	sfence.sel $0x180000  }
0x3b: {  	[bflag:$0x0] =	sbarrier.arrive $0xFFFF  }
0x3c: {  	p0 =	sne.s32 s0, $0x0;
	_ =	strace $0x90000053  }
0x3d: {  	s0 =	sadd.s32 @!p0 $0x100000, s1;
	[bflag:$0x2] =	sbarrier.arrive $0xFFFF  }
0x3e: {  	[sflag:s0] =	ssyncadd.tile.s32 @!p0 $0x1;
	_ =	shalt  }
.Lfunc_end2:
_tile_overlayer_lowered:
.L_overlay_start_2:
0x3f: {  	(tag) =	ssettag $0x2  }
0x40: {  	s0 =	rddreg [dreg:$0x0];
	s2 =	stileid.u32  }
0x41: {  	s1 =	rddreg [dreg:$0x1];
	p0 =	sne.s32 s2, $0x0  }
0x42: {  	s3 =	rddreg [dreg:$0x2];
	[bflag:$0x3] =	sbarrier.arrive $0xFFFF;
	s2 =	simm.s32 @!p0 $0x1C02  }
0x43: {  	[timem:s3], [sflag:s2] =	dma.local @!p0 [hbm:s0], s1  }
0x44: {  	s0 =	simm.s32 @!p0 $0x2  }
0x45: {  	_ =	swait.ge @!p0 [sflag:s0], s1  }
0x46: {  	s1 =	ssub.s32 @!p0 $0x0, s1;
	[sflag:s0] =	ssyncset.done @!p0 $0x0  }
0x47: {  	[sflag:s0] =	ssyncadd.s32 @!p0 s1  }
0x48: {  	[bflag:$0x3] =	sbarrier.arrive $0xFFFF  }
0x49: {  	_ =	shalt  }

// kernel: kernel.29.cloned.1.call-start
scs
__scs_entry_jumppad:
0x0: {  	(pc) =	sbr.rel $0x88, $3  }
0x1: {  	(tag) =	ssettag $0x0;
	lr =	simm.s32 $0x1  }
0x2: {  	[smem:$0x3F8B] =	sst lr;
	_ =	strace $0xD0000000  }
0x3: {  	_ = 	snop  }
0x4: {  	_ = 	snop  }
0x5: {  	_ = 	snop  }
0x6: {  	_ = 	snop  }
0x7: {  	_ = 	snop  }
__scs_overlays_trampoline_lowered:
0x8: {  	[smem:$0x3F9A] =	sst s0  }
0x9: {  	[smem:$0x3F9B] =	sst s1  }
0xa: {  	[smem:$0x3F9C] =	sst s2  }
0xb: {  	[smem:$0x3F9D] =	sst s3  }
0xc: {  	[smem:$0x3F9E] =	sst s4  }
0xd: {  	[smem:$0x3F9F] =	sst s5  }
0xe: {  	[smem:$0x3FA0] =	sst s6  }
0xf: {  	[smem:$0x3FA1] =	sst s7  }
0x10: {  	[smem:$0x3FA2] =	sst s8  }
0x11: {  	[smem:$0x3FA3] =	sst s9;
	s0 =	simm.s32 @!p0 $0x0  }
0x12: {  	s1 =	sld [smem:$0x3F89];
	s0 =	simm.s32 @p0 $0x1  }
0x13: {  	[smem:$0x3FA4] =	sst s0;
	s0 =	simm.s32 @!p1 $0x0  }
0x14: {  	s2 =	sld [smem:$0x3F88];
	s0 =	simm.s32 @p1 $0x1  }
0x15: {  	[smem:$0x3FA5] =	sst s0;
	s0 =	simm.s32 @!p2 $0x0  }
0x16: {  	s3 =	sld [smem:$0x3FDB];
	s0 =	simm.s32 @p2 $0x1  }
0x17: {  	s4 =	simm.s32 $0x1BF5;
	[smem:$0x3FA7] =	sst s0  }
0x18: {  	s0 =	sld [smem:$0x3F8A];
	_ =	swait.ge [sflag:s4], $0x0  }
0x19: {  	s7 =	sld [smem:$0x3F8B]  }
0x1a: {  	s8 =	sadd.s32 $0xFFFFE003, lr  }
0x1b: {  	s9 =	sadd.s32 $0xFFFFFEF7, lr;
	s5 =	simm.s32 $0xFFFFFFFF;
	p2 =	slt.u32 s8, $0xFFFFF086  }
0x1c: {  	p1 =	slt.u32 s9, $0xF7A;
	s5 =	simm.s32 @!p2 $0x0  }
0x1d: {  	s5 =	simm.s32 @p1 $0x1;
	p0 =	seq.s32 s7, s2  }
0x1e: {  	s7 =	smul.u32 @!p0 $0xF7A, s2;
	p2 =	seq.s32 @!p0 s5, $0x0  }
0x1f: {  	s9 =	smul.u32 $0xF7A, s1;
	s8 =	simm.s32 @!p0 $0x1BF5;
	p2 =	por !p2, p0  }
0x20: {  	[sflag:s8] =	ssyncset.s32 @!p0 $0xFFFFF086;
	s6 =	sadd.s32 @!p0 s3, s7;
	s7 =	simm.s32 @!p0 $0x108  }
0x21: {  	s3 =	sadd.s32 s3, s9;
	s6 =	sadd.s32 @!p0 $0x88, s6;
	s7 =	simm.s32 @p2 $0x1082  }
0x22: {  	[simem:s7], [sflag:s8] =	dma.local @!p0 [hbm:s6], $0xF7A  }
0x23: {  	s9 =	sor.u32 $0xD0000000, s2;
	s6 =	simm.s32 $0x108;
	_ =	swait.ge @!p0 [sflag:s8], $0x0  }
0x24: {  	s3 =	sadd.s32 $0x88, s3;
	s6 =	simm.s32 @!p1 $0x1082;
	[sflag:s4] =	ssyncset.s32 $0xFFFFF086  }
0x25: {  	[simem:s6], [sflag:s4] =	dma.local [hbm:s3], $0xF7A  }
0x26: {  	[smem:$0x3F8B] =	sst s1;
	(tag) =	ssettag s2;
	_ =	strace s9  }
0x27: {  	s1 =	sld [smem:$0x3F9B]  }
0x28: {  	s2 =	sld [smem:$0x3F9C]  }
0x29: {  	s4 =	sld [smem:$0x3F9E]  }
0x2a: {  	p0 =	seq.s32 s5, $0x0;
	s5 =	sld [smem:$0x3F9F]  }
0x2b: {  	s6 =	sld [smem:$0x3FA0]  }
0x2c: {  	s7 =	sld [smem:$0x3FA1]  }
0x2d: {  	s3 =	simm.s32 $0x108;
	s8 =	sld [smem:$0x3FA2]  }
0x2e: {  	s3 =	simm.s32 @!p0 $0x1082;
	s9 =	sld [smem:$0x3FA3]  }
0x2f: {  	lr =	sadd.s32 s0, s3;
	s0 =	sld [smem:$0x3F9A]  }
0x30: {  	s3 =	sld [smem:$0x3F9D]  }
0x31: {  	[smem:$0x3FA6] =	sst s10  }
0x32: {  	s10 =	sld [smem:$0x3FA4];
	_ =	sdelay $0x3  }
0x33: {  	p0 =	seq.s32 s10, $0x1;
	s10 =	sld [smem:$0x3FA6];
	_ =	sdelay $0x3  }
0x34: {  	[smem:$0x3FA6] =	sst s10  }
0x35: {  	s10 =	sld [smem:$0x3FA5];
	_ =	sdelay $0x3  }
0x36: {  	p1 =	seq.s32 s10, $0x1;
	s10 =	sld [smem:$0x3FA6];
	_ =	sdelay $0x3  }
0x37: {  	[smem:$0x3FA6] =	sst s10  }
0x38: {  	s10 =	sld [smem:$0x3FA7]  }
0x39: {  	_ = 	snop;
	(pc) =	sbr.ind lr, $3  }
0x3a: {  	_ = 	snop  }
0x3b: {  	_ = 	snop  }
0x3c: {  	p2 =	seq.s32 s10, $0x1;
	s10 =	sld [smem:$0x3FA6]  }
0x3d: {  	_ =	shalt  }
0x3e: {  	_ =	shalt  }
0x3f: {  	_ =	shalt  }
0x40: {  	_ =	shalt  }
0x41: {  	_ =	shalt  }
0x42: {  	_ =	shalt  }
0x43: {  	_ =	shalt  }
0x44: {  	_ =	shalt  }
0x45: {  	_ =	shalt  }
0x46: {  	_ =	shalt  }
0x47: {  	_ =	shalt  }
0x48: {  	_ =	shalt  }
0x49: {  	_ =	shalt  }
0x4a: {  	_ =	shalt  }
0x4b: {  	_ =	shalt  }
0x4c: {  	_ =	shalt  }
0x4d: {  	_ =	shalt  }
0x4e: {  	_ =	shalt  }
0x4f: {  	_ =	shalt  }
0x50: {  	_ =	shalt  }
0x51: {  	_ =	shalt  }
0x52: {  	_ =	shalt  }
0x53: {  	_ =	shalt  }
0x54: {  	_ =	shalt  }
0x55: {  	_ =	shalt  }
0x56: {  	_ =	shalt  }
0x57: {  	_ =	shalt  }
0x58: {  	_ =	shalt  }
0x59: {  	_ =	shalt  }
0x5a: {  	_ =	shalt  }
0x5b: {  	_ =	shalt  }
0x5c: {  	_ =	shalt  }
0x5d: {  	_ =	shalt  }
0x5e: {  	_ =	shalt  }
0x5f: {  	_ =	shalt  }
0x60: {  	_ =	shalt  }
0x61: {  	_ =	shalt  }
0x62: {  	_ =	shalt  }
0x63: {  	_ =	shalt  }
0x64: {  	_ =	shalt  }
0x65: {  	_ =	shalt  }
0x66: {  	_ =	shalt  }
0x67: {  	_ =	shalt  }
0x68: {  	_ =	shalt  }
0x69: {  	_ =	shalt  }
0x6a: {  	_ =	shalt  }
0x6b: {  	_ =	shalt  }
0x6c: {  	_ =	shalt  }
0x6d: {  	_ =	shalt  }
0x6e: {  	_ =	shalt  }
0x6f: {  	_ =	shalt  }
0x70: {  	_ =	shalt  }
0x71: {  	_ =	shalt  }
0x72: {  	_ =	shalt  }
0x73: {  	_ =	shalt  }
0x74: {  	_ =	shalt  }
0x75: {  	_ =	shalt  }
0x76: {  	_ =	shalt  }
0x77: {  	_ =	shalt  }
0x78: {  	_ =	shalt  }
0x79: {  	_ =	shalt  }
0x7a: {  	_ =	shalt  }
0x7b: {  	_ =	shalt  }
0x7c: {  	_ =	shalt  }
0x7d: {  	_ =	shalt  }
0x7e: {  	_ =	shalt  }
0x7f: {  	_ =	shalt  }
0x80: {  	_ =	shalt  }
0x81: {  	_ =	shalt  }
0x82: {  	_ =	shalt  }
0x83: {  	_ =	shalt  }
0x84: {  	_ =	shalt  }
0x85: {  	_ =	shalt  }
0x86: {  	_ =	shalt  }
0x87: {  	_ =	shalt  }
.Lfunc_end0:
.L_simem_size_0:
called_computation.5_lowered:
.L_overlay_start_0:
0x88: {  	s2 =	sld [smem:$0x3FD9]  }
0x89: {  	s3 =	sld [smem:$0x3FFE];
	_ =	sdelay $0x1  }
0x8a: {  	s1 =	srdreg.scid  }
0x8b: {  	s0 =	sand.u32 $0x1, s1  }
0x8c: {  	s16 =	sshll.u32 s0, $0xA;
	s2 =	sadd.s32 s3, s2  }
0x8d: {  	s2 =	sadd.s32 s2, s16  }
0x8e: {  	[smem:$0x3FB2] =	sst s2  }
0x8f: {  	_ = 	snop  }
0x90: {  	(tm) =	ssettm $0x1  }
0x91: {  	s17 =	sld [smem:$0x3FFB];
	_ =	sdelay $0x3  }
0x92: {  	_ =	strace s17  }
0x93: {  	s2 =	sld [smem:$0x3FFC];
	_ =	sdelay $0x3  }
0x94: {  	_ =	strace s2  }
0x95: {  	s2 =	sld [smem:$0x3FFD];
	_ =	sdelay $0x3  }
0x96: {  	_ =	strace s2  }
0x97: {  	_ =	strace $0x8FFFFFFF  }
0x98: {  	s18 =	sld [smem:$0x3FDB];
	_ =	sdelay $0x1  }
0x99: {  	s19 =	simm.s32 $_scs_section_size  }
0x9a: {  	s4 =	simm.s32 $_size__tile_overlayer_lowered;
	s5 =	simm.s32 $_tile_overlayer_lowered  }
0x9b: {  	s22 =	simm.s32 $0x1BFF;
	s21 =	sshll.u32 s5, $0x1;
	s2 =	sadd.s32 s19, s18  }
0x9c: {  	s6 =	simm.s32 $0x0;
	s20 =	sshll.u32 s4, $0x1;
	s4 =	sadd.s32 s21, s2  }
0x9d: {  	[timem:s6], [sflag:s22] =	dma.local [hbm:s4], s20  }
0x9e: {  	_ =	swait.ge [sflag:s22], s20  }
0x9f: {  	s3 =	ssub.s32 $0x0, s20;
	[sflag:s22] =	ssyncset.done $0x0  }
0xa0: {  	[sflag:s22] =	ssyncadd.s32 s3;
	_ =	sdelay $0x1  }
0xa1: {  	s23 =	simm.s32 $0x1B8B  }
0xa2: {  	_ =	swait.ge [sflag:s23], $0x1  }
0xa3: {  	[sflag:s23] =	ssyncset.done $0x0  }
0xa4: {  	s25 =	simm.s32 $0x1B8E;
	s24 =	sld [smem:$0x3FFE];
	[sflag:s23] =	ssyncadd.s32 $0xFFFFFFFF  }
0xa5: {  	s26 =	simm.s32 $execute0_lowered;
	[smem:$0x3FD2] =	sst s25  }
0xa6: {  	s4 =	sshll.u32 s26, $0x1;
	_ =	strace $0x80000055;
	[dreg:$0x1] =	wrdreg $0xFFFFFFFF  }
0xa7: {  	s28 =	simm.s32 $_size_execute0_lowered;
	s2 =	sadd.s32 s2, s4;
	[dreg:$0x0] =	wrdreg $0x0  }
0xa8: {  	s4 =	sshll.u32 s28, $0x1;
	[dreg:$0x2] =	wrdreg s2  }
0xa9: {  	[dreg:$0x3] =	wrdreg s4  }
0xaa: {  	[dreg:$0x4] =	wrdreg $0xC0  }
0xab: {  	_ =	task [dreg:s6], $0x5FFFF  }
0xac: {  	[dreg:$0x1] =	wrdreg $0xFFFFFFFF  }
0xad: {  	[dreg:$0x0] =	wrdreg $0x60  }
0xae: {  	[dreg:$0x2] =	wrdreg s24  }
0xaf: {  	[dreg:$0x3] =	wrdreg $0x90000  }
0xb0: {  	[dreg:$0x4] =	wrdreg $0x9  }
0xb1: {  	_ =	task.clear_ibuf [dreg:s6], $0x5FFFF;
	_ =	strace $0x90000055  }
0xb2: {  	s29 =	simm.s32 $0x9;
	_ =	strace $0x80000057  }
0xb3: {  	_ =	swait.ge [sflag:s29], $0x1  }
0xb4: {  	[sflag:s29] =	ssyncadd.s32 $0xFFFFFFFF  }
0xb5: {  	_ =	strace $0x90000057  }
0xb6: {  	_ =	sfence  }
0xb7: {  	s30 =	sld [smem:$0x0];
	_ =	sdelay $0x2  }
0xb8: {  	s31 =	sshll.u32 s1, $0xD;
	s1 =	sshrl.u32 s1, $0x2  }
0xb9: {  	s3 =	sand.u32 $0x4000, s31;
	s1 =	sadd.s32 s1, s30  }
0xba: {  	s0 =	sor.u32 s3, s0;
	s1 =	sshll.u32 s1, $0x11  }
0xbb: {  	s0 =	sor.u32 s1, s0  }
0xbc: {  	s0 =	sadd.s32 $0x8F2B, s0  }
0xbd: {  	[sflag:s0] =	ssyncadd.remote.s32 $0x1  }
0xbe: {  	_ =	sfence.sel $0xFFFF  }
0xbf: {  	[dreg:$0x0] =	wrdreg $0xFFFFFFFF;
	(pc) =	sbr.abs _section_cstart, $3  }
0xc0: {  	[dreg:$0x1] =	wrdreg $0xFFFFFFFF  }
0xc1: {  	_ =	task.clear_ibuf [dreg:s6], $0x2FFFF;
	_ =	strace $0x9FFFFFFF  }
0xc2: {  	(tm) =	ssettm $0x7FFFFFFF  }
0xc3: {  	_ =	shalt  }
tec
execute0_lowered:
.L_overlay_start_1:
0x0: {  	(tag) =	ssettag $0x1  }
0x1: {  	s1 =	srdreg.scid;
	s5 =	rddreg [dreg:$0x0]  }
0x2: {  	s0 =	stileid.u32;
	s2 =	rddreg [dreg:$0x1];
	s3 =	simm.s32 $0x0  }
0x3: {  	s14 =	simm.s32 $0x80;
	s15 =	simm.s32 $0x5000;
	s16 =	simm.s32 $0x1  }
0x4: {  	s17 =	simm.s32 $0x0;
	s6 =	sand.u32 $0x1, s1;
	s1 =	rddreg [dreg:$0x2]  }
0x5: {  	s26 =	sshll.u32 s0, $0x1;
	[smem:$0x7FF] =	sst s3;
	s8 =	smul.u32 $0x14000, s0  }
0x6: {  	s29 =	smul.u32 $0x50000, s0;
	s31 =	sshll.u32 s0, $0x6;
	s4 =	sor.u32 s6, s26  }
0x7: {  	_ =	strace $0x80000056;
	s9 =	smul.u32 $0x140000, s6;
	s6 =	ssub.s32 $0x2, s6  }
0x8: {  	s7 =	smul.u32 $0x500, s4;
	s4 =	sadd.s32 $0x43800, s5;
	s28 =	sshrl.u32 s8, $0x3  }
0x9: {  	s11 =	sshrl.u32 s6, $0x1;
	s30 =	sshrl.u32 s29, $0x2;
	s8 =	sadd.s32 s8, s9  }
0xa: {  	s11 =	ssub.s32 s6, s11;
	s13 =	sadd.s32 s30, s2;
	s6 =	sor.u32 $0x1C02, s31  }
0xb: {  	s10 =	sadd.s32 s7, s5;
	s7 =	sadd.s32 s28, s5;
	s8 =	sshrl.u32 s8, $0x3  }
0xc: {  	s12 =	sadd.s32 s8, s5;
	s5 =	sadd.s32 $0x1B800, s7;
	s7 =	sadd.s32 $0x11800, s10  }
0xd: {  	s8 =	sadd.s32 $0x7800, s10;
	s10 =	smax.u32 s11, $0x1;
	s11 =	sshrl.u32 s13, $0x3  }
0xe: {  	s13 =	simm.s32 $0x2800;
	s9 =	sadd.s32 $0xE3800, s12;
	s12 =	simm.s32 $0x2  }
.LBB2_1:
0xf: {  	[spmem:s11], [sflag:s6] =	dma.local [hbm:s5], $0x2800  }
0x10: {  	_ =	swait.ge [sflag:s12], $0x2800  }
0x11: {  	[sflag:s12] =	ssyncset.done $0x0  }
0x12: {  	[sflag:s12] =	ssyncadd.s32 $0xFFFFD800  }
0x13: {  	[tilespmem:s3], [sflag:$0x2] =	stream.linear.gather [hbm4b:s7+s3], $0x2780, $0x38;
	[tilespmem:$0x1D000] =	vst v63  }
0x14: {  	_ =	swait.ge [sflag:s12], $0x2780  }
0x15: {  	[sflag:s12] =	ssyncset.done $0x0  }
0x16: {  	[sflag:s12] =	ssyncadd.s32 $0xFFFFD880  }
0x17: {  	[tilespmem:s13], [sflag:$0x2] =	stream.linear.gather [hbm4b:s8+s3], $0x2780, $0x38;
	[tilespmem:$0x1D000] =	vst v63  }
0x18: {  	_ =	swait.ge [sflag:s12], $0x2780  }
0x19: {  	[sflag:s12] =	ssyncset.done $0x0  }
0x1a: {  	[sflag:s12] =	ssyncadd.s32 $0xFFFFD880  }
0x1b: {  	s18 =	simm.s32 $0x0;
	[bflag:$0x0] =	sbarrier.arrive $0xFFFF  }
0x1c: {  	[tilespmem:s15], [sflag:$0x1] =	stream.indirect.gather [hbm4b:s4+s14], $0x80, s18, s14, $0xb8;
	[tilespmem:$0x1D000] =	vst v63  }
0x1d: {  	_ =	swait.ge [sflag:s16], $0x4000  }
0x1e: {  	[sflag:s16] =	ssyncset.done $0x0  }
0x1f: {  	s31 =	simm.s32 $0x2800;
	[sflag:s16] =	ssyncadd.s32 $0xFFFFC000  }
0x20: {  	[spmem:s2] =	stream.indirect.scatter.add.f32 [tilespmem:s15], [sflag:$0x2], $0x80, s31, s14, $0xb8;
	[tilespmem:$0x1D000] =	vst v63  }
0x21: {  	_ =	swait.ge [sflag:s12], $0x4000  }
0x22: {  	s19 =	simm.s32 $0x400;
	s18 =	simm.s32 $0x200;
	[sflag:s12] =	ssyncset.done $0x0  }
.LBB2_2:
0x23: {  	s20 =	sshra.s32 s18, $0x2  }
0x24: {  	[sflag:s12] =	ssyncadd.s32 $0xFFFFC000;
	s18 =	smov.u32 s19;
	s21 =	sadd.s32 $0x200, s19  }
0x25: {  	[tilespmem:s15], [sflag:$0x1] =	stream.indirect.gather [hbm4b:s4+s14], $0x80, s20, s14, $0xb8;
	[tilespmem:$0x1D000] =	vst v63  }
0x26: {  	p0 =	sne.s32 s19, $0x9C00;
	_ =	swait.ge [sflag:s16], $0x4000  }
.Ltmp0:
0x27: {  	[sflag:s16] =	ssyncset.done $0x0;
	(pc) =	sbr.rel @p0 .LBB2_2-.Ltmp0, $4  }
0x28: {  	s19 =	sadd.s32 $0x2800, s20;
	[sflag:s16] =	ssyncadd.s32 $0xFFFFC000  }
0x29: {  	[spmem:s2] =	stream.indirect.scatter.add.f32 [tilespmem:s15], [sflag:$0x2], $0x80, s19, s14, $0xb8;
	[tilespmem:$0x1D000] =	vst v63  }
0x2a: {  	_ =	swait.ge [sflag:s12], $0x4000  }
0x2b: {  	s19 =	smov.u32 s21;
	[sflag:s12] =	ssyncset.done $0x0  }
0x2c: {  	s18 =	sshra.s32 s18, $0x2;
	[sflag:s12] =	ssyncadd.s32 $0xFFFFC000  }
0x2d: {  	[tilespmem:s15], [sflag:$0x1] =	stream.indirect.gather [hbm4b:s4+s14], $0x80, s18, s14, $0xb8;
	[tilespmem:$0x1D000] =	vst v63  }
0x2e: {  	_ =	swait.ge [sflag:s16], $0x4000  }
0x2f: {  	[sflag:s16] =	ssyncset.done $0x0  }
0x30: {  	s18 =	sadd.s32 $0x2800, s18;
	[sflag:s16] =	ssyncadd.s32 $0xFFFFC000  }
0x31: {  	[spmem:s2] =	stream.indirect.scatter.add.f32 [tilespmem:s15], [sflag:$0x2], $0x80, s18, s14, $0xb8;
	[tilespmem:$0x1D000] =	vst v63  }
0x32: {  	_ =	swait.ge [sflag:s12], $0x4000  }
0x33: {  	s17 =	sadd.s32 $0x1, s17;
	[sflag:s12] =	ssyncset.done $0x0  }
0x34: {  	p0 =	sne.s32 s17, s10;
	[sflag:s12] =	ssyncadd.s32 $0xFFFFC000  }
.Ltmp1:
0x35: {  	[bflag:$0x0] =	sbarrier.arrive $0xFFFF;
	(pc) =	sbr.rel @p0 .LBB2_1-.Ltmp1, $4  }
0x36: {  	[hbm:s9], [sflag:s6] =	dma.local [spmem:s11], $0x2800  }
0x37: {  	_ =	swait.ge [sflag:s12], $0x2800  }
0x38: {  	[sflag:s12] =	ssyncset.done $0x0  }
0x39: {  	[sflag:s12] =	ssyncadd.s32 $0xFFFFD800  }
0x3a: {  	_ =	sfence.sel $0x180000  }
0x3b: {  	[bflag:$0x0] =	sbarrier.arrive $0xFFFF  }
0x3c: {  	p0 =	sne.s32 s0, $0x0;
	_ =	strace $0x90000056  }
0x3d: {  	s0 =	sadd.s32 @!p0 $0x100000, s1;
	[bflag:$0x2] =	sbarrier.arrive $0xFFFF  }
0x3e: {  	[sflag:s0] =	ssyncadd.tile.s32 @!p0 $0x1;
	_ =	shalt  }
.Lfunc_end2:
_tile_overlayer_lowered:
.L_overlay_start_2:
0x3f: {  	(tag) =	ssettag $0x2  }
0x40: {  	s0 =	rddreg [dreg:$0x0];
	s2 =	stileid.u32  }
0x41: {  	s1 =	rddreg [dreg:$0x1];
	p0 =	sne.s32 s2, $0x0  }
0x42: {  	s3 =	rddreg [dreg:$0x2];
	[bflag:$0x3] =	sbarrier.arrive $0xFFFF;
	s2 =	simm.s32 @!p0 $0x1C02  }
0x43: {  	[timem:s3], [sflag:s2] =	dma.local @!p0 [hbm:s0], s1  }
0x44: {  	s0 =	simm.s32 @!p0 $0x2  }
0x45: {  	_ =	swait.ge @!p0 [sflag:s0], s1  }
0x46: {  	s1 =	ssub.s32 @!p0 $0x0, s1;
	[sflag:s0] =	ssyncset.done @!p0 $0x0  }
0x47: {  	[sflag:s0] =	ssyncadd.s32 @!p0 s1  }
0x48: {  	[bflag:$0x3] =	sbarrier.arrive $0xFFFF  }
0x49: {  	_ =	shalt  }

</sc_bundles>
